<compile_context>
chip_gen: v7x
topology: tpu7x:2x2x1
jax: 0.10.2.dev20260603
libtpu: 0.0.44.dev20260713+nightly
codegen_flags: <defaults>
</compile_context>

<pallas_src>
import functools

import jax
import jax.numpy as jnp
from jax import lax
from jax.experimental import pallas as pl
from jax.experimental.pallas import tpu as pltpu
from jax.experimental.pallas import tpu_sc as plsc

VOCAB = 100000
D = 128
B = 1024
L = 200

NC = 2
NS = 16
NW = NC * NS
PB = 8
BB = 4
PP = L // PB
BP = B // BB
BLK = 128
NB = PP * BP // BLK
GROUPS = D // 16
NBUF = 6
PD = 5


def _body(xg_hbm, oidx_hbm, posw_hbm, tok_hbm, out_hbm,
          gidx_v, oidx_v, pos_v,
          t0, t1, t2, t3, t4, t5,
          g0, g1, g2, g3, g4, g5,
          s0, s1, s2, s3, s4, s5):
    bufs = (t0, t1, t2, t3, t4, t5)
    gsem = (g0, g1, g2, g3, g4, g5)
    ssem = (s0, s1, s2, s3, s4, s5)
    wid = lax.axis_index("s") * NC + lax.axis_index("c")
    pb = wid // BB
    pltpu.sync_copy(xg_hbm.at[wid], gidx_v)
    pltpu.sync_copy(oidx_hbm.at[wid], oidx_v)
    pltpu.sync_copy(posw_hbm.at[pb], pos_v)

    def start_gather(k, b):
        pltpu.async_copy(tok_hbm.at[gidx_v.at[k // 2, k % 2]],
                         bufs[b], gsem[b])

    def wait_gather(b):
        pltpu.make_async_copy(tok_hbm.at[pl.ds(0, BLK)], bufs[b],
                              gsem[b]).wait()

    def start_store(k, b):
        pltpu.async_copy(bufs[b], out_hbm.at[oidx_v.at[k // 2, k % 2]],
                         ssem[b])

    def wait_store(b):
        pltpu.make_async_copy(bufs[b], out_hbm.at[pl.ds(0, BLK)],
                              ssem[b]).wait()

    for i in range(PD):
        start_gather(i, i)

    def slot(k, b):
        wait_gather(b)
        kp = k + PD
        bp = (b + PD) % NBUF

        @pl.when(kp < NB)
        def _():
            @pl.when(kp >= NBUF)
            def _():
                wait_store(bp)

            start_gather(kp, bp)

        buf = bufs[b]
        p = k // 2
        pvs = [pos_v[p, pl.ds(g * 16, 16)] for g in range(GROUPS)]

        def row_body(j, carry):
            for g in range(GROUPS):
                plsc.addupdate(buf.at[j, pl.ds(g * 16, 16)], pvs[g])
            return carry

        lax.fori_loop(0, BLK, row_body, 0, unroll=2)
        start_store(k, b)

    def group_body(g, carry):
        for b in range(NBUF):
            slot(g * NBUF + b, b)
        return carry

    lax.fori_loop(0, NB // NBUF, group_body, 0)
    slot(NB - 2, (NB - 2) % NBUF)
    slot(NB - 1, (NB - 1) % NBUF)
    for b in range(NBUF):
        wait_store(b)


@jax.jit
def _run(xg, oidx, posw, token_table):
    kern = functools.partial(
        pl.kernel,
        mesh=plsc.VectorSubcoreMesh(core_axis_name="c", subcore_axis_name="s"),
        compiler_params=pltpu.CompilerParams(use_tc_tiling_on_sc=False),
        out_type=jax.ShapeDtypeStruct((B * L, D), jnp.float32),
        scratch_types=(
            [pltpu.VMEM((PP, 2, BLK), jnp.int32),
             pltpu.VMEM((PP, 2, BLK), jnp.int32),
             pltpu.VMEM((PP, D), jnp.float32)]
            + [pltpu.VMEM((BLK, D), jnp.float32)] * NBUF
            + [pltpu.SemaphoreType.DMA] * (2 * NBUF)
        ),
    )(_body)
    return kern(xg, oidx, posw, token_table)


def kernel(x, token_table, pos_table):
    xt = x.astype(jnp.int32).T
    xg = (xt.reshape(PB, PP, BB, 2, BLK)
            .transpose(0, 2, 1, 3, 4)
            .reshape(NW, PP, 2, BLK))
    brow = (jnp.arange(BB)[:, None, None] * BP +
            jnp.arange(BP)[None, None, :])
    lcol = (jnp.arange(PB)[:, None, None, None] * PP +
            jnp.arange(PP)[None, None, :, None])
    oidx = (brow[None] * L + lcol).astype(jnp.int32)
    oidx = oidx.reshape(NW, PP, 2, BLK)
    posw = pos_table[:L].reshape(PB, PP, D)
    out = _run(xg, oidx, posw, token_table)
    return out.reshape(B, L, D)

# --- scband reference (transcript-rebuilt; emitter-appended) ---
"""Pipeline reference for scband-transformer-embedding-29944511987981 (READ-ONLY COPY).

The authoritative reference and input builder live on the scoring server;
editing this copy changes nothing except your own understanding.
"""

import jax, jax.numpy as jnp
import numpy as np

VOCAB = 100000
D_MODEL = 128
MAX_SEQ_LEN = 512
B = 1024
L = 200


def setup_inputs(seed: int = 0) -> dict:
    key = jax.random.key(seed)
    k1, k2, k3 = jax.random.split(key, 3)
    x = jax.random.randint(k1, (B, L), 0, VOCAB, dtype=jnp.int64) if jax.config.jax_enable_x64 else jax.random.randint(k1, (B, L), 0, VOCAB, dtype=jnp.int32)
    token_table = jax.random.normal(k2, (VOCAB, D_MODEL), dtype=jnp.float32)
    token_table = token_table.at[0].set(0.0)  # padding_idx=0
    pos_table = jax.random.normal(k3, (MAX_SEQ_LEN, D_MODEL), dtype=jnp.float32)
    return {"x": x, "token_table": token_table, "pos_table": pos_table}


def reference(x, token_table, pos_table):
    seq_len = x.shape[1]
    tok = jnp.take(token_table, x, axis=0)           # [B, L, D]
    positions = jnp.arange(seq_len)[None, :]          # [1, L]
    pos = jnp.take(pos_table, positions, axis=0)      # [1, L, D]
    out = tok + pos                                    # dropout p=0.0 -> identity
    return out

if __name__ == "__main__":
    import jax
    _d = setup_inputs()
    print(jax.jit(kernel)(*tuple(_d.values())))

</pallas_src>

<mosaic_0001>
#map = affine_map<(d0, d1) -> (0, 0, 0, 0)>
#map1 = affine_map<(d0, d1) -> (0, 0, 0)>
#map2 = affine_map<(d0, d1) -> (0, 0)>
module attributes {stable_mosaic.version = 14 : i64} {
  func.func @_body(%arg0: i32, %arg1: i32, %arg2: memref<32x25x2x128xi32, #tpu.memory_space<hbm>>, %arg3: memref<32x25x2x128xi32, #tpu.memory_space<hbm>>, %arg4: memref<8x25x128xf32, #tpu.memory_space<hbm>>, %arg5: memref<100000x128xf32, #tpu.memory_space<hbm>>, %arg6: memref<204800x128xf32, #tpu.memory_space<hbm>>, %arg7: memref<25x2x128xi32, #tpu.memory_space<vmem>>, %arg8: memref<25x2x128xi32, #tpu.memory_space<vmem>>, %arg9: memref<25x128xf32, #tpu.memory_space<vmem>>, %arg10: memref<128x128xf32, #tpu.memory_space<vmem>>, %arg11: memref<128x128xf32, #tpu.memory_space<vmem>>, %arg12: memref<128x128xf32, #tpu.memory_space<vmem>>, %arg13: memref<128x128xf32, #tpu.memory_space<vmem>>, %arg14: memref<128x128xf32, #tpu.memory_space<vmem>>, %arg15: memref<128x128xf32, #tpu.memory_space<vmem>>, %arg16: memref<!tpu.dma_semaphore, #tpu.memory_space<semaphore_mem>>, %arg17: memref<!tpu.dma_semaphore, #tpu.memory_space<semaphore_mem>>, %arg18: memref<!tpu.dma_semaphore, #tpu.memory_space<semaphore_mem>>, %arg19: memref<!tpu.dma_semaphore, #tpu.memory_space<semaphore_mem>>, %arg20: memref<!tpu.dma_semaphore, #tpu.memory_space<semaphore_mem>>, %arg21: memref<!tpu.dma_semaphore, #tpu.memory_space<semaphore_mem>>, %arg22: memref<!tpu.dma_semaphore, #tpu.memory_space<semaphore_mem>>, %arg23: memref<!tpu.dma_semaphore, #tpu.memory_space<semaphore_mem>>, %arg24: memref<!tpu.dma_semaphore, #tpu.memory_space<semaphore_mem>>, %arg25: memref<!tpu.dma_semaphore, #tpu.memory_space<semaphore_mem>>, %arg26: memref<!tpu.dma_semaphore, #tpu.memory_space<semaphore_mem>>, %arg27: memref<!tpu.dma_semaphore, #tpu.memory_space<semaphore_mem>>) attributes {dimension_semantics = [#tpu.dimension_semantics<core_parallel>, #tpu.dimension_semantics<subcore_parallel>], iteration_bounds = array<i64: 2, 16>, scalar_prefetch = 0 : i64, scratch_operands = 21 : i64, tpu.core_type = #tpu.core_type<sc_vector_subcore>, window_params = [{transform_indices = #map}, {transform_indices = #map}, {transform_indices = #map1}, {transform_indices = #map2}, {transform_indices = #map2}]} {
    %mul3A = arith.constant 2 : i32
    %mul3A_0 = arith.muli %arg1, %mul3A : i32
    %add3A = arith.addi %mul3A_0, %arg0 : i32
    %jit3A = arith.constant 4 : i32
    %div3A = arith.divsi %add3A, %jit3A : i32
    %sign3A = arith.constant 0 : i32
    %sign3A_1 = arith.cmpi sgt, %add3A, %sign3A : i32
    %sign3A_2 = arith.extui %sign3A_1 : i1 to i32
    %sign3A_3 = arith.constant 0 : i32
    %sign3A_4 = arith.cmpi slt, %add3A, %sign3A_3 : i32
    %sign3A_5 = arith.extui %sign3A_4 : i1 to i32
    %sign3A_6 = arith.subi %sign3A_2, %sign3A_5 : i32
    %sign3A_7 = arith.constant 0 : i32
    %sign3A_8 = arith.cmpi sgt, %jit3A, %sign3A_7 : i32
    %sign3A_9 = arith.extui %sign3A_8 : i1 to i32
    %sign3A_10 = arith.constant 0 : i32
    %sign3A_11 = arith.cmpi slt, %jit3A, %sign3A_10 : i32
    %sign3A_12 = arith.extui %sign3A_11 : i1 to i32
    %sign3A_13 = arith.subi %sign3A_9, %sign3A_12 : i32
    %ne3A = arith.cmpi ne, %sign3A_6, %sign3A_13 : i32
    %rem3A = arith.remsi %add3A, %jit3A : i32
    %ne3A_14 = arith.constant 0 : i32
    %ne3A_15 = arith.cmpi ne, %rem3A, %ne3A_14 : i32
    %and3A = arith.andi %ne3A, %ne3A_15 : i1
    %sub3A = arith.constant 1 : i32
    %sub3A_16 = arith.subi %div3A, %sub3A : i32
    %select_n3A = arith.select %and3A, %sub3A_16, %div3A : i32
    "tpu.region"() ({
      %run_scoped3A = tpu.sem_alloc : memref<!tpu.dma_semaphore, #tpu.memory_space<semaphore_mem>>
      %dma_start3A_215 = arith.constant 0 : i32
      %dma_start3A_216 = arith.constant 0 : i32
      %dma_start3A_217 = arith.constant 0 : i32
      %dma_start3A_218 = tpu.memref_slice %arg2[%add3A, %dma_start3A_215, %dma_start3A_216, %dma_start3A_217] : memref<32x25x2x128xi32, #tpu.memory_space<hbm>> -> memref<1x25x2x128xi32, #tpu.memory_space<hbm>>
      %dma_start3A_219 = tpu.memref_squeeze %dma_start3A_218 : memref<1x25x2x128xi32, #tpu.memory_space<hbm>> -> memref<25x2x128xi32, #tpu.memory_space<hbm>>
      %dma_start3A_220 = arith.constant 0 : i32
      %dma_start3A_221 = arith.constant 0 : i32
      %dma_start3A_222 = arith.constant 0 : i32
      %dma_start3A_223 = tpu.memref_slice %arg2[%add3A, %dma_start3A_220, %dma_start3A_221, %dma_start3A_222] : memref<32x25x2x128xi32, #tpu.memory_space<hbm>> -> memref<1x25x2x128xi32, #tpu.memory_space<hbm>>
      %dma_start3A_224 = tpu.memref_squeeze %dma_start3A_223 : memref<1x25x2x128xi32, #tpu.memory_space<hbm>> -> memref<25x2x128xi32, #tpu.memory_space<hbm>>
      tpu.enqueue_dma source(%dma_start3A_224 : memref<25x2x128xi32, #tpu.memory_space<hbm>>) target(%arg7 : memref<25x2x128xi32, #tpu.memory_space<vmem>>) target_semaphore(%run_scoped3A : memref<!tpu.dma_semaphore, #tpu.memory_space<semaphore_mem>>)
      %dma_wait3A_225 = arith.constant 0 : i32
      %dma_wait3A_226 = arith.constant 0 : i32
      %dma_wait3A_227 = arith.constant 0 : i32
      %dma_wait3A_228 = tpu.memref_slice %arg2[%add3A, %dma_wait3A_225, %dma_wait3A_226, %dma_wait3A_227] : memref<32x25x2x128xi32, #tpu.memory_space<hbm>> -> memref<1x25x2x128xi32, #tpu.memory_space<hbm>>
      %dma_wait3A_229 = tpu.memref_squeeze %dma_wait3A_228 : memref<1x25x2x128xi32, #tpu.memory_space<hbm>> -> memref<25x2x128xi32, #tpu.memory_space<hbm>>
      %dma_wait3A_230 = arith.constant 0 : i32
      %dma_wait3A_231 = arith.constant 0 : i32
      %dma_wait3A_232 = arith.constant 0 : i32
      %dma_wait3A_233 = tpu.memref_slice %arg2[%add3A, %dma_wait3A_230, %dma_wait3A_231, %dma_wait3A_232] : memref<32x25x2x128xi32, #tpu.memory_space<hbm>> -> memref<1x25x2x128xi32, #tpu.memory_space<hbm>>
      %dma_wait3A_234 = tpu.memref_squeeze %dma_wait3A_233 : memref<1x25x2x128xi32, #tpu.memory_space<hbm>> -> memref<25x2x128xi32, #tpu.memory_space<hbm>>
      tpu.wait_dma2 semaphore(%run_scoped3A : memref<!tpu.dma_semaphore, #tpu.memory_space<semaphore_mem>>) src(%dma_wait3A_234 : memref<25x2x128xi32, #tpu.memory_space<hbm>>) dst(%arg7 : memref<25x2x128xi32, #tpu.memory_space<vmem>>)
      tpu.yield
    }) : () -> ()
    "tpu.region"() ({
      %run_scoped3A = tpu.sem_alloc : memref<!tpu.dma_semaphore, #tpu.memory_space<semaphore_mem>>
      %dma_start3A_215 = arith.constant 0 : i32
      %dma_start3A_216 = arith.constant 0 : i32
      %dma_start3A_217 = arith.constant 0 : i32
      %dma_start3A_218 = tpu.memref_slice %arg3[%add3A, %dma_start3A_215, %dma_start3A_216, %dma_start3A_217] : memref<32x25x2x128xi32, #tpu.memory_space<hbm>> -> memref<1x25x2x128xi32, #tpu.memory_space<hbm>>
      %dma_start3A_219 = tpu.memref_squeeze %dma_start3A_218 : memref<1x25x2x128xi32, #tpu.memory_space<hbm>> -> memref<25x2x128xi32, #tpu.memory_space<hbm>>
      %dma_start3A_220 = arith.constant 0 : i32
      %dma_start3A_221 = arith.constant 0 : i32
      %dma_start3A_222 = arith.constant 0 : i32
      %dma_start3A_223 = tpu.memref_slice %arg3[%add3A, %dma_start3A_220, %dma_start3A_221, %dma_start3A_222] : memref<32x25x2x128xi32, #tpu.memory_space<hbm>> -> memref<1x25x2x128xi32, #tpu.memory_space<hbm>>
      %dma_start3A_224 = tpu.memref_squeeze %dma_start3A_223 : memref<1x25x2x128xi32, #tpu.memory_space<hbm>> -> memref<25x2x128xi32, #tpu.memory_space<hbm>>
      tpu.enqueue_dma source(%dma_start3A_224 : memref<25x2x128xi32, #tpu.memory_space<hbm>>) target(%arg8 : memref<25x2x128xi32, #tpu.memory_space<vmem>>) target_semaphore(%run_scoped3A : memref<!tpu.dma_semaphore, #tpu.memory_space<semaphore_mem>>)
      %dma_wait3A_225 = arith.constant 0 : i32
      %dma_wait3A_226 = arith.constant 0 : i32
      %dma_wait3A_227 = arith.constant 0 : i32
      %dma_wait3A_228 = tpu.memref_slice %arg3[%add3A, %dma_wait3A_225, %dma_wait3A_226, %dma_wait3A_227] : memref<32x25x2x128xi32, #tpu.memory_space<hbm>> -> memref<1x25x2x128xi32, #tpu.memory_space<hbm>>
      %dma_wait3A_229 = tpu.memref_squeeze %dma_wait3A_228 : memref<1x25x2x128xi32, #tpu.memory_space<hbm>> -> memref<25x2x128xi32, #tpu.memory_space<hbm>>
      %dma_wait3A_230 = arith.constant 0 : i32
      %dma_wait3A_231 = arith.constant 0 : i32
      %dma_wait3A_232 = arith.constant 0 : i32
      %dma_wait3A_233 = tpu.memref_slice %arg3[%add3A, %dma_wait3A_230, %dma_wait3A_231, %dma_wait3A_232] : memref<32x25x2x128xi32, #tpu.memory_space<hbm>> -> memref<1x25x2x128xi32, #tpu.memory_space<hbm>>
      %dma_wait3A_234 = tpu.memref_squeeze %dma_wait3A_233 : memref<1x25x2x128xi32, #tpu.memory_space<hbm>> -> memref<25x2x128xi32, #tpu.memory_space<hbm>>
      tpu.wait_dma2 semaphore(%run_scoped3A : memref<!tpu.dma_semaphore, #tpu.memory_space<semaphore_mem>>) src(%dma_wait3A_234 : memref<25x2x128xi32, #tpu.memory_space<hbm>>) dst(%arg8 : memref<25x2x128xi32, #tpu.memory_space<vmem>>)
      tpu.yield
    }) : () -> ()
    "tpu.region"() ({
      %run_scoped3A = tpu.sem_alloc : memref<!tpu.dma_semaphore, #tpu.memory_space<semaphore_mem>>
      %dma_start3A_215 = arith.constant 0 : i32
      %dma_start3A_216 = arith.constant 0 : i32
      %dma_start3A_217 = tpu.memref_slice %arg4[%select_n3A, %dma_start3A_215, %dma_start3A_216] : memref<8x25x128xf32, #tpu.memory_space<hbm>> -> memref<1x25x128xf32, #tpu.memory_space<hbm>>
      %dma_start3A_218 = tpu.memref_squeeze %dma_start3A_217 : memref<1x25x128xf32, #tpu.memory_space<hbm>> -> memref<25x128xf32, #tpu.memory_space<hbm>>
      %dma_start3A_219 = arith.constant 0 : i32
      %dma_start3A_220 = arith.constant 0 : i32
      %dma_start3A_221 = tpu.memref_slice %arg4[%select_n3A, %dma_start3A_219, %dma_start3A_220] : memref<8x25x128xf32, #tpu.memory_space<hbm>> -> memref<1x25x128xf32, #tpu.memory_space<hbm>>
      %dma_start3A_222 = tpu.memref_squeeze %dma_start3A_221 : memref<1x25x128xf32, #tpu.memory_space<hbm>> -> memref<25x128xf32, #tpu.memory_space<hbm>>
      tpu.enqueue_dma source(%dma_start3A_222 : memref<25x128xf32, #tpu.memory_space<hbm>>) target(%arg9 : memref<25x128xf32, #tpu.memory_space<vmem>>) target_semaphore(%run_scoped3A : memref<!tpu.dma_semaphore, #tpu.memory_space<semaphore_mem>>)
      %dma_wait3A_223 = arith.constant 0 : i32
      %dma_wait3A_224 = arith.constant 0 : i32
      %dma_wait3A_225 = tpu.memref_slice %arg4[%select_n3A, %dma_wait3A_223, %dma_wait3A_224] : memref<8x25x128xf32, #tpu.memory_space<hbm>> -> memref<1x25x128xf32, #tpu.memory_space<hbm>>
      %dma_wait3A_226 = tpu.memref_squeeze %dma_wait3A_225 : memref<1x25x128xf32, #tpu.memory_space<hbm>> -> memref<25x128xf32, #tpu.memory_space<hbm>>
      %dma_wait3A_227 = arith.constant 0 : i32
      %dma_wait3A_228 = arith.constant 0 : i32
      %dma_wait3A_229 = tpu.memref_slice %arg4[%select_n3A, %dma_wait3A_227, %dma_wait3A_228] : memref<8x25x128xf32, #tpu.memory_space<hbm>> -> memref<1x25x128xf32, #tpu.memory_space<hbm>>
      %dma_wait3A_230 = tpu.memref_squeeze %dma_wait3A_229 : memref<1x25x128xf32, #tpu.memory_space<hbm>> -> memref<25x128xf32, #tpu.memory_space<hbm>>
      tpu.wait_dma2 semaphore(%run_scoped3A : memref<!tpu.dma_semaphore, #tpu.memory_space<semaphore_mem>>) src(%dma_wait3A_230 : memref<25x128xf32, #tpu.memory_space<hbm>>) dst(%arg9 : memref<25x128xf32, #tpu.memory_space<vmem>>)
      tpu.yield
    }) : () -> ()
    %dma_start3A = arith.constant 0 : i32
    %dma_start3A_17 = arith.constant 0 : i32
    %dma_start3A_18 = arith.constant 0 : i32
    %dma_start3A_19 = tpu.memref_slice %arg7[%dma_start3A, %dma_start3A_17, %dma_start3A_18] : memref<25x2x128xi32, #tpu.memory_space<vmem>> -> memref<1x1x128xi32, #tpu.memory_space<vmem>>
    %dma_start3A_20 = tpu.memref_squeeze %dma_start3A_19 : memref<1x1x128xi32, #tpu.memory_space<vmem>> -> memref<128xi32, #tpu.memory_space<vmem>>
    %dma_start3A_21 = arith.constant 0 : i32
    %dma_start3A_22 = arith.constant 0 : i32
    %dma_start3A_23 = tpu.memref_slice %arg5[%dma_start3A_21, %dma_start3A_22] : memref<100000x128xf32, #tpu.memory_space<hbm>> -> memref<100000x128xf32, #tpu.memory_space<hbm>>
    tpu.enqueue_indirect_dma source(%dma_start3A_23 : memref<100000x128xf32, #tpu.memory_space<hbm>>) target(%arg10 : memref<128x128xf32, #tpu.memory_space<vmem>>) offsets(%dma_start3A_20 : memref<128xi32, #tpu.memory_space<vmem>>) semaphore(%arg16 : memref<!tpu.dma_semaphore, #tpu.memory_space<semaphore_mem>>)
    %dma_start3A_24 = arith.constant 0 : i32
    %dma_start3A_25 = arith.constant 1 : i32
    %dma_start3A_26 = arith.constant 0 : i32
    %dma_start3A_27 = tpu.memref_slice %arg7[%dma_start3A_24, %dma_start3A_25, %dma_start3A_26] : memref<25x2x128xi32, #tpu.memory_space<vmem>> -> memref<1x1x128xi32, #tpu.memory_space<vmem>>
    %dma_start3A_28 = tpu.memref_squeeze %dma_start3A_27 : memref<1x1x128xi32, #tpu.memory_space<vmem>> -> memref<128xi32, #tpu.memory_space<vmem>>
    %dma_start3A_29 = arith.constant 0 : i32
    %dma_start3A_30 = arith.constant 0 : i32
    %dma_start3A_31 = tpu.memref_slice %arg5[%dma_start3A_29, %dma_start3A_30] : memref<100000x128xf32, #tpu.memory_space<hbm>> -> memref<100000x128xf32, #tpu.memory_space<hbm>>
    tpu.enqueue_indirect_dma source(%dma_start3A_31 : memref<100000x128xf32, #tpu.memory_space<hbm>>) target(%arg11 : memref<128x128xf32, #tpu.memory_space<vmem>>) offsets(%dma_start3A_28 : memref<128xi32, #tpu.memory_space<vmem>>) semaphore(%arg17 : memref<!tpu.dma_semaphore, #tpu.memory_space<semaphore_mem>>)
    %dma_start3A_32 = arith.constant 1 : i32
    %dma_start3A_33 = arith.constant 0 : i32
    %dma_start3A_34 = arith.constant 0 : i32
    %dma_start3A_35 = tpu.memref_slice %arg7[%dma_start3A_32, %dma_start3A_33, %dma_start3A_34] : memref<25x2x128xi32, #tpu.memory_space<vmem>> -> memref<1x1x128xi32, #tpu.memory_space<vmem>>
    %dma_start3A_36 = tpu.memref_squeeze %dma_start3A_35 : memref<1x1x128xi32, #tpu.memory_space<vmem>> -> memref<128xi32, #tpu.memory_space<vmem>>
    %dma_start3A_37 = arith.constant 0 : i32
    %dma_start3A_38 = arith.constant 0 : i32
    %dma_start3A_39 = tpu.memref_slice %arg5[%dma_start3A_37, %dma_start3A_38] : memref<100000x128xf32, #tpu.memory_space<hbm>> -> memref<100000x128xf32, #tpu.memory_space<hbm>>
    tpu.enqueue_indirect_dma source(%dma_start3A_39 : memref<100000x128xf32, #tpu.memory_space<hbm>>) target(%arg12 : memref<128x128xf32, #tpu.memory_space<vmem>>) offsets(%dma_start3A_36 : memref<128xi32, #tpu.memory_space<vmem>>) semaphore(%arg18 : memref<!tpu.dma_semaphore, #tpu.memory_space<semaphore_mem>>)
    %dma_start3A_40 = arith.constant 1 : i32
    %dma_start3A_41 = arith.constant 1 : i32
    %dma_start3A_42 = arith.constant 0 : i32
    %dma_start3A_43 = tpu.memref_slice %arg7[%dma_start3A_40, %dma_start3A_41, %dma_start3A_42] : memref<25x2x128xi32, #tpu.memory_space<vmem>> -> memref<1x1x128xi32, #tpu.memory_space<vmem>>
    %dma_start3A_44 = tpu.memref_squeeze %dma_start3A_43 : memref<1x1x128xi32, #tpu.memory_space<vmem>> -> memref<128xi32, #tpu.memory_space<vmem>>
    %dma_start3A_45 = arith.constant 0 : i32
    %dma_start3A_46 = arith.constant 0 : i32
    %dma_start3A_47 = tpu.memref_slice %arg5[%dma_start3A_45, %dma_start3A_46] : memref<100000x128xf32, #tpu.memory_space<hbm>> -> memref<100000x128xf32, #tpu.memory_space<hbm>>
    tpu.enqueue_indirect_dma source(%dma_start3A_47 : memref<100000x128xf32, #tpu.memory_space<hbm>>) target(%arg13 : memref<128x128xf32, #tpu.memory_space<vmem>>) offsets(%dma_start3A_44 : memref<128xi32, #tpu.memory_space<vmem>>) semaphore(%arg19 : memref<!tpu.dma_semaphore, #tpu.memory_space<semaphore_mem>>)
    %dma_start3A_48 = arith.constant 2 : i32
    %dma_start3A_49 = arith.constant 0 : i32
    %dma_start3A_50 = arith.constant 0 : i32
    %dma_start3A_51 = tpu.memref_slice %arg7[%dma_start3A_48, %dma_start3A_49, %dma_start3A_50] : memref<25x2x128xi32, #tpu.memory_space<vmem>> -> memref<1x1x128xi32, #tpu.memory_space<vmem>>
    %dma_start3A_52 = tpu.memref_squeeze %dma_start3A_51 : memref<1x1x128xi32, #tpu.memory_space<vmem>> -> memref<128xi32, #tpu.memory_space<vmem>>
    %dma_start3A_53 = arith.constant 0 : i32
    %dma_start3A_54 = arith.constant 0 : i32
    %dma_start3A_55 = tpu.memref_slice %arg5[%dma_start3A_53, %dma_start3A_54] : memref<100000x128xf32, #tpu.memory_space<hbm>> -> memref<100000x128xf32, #tpu.memory_space<hbm>>
    tpu.enqueue_indirect_dma source(%dma_start3A_55 : memref<100000x128xf32, #tpu.memory_space<hbm>>) target(%arg14 : memref<128x128xf32, #tpu.memory_space<vmem>>) offsets(%dma_start3A_52 : memref<128xi32, #tpu.memory_space<vmem>>) semaphore(%arg20 : memref<!tpu.dma_semaphore, #tpu.memory_space<semaphore_mem>>)
    %scan3A = arith.constant 0 : i32
    %scan3A_56 = arith.constant 0 : i32
    %scan3A_57 = arith.constant 8 : i32
    %scan3A_58 = arith.addi %scan3A_56, %scan3A_57 : i32
    %scan3A_59 = arith.constant 1 : i32
    scf.for %scan3A_215 = %scan3A_56 to %scan3A_58 step %scan3A_59  : i32 {
      %mul3A_216 = arith.constant 6 : i32
      %mul3A_217 = arith.muli %scan3A_215, %mul3A_216 : i32
      %add3A_218 = arith.constant 0 : i32
      %add3A_219 = arith.addi %mul3A_217, %add3A_218 : i32
      %dma_wait3A_220 = arith.constant 0 : i32
      %dma_wait3A_221 = arith.constant 0 : i32
      %dma_wait3A_222 = tpu.memref_slice %arg5[%dma_wait3A_220, %dma_wait3A_221] : memref<100000x128xf32, #tpu.memory_space<hbm>> -> memref<128x128xf32, #tpu.memory_space<hbm>>
      %dma_wait3A_223 = arith.constant 0 : i32
      %dma_wait3A_224 = arith.constant 0 : i32
      %dma_wait3A_225 = tpu.memref_slice %arg5[%dma_wait3A_223, %dma_wait3A_224] : memref<100000x128xf32, #tpu.memory_space<hbm>> -> memref<128x128xf32, #tpu.memory_space<hbm>>
      tpu.wait_dma2 semaphore(%arg16 : memref<!tpu.dma_semaphore, #tpu.memory_space<semaphore_mem>>) src(%dma_wait3A_225 : memref<128x128xf32, #tpu.memory_space<hbm>>) dst(%arg10 : memref<128x128xf32, #tpu.memory_space<vmem>>)
      %add3A_226 = arith.constant 5 : i32
      %add3A_227 = arith.addi %add3A_219, %add3A_226 : i32
      %lt3A = arith.constant 50 : i32
      %lt3A_228 = arith.cmpi slt, %add3A_227, %lt3A : i32
      %convert_element_type3A = arith.extui %lt3A_228 : i1 to i32
      %cond3A = arith.constant 0 : i32
      %cond3A_229 = arith.cmpi ne, %convert_element_type3A, %cond3A : i32
      scf.if %cond3A_229 {
        %ge3A = arith.constant 6 : i32
        %ge3A_962 = arith.cmpi sge, %add3A_227, %ge3A : i32
        %convert_element_type3A_963 = arith.extui %ge3A_962 : i1 to i32
        %cond3A_964 = arith.constant 0 : i32
        %cond3A_965 = arith.cmpi ne, %convert_element_type3A_963, %cond3A_964 : i32
        scf.if %cond3A_965 {
          %dma_wait3A_1012 = arith.constant 0 : i32
          %dma_wait3A_1013 = arith.constant 0 : i32
          %dma_wait3A_1014 = tpu.memref_slice %arg6[%dma_wait3A_1012, %dma_wait3A_1013] : memref<204800x128xf32, #tpu.memory_space<hbm>> -> memref<128x128xf32, #tpu.memory_space<hbm>>
          %dma_wait3A_1015 = arith.constant 0 : i32
          %dma_wait3A_1016 = arith.constant 0 : i32
          %dma_wait3A_1017 = tpu.memref_slice %arg6[%dma_wait3A_1015, %dma_wait3A_1016] : memref<204800x128xf32, #tpu.memory_space<hbm>> -> memref<128x128xf32, #tpu.memory_space<hbm>>
          tpu.wait_dma2 semaphore(%arg27 : memref<!tpu.dma_semaphore, #tpu.memory_space<semaphore_mem>>) src(%arg15 : memref<128x128xf32, #tpu.memory_space<vmem>>) dst(%dma_wait3A_1017 : memref<128x128xf32, #tpu.memory_space<hbm>>)
        } else {
        }
        %jit3A_966 = arith.constant 2 : i32
        %div3A_967 = arith.divsi %add3A_227, %jit3A_966 : i32
        %sign3A_968 = arith.constant 0 : i32
        %sign3A_969 = arith.cmpi sgt, %add3A_227, %sign3A_968 : i32
        %sign3A_970 = arith.extui %sign3A_969 : i1 to i32
        %sign3A_971 = arith.constant 0 : i32
        %sign3A_972 = arith.cmpi slt, %add3A_227, %sign3A_971 : i32
        %sign3A_973 = arith.extui %sign3A_972 : i1 to i32
        %sign3A_974 = arith.subi %sign3A_970, %sign3A_973 : i32
        %sign3A_975 = arith.constant 0 : i32
        %sign3A_976 = arith.cmpi sgt, %jit3A_966, %sign3A_975 : i32
        %sign3A_977 = arith.extui %sign3A_976 : i1 to i32
        %sign3A_978 = arith.constant 0 : i32
        %sign3A_979 = arith.cmpi slt, %jit3A_966, %sign3A_978 : i32
        %sign3A_980 = arith.extui %sign3A_979 : i1 to i32
        %sign3A_981 = arith.subi %sign3A_977, %sign3A_980 : i32
        %ne3A_982 = arith.cmpi ne, %sign3A_974, %sign3A_981 : i32
        %rem3A_983 = arith.remsi %add3A_227, %jit3A_966 : i32
        %ne3A_984 = arith.constant 0 : i32
        %ne3A_985 = arith.cmpi ne, %rem3A_983, %ne3A_984 : i32
        %and3A_986 = arith.andi %ne3A_982, %ne3A_985 : i1
        %sub3A_987 = arith.constant 1 : i32
        %sub3A_988 = arith.subi %div3A_967, %sub3A_987 : i32
        %select_n3A_989 = arith.select %and3A_986, %sub3A_988, %div3A_967 : i32
        %jit3A_990 = arith.constant 2 : i32
        %eq3A_991 = arith.constant 0 : i32
        %eq3A_992 = arith.cmpi eq, %jit3A_990, %eq3A_991 : i32
        %jit3A_993 = arith.constant 1 : i32
        %select_n3A_994 = arith.select %eq3A_992, %jit3A_993, %jit3A_990 : i32
        %rem3A_995 = arith.remsi %add3A_227, %select_n3A_994 : i32
        %ne3A_996 = arith.constant 0 : i32
        %ne3A_997 = arith.cmpi ne, %rem3A_995, %ne3A_996 : i32
        %lt3A_998 = arith.constant 0 : i32
        %lt3A_999 = arith.cmpi slt, %rem3A_995, %lt3A_998 : i32
        %lt3A_1000 = arith.constant 0 : i32
        %lt3A_1001 = arith.cmpi slt, %select_n3A_994, %lt3A_1000 : i32
        %ne3A_1002 = arith.xori %lt3A_999, %lt3A_1001 : i1
        %and3A_1003 = arith.andi %ne3A_1002, %ne3A_997 : i1
        %add3A_1004 = arith.addi %rem3A_995, %select_n3A_994 : i32
        %select_n3A_1005 = arith.select %and3A_1003, %add3A_1004, %rem3A_995 : i32
        %dma_start3A_1006 = arith.constant 0 : i32
        %dma_start3A_1007 = tpu.memref_slice %arg7[%select_n3A_989, %select_n3A_1005, %dma_start3A_1006] : memref<25x2x128xi32, #tpu.memory_space<vmem>> -> memref<1x1x128xi32, #tpu.memory_space<vmem>>
        %dma_start3A_1008 = tpu.memref_squeeze %dma_start3A_1007 : memref<1x1x128xi32, #tpu.memory_space<vmem>> -> memref<128xi32, #tpu.memory_space<vmem>>
        %dma_start3A_1009 = arith.constant 0 : i32
        %dma_start3A_1010 = arith.constant 0 : i32
        %dma_start3A_1011 = tpu.memref_slice %arg5[%dma_start3A_1009, %dma_start3A_1010] : memref<100000x128xf32, #tpu.memory_space<hbm>> -> memref<100000x128xf32, #tpu.memory_space<hbm>>
        tpu.enqueue_indirect_dma source(%dma_start3A_1011 : memref<100000x128xf32, #tpu.memory_space<hbm>>) target(%arg15 : memref<128x128xf32, #tpu.memory_space<vmem>>) offsets(%dma_start3A_1008 : memref<128xi32, #tpu.memory_space<vmem>>) semaphore(%arg21 : memref<!tpu.dma_semaphore, #tpu.memory_space<semaphore_mem>>)
      } else {
      }
      %jit3A_230 = arith.constant 2 : i32
      %div3A_231 = arith.divsi %add3A_219, %jit3A_230 : i32
      %sign3A_232 = arith.constant 0 : i32
      %sign3A_233 = arith.cmpi sgt, %add3A_219, %sign3A_232 : i32
      %sign3A_234 = arith.extui %sign3A_233 : i1 to i32
      %sign3A_235 = arith.constant 0 : i32
      %sign3A_236 = arith.cmpi slt, %add3A_219, %sign3A_235 : i32
      %sign3A_237 = arith.extui %sign3A_236 : i1 to i32
      %sign3A_238 = arith.subi %sign3A_234, %sign3A_237 : i32
      %sign3A_239 = arith.constant 0 : i32
      %sign3A_240 = arith.cmpi sgt, %jit3A_230, %sign3A_239 : i32
      %sign3A_241 = arith.extui %sign3A_240 : i1 to i32
      %sign3A_242 = arith.constant 0 : i32
      %sign3A_243 = arith.cmpi slt, %jit3A_230, %sign3A_242 : i32
      %sign3A_244 = arith.extui %sign3A_243 : i1 to i32
      %sign3A_245 = arith.subi %sign3A_241, %sign3A_244 : i32
      %ne3A_246 = arith.cmpi ne, %sign3A_238, %sign3A_245 : i32
      %rem3A_247 = arith.remsi %add3A_219, %jit3A_230 : i32
      %ne3A_248 = arith.constant 0 : i32
      %ne3A_249 = arith.cmpi ne, %rem3A_247, %ne3A_248 : i32
      %and3A_250 = arith.andi %ne3A_246, %ne3A_249 : i1
      %sub3A_251 = arith.constant 1 : i32
      %sub3A_252 = arith.subi %div3A_231, %sub3A_251 : i32
      %select_n3A_253 = arith.select %and3A_250, %sub3A_252, %div3A_231 : i32
      %get3A_254 = arith.index_cast %select_n3A_253 : i32 to index
      %get3A_255 = arith.constant 0 : index
      %get3A_256 = tpu.vector_load %arg9[%get3A_254, %get3A_255] {strides = array<i32>} : memref<25x128xf32, #tpu.memory_space<vmem>>, vector<1x16xf32>,
      %get3A_257 = vector.shape_cast %get3A_256 : vector<1x16xf32> to vector<16xf32>
      %get3A_258 = arith.index_cast %select_n3A_253 : i32 to index
      %get3A_259 = arith.constant 16 : index
      %get3A_260 = tpu.vector_load %arg9[%get3A_258, %get3A_259] {strides = array<i32>} : memref<25x128xf32, #tpu.memory_space<vmem>>, vector<1x16xf32>,
      %get3A_261 = vector.shape_cast %get3A_260 : vector<1x16xf32> to vector<16xf32>
      %get3A_262 = arith.index_cast %select_n3A_253 : i32 to index
      %get3A_263 = arith.constant 32 : index
      %get3A_264 = tpu.vector_load %arg9[%get3A_262, %get3A_263] {strides = array<i32>} : memref<25x128xf32, #tpu.memory_space<vmem>>, vector<1x16xf32>,
      %get3A_265 = vector.shape_cast %get3A_264 : vector<1x16xf32> to vector<16xf32>
      %get3A_266 = arith.index_cast %select_n3A_253 : i32 to index
      %get3A_267 = arith.constant 48 : index
      %get3A_268 = tpu.vector_load %arg9[%get3A_266, %get3A_267] {strides = array<i32>} : memref<25x128xf32, #tpu.memory_space<vmem>>, vector<1x16xf32>,
      %get3A_269 = vector.shape_cast %get3A_268 : vector<1x16xf32> to vector<16xf32>
      %get3A_270 = arith.index_cast %select_n3A_253 : i32 to index
      %get3A_271 = arith.constant 64 : index
      %get3A_272 = tpu.vector_load %arg9[%get3A_270, %get3A_271] {strides = array<i32>} : memref<25x128xf32, #tpu.memory_space<vmem>>, vector<1x16xf32>,
      %get3A_273 = vector.shape_cast %get3A_272 : vector<1x16xf32> to vector<16xf32>
      %get3A_274 = arith.index_cast %select_n3A_253 : i32 to index
      %get3A_275 = arith.constant 80 : index
      %get3A_276 = tpu.vector_load %arg9[%get3A_274, %get3A_275] {strides = array<i32>} : memref<25x128xf32, #tpu.memory_space<vmem>>, vector<1x16xf32>,
      %get3A_277 = vector.shape_cast %get3A_276 : vector<1x16xf32> to vector<16xf32>
      %get3A_278 = arith.index_cast %select_n3A_253 : i32 to index
      %get3A_279 = arith.constant 96 : index
      %get3A_280 = tpu.vector_load %arg9[%get3A_278, %get3A_279] {strides = array<i32>} : memref<25x128xf32, #tpu.memory_space<vmem>>, vector<1x16xf32>,
      %get3A_281 = vector.shape_cast %get3A_280 : vector<1x16xf32> to vector<16xf32>
      %get3A_282 = arith.index_cast %select_n3A_253 : i32 to index
      %get3A_283 = arith.constant 112 : index
      %get3A_284 = tpu.vector_load %arg9[%get3A_282, %get3A_283] {strides = array<i32>} : memref<25x128xf32, #tpu.memory_space<vmem>>, vector<1x16xf32>,
      %get3A_285 = vector.shape_cast %get3A_284 : vector<1x16xf32> to vector<16xf32>
      %scan3A_286 = arith.constant 0 : i32
      %scan3A_287 = arith.constant 0 : i32
      %scan3A_288 = arith.constant 128 : i32
      %scan3A_289 = arith.addi %scan3A_287, %scan3A_288 : i32
      %scan3A_290 = arith.constant 2 : i32
      scf.for %scan3A_962 = %scan3A_287 to %scan3A_289 step %scan3A_290  : i32 {
        %swap3A = arith.index_cast %scan3A_962 : i32 to index
        %swap3A_963 = arith.constant 0 : index
        %swap3A_964 = tpu.vector_load %arg10[%swap3A, %swap3A_963] {strides = array<i32>} : memref<128x128xf32, #tpu.memory_space<vmem>>, vector<1x16xf32>,
        %swap3A_965 = vector.shape_cast %swap3A_964 : vector<1x16xf32> to vector<16xf32>
        %swap3A_966 = vector.shape_cast %get3A_257 : vector<16xf32> to vector<1x16xf32>
        tpu.vector_store %arg10[%swap3A, %swap3A_963], %swap3A_966 {add = true, strides = array<i32>} : memref<128x128xf32, #tpu.memory_space<vmem>>, vector<1x16xf32>,
        %swap3A_967 = arith.index_cast %scan3A_962 : i32 to index
        %swap3A_968 = arith.constant 16 : index
        %swap3A_969 = tpu.vector_load %arg10[%swap3A_967, %swap3A_968] {strides = array<i32>} : memref<128x128xf32, #tpu.memory_space<vmem>>, vector<1x16xf32>,
        %swap3A_970 = vector.shape_cast %swap3A_969 : vector<1x16xf32> to vector<16xf32>
        %swap3A_971 = vector.shape_cast %get3A_261 : vector<16xf32> to vector<1x16xf32>
        tpu.vector_store %arg10[%swap3A_967, %swap3A_968], %swap3A_971 {add = true, strides = array<i32>} : memref<128x128xf32, #tpu.memory_space<vmem>>, vector<1x16xf32>,
        %swap3A_972 = arith.index_cast %scan3A_962 : i32 to index
        %swap3A_973 = arith.constant 32 : index
        %swap3A_974 = tpu.vector_load %arg10[%swap3A_972, %swap3A_973] {strides = array<i32>} : memref<128x128xf32, #tpu.memory_space<vmem>>, vector<1x16xf32>,
        %swap3A_975 = vector.shape_cast %swap3A_974 : vector<1x16xf32> to vector<16xf32>
        %swap3A_976 = vector.shape_cast %get3A_265 : vector<16xf32> to vector<1x16xf32>
        tpu.vector_store %arg10[%swap3A_972, %swap3A_973], %swap3A_976 {add = true, strides = array<i32>} : memref<128x128xf32, #tpu.memory_space<vmem>>, vector<1x16xf32>,
        %swap3A_977 = arith.index_cast %scan3A_962 : i32 to index
        %swap3A_978 = arith.constant 48 : index
        %swap3A_979 = tpu.vector_load %arg10[%swap3A_977, %swap3A_978] {strides = array<i32>} : memref<128x128xf32, #tpu.memory_space<vmem>>, vector<1x16xf32>,
        %swap3A_980 = vector.shape_cast %swap3A_979 : vector<1x16xf32> to vector<16xf32>
        %swap3A_981 = vector.shape_cast %get3A_269 : vector<16xf32> to vector<1x16xf32>
        tpu.vector_store %arg10[%swap3A_977, %swap3A_978], %swap3A_981 {add = true, strides = array<i32>} : memref<128x128xf32, #tpu.memory_space<vmem>>, vector<1x16xf32>,
        %swap3A_982 = arith.index_cast %scan3A_962 : i32 to index
        %swap3A_983 = arith.constant 64 : index
        %swap3A_984 = tpu.vector_load %arg10[%swap3A_982, %swap3A_983] {strides = array<i32>} : memref<128x128xf32, #tpu.memory_space<vmem>>, vector<1x16xf32>,
        %swap3A_985 = vector.shape_cast %swap3A_984 : vector<1x16xf32> to vector<16xf32>
        %swap3A_986 = vector.shape_cast %get3A_273 : vector<16xf32> to vector<1x16xf32>
        tpu.vector_store %arg10[%swap3A_982, %swap3A_983], %swap3A_986 {add = true, strides = array<i32>} : memref<128x128xf32, #tpu.memory_space<vmem>>, vector<1x16xf32>,
        %swap3A_987 = arith.index_cast %scan3A_962 : i32 to index
        %swap3A_988 = arith.constant 80 : index
        %swap3A_989 = tpu.vector_load %arg10[%swap3A_987, %swap3A_988] {strides = array<i32>} : memref<128x128xf32, #tpu.memory_space<vmem>>, vector<1x16xf32>,
        %swap3A_990 = vector.shape_cast %swap3A_989 : vector<1x16xf32> to vector<16xf32>
        %swap3A_991 = vector.shape_cast %get3A_277 : vector<16xf32> to vector<1x16xf32>
        tpu.vector_store %arg10[%swap3A_987, %swap3A_988], %swap3A_991 {add = true, strides = array<i32>} : memref<128x128xf32, #tpu.memory_space<vmem>>, vector<1x16xf32>,
        %swap3A_992 = arith.index_cast %scan3A_962 : i32 to index
        %swap3A_993 = arith.constant 96 : index
        %swap3A_994 = tpu.vector_load %arg10[%swap3A_992, %swap3A_993] {strides = array<i32>} : memref<128x128xf32, #tpu.memory_space<vmem>>, vector<1x16xf32>,
        %swap3A_995 = vector.shape_cast %swap3A_994 : vector<1x16xf32> to vector<16xf32>
        %swap3A_996 = vector.shape_cast %get3A_281 : vector<16xf32> to vector<1x16xf32>
        tpu.vector_store %arg10[%swap3A_992, %swap3A_993], %swap3A_996 {add = true, strides = array<i32>} : memref<128x128xf32, #tpu.memory_space<vmem>>, vector<1x16xf32>,
        %swap3A_997 = arith.index_cast %scan3A_962 : i32 to index
        %swap3A_998 = arith.constant 112 : index
        %swap3A_999 = tpu.vector_load %arg10[%swap3A_997, %swap3A_998] {strides = array<i32>} : memref<128x128xf32, #tpu.memory_space<vmem>>, vector<1x16xf32>,
        %swap3A_1000 = vector.shape_cast %swap3A_999 : vector<1x16xf32> to vector<16xf32>
        %swap3A_1001 = vector.shape_cast %get3A_285 : vector<16xf32> to vector<1x16xf32>
        tpu.vector_store %arg10[%swap3A_997, %swap3A_998], %swap3A_1001 {add = true, strides = array<i32>} : memref<128x128xf32, #tpu.memory_space<vmem>>, vector<1x16xf32>,
        %scan3A_1002 = arith.constant 1 : i32
        %scan3A_1003 = arith.addi %scan3A_962, %scan3A_1002 : i32
        %swap3A_1004 = arith.index_cast %scan3A_1003 : i32 to index
        %swap3A_1005 = arith.constant 0 : index
        %swap3A_1006 = tpu.vector_load %arg10[%swap3A_1004, %swap3A_1005] {strides = array<i32>} : memref<128x128xf32, #tpu.memory_space<vmem>>, vector<1x16xf32>,
        %swap3A_1007 = vector.shape_cast %swap3A_1006 : vector<1x16xf32> to vector<16xf32>
        %swap3A_1008 = vector.shape_cast %get3A_257 : vector<16xf32> to vector<1x16xf32>
        tpu.vector_store %arg10[%swap3A_1004, %swap3A_1005], %swap3A_1008 {add = true, strides = array<i32>} : memref<128x128xf32, #tpu.memory_space<vmem>>, vector<1x16xf32>,
        %swap3A_1009 = arith.index_cast %scan3A_1003 : i32 to index
        %swap3A_1010 = arith.constant 16 : index
        %swap3A_1011 = tpu.vector_load %arg10[%swap3A_1009, %swap3A_1010] {strides = array<i32>} : memref<128x128xf32, #tpu.memory_space<vmem>>, vector<1x16xf32>,
        %swap3A_1012 = vector.shape_cast %swap3A_1011 : vector<1x16xf32> to vector<16xf32>
        %swap3A_1013 = vector.shape_cast %get3A_261 : vector<16xf32> to vector<1x16xf32>
        tpu.vector_store %arg10[%swap3A_1009, %swap3A_1010], %swap3A_1013 {add = true, strides = array<i32>} : memref<128x128xf32, #tpu.memory_space<vmem>>, vector<1x16xf32>,
        %swap3A_1014 = arith.index_cast %scan3A_1003 : i32 to index
        %swap3A_1015 = arith.constant 32 : index
        %swap3A_1016 = tpu.vector_load %arg10[%swap3A_1014, %swap3A_1015] {strides = array<i32>} : memref<128x128xf32, #tpu.memory_space<vmem>>, vector<1x16xf32>,
        %swap3A_1017 = vector.shape_cast %swap3A_1016 : vector<1x16xf32> to vector<16xf32>
        %swap3A_1018 = vector.shape_cast %get3A_265 : vector<16xf32> to vector<1x16xf32>
        tpu.vector_store %arg10[%swap3A_1014, %swap3A_1015], %swap3A_1018 {add = true, strides = array<i32>} : memref<128x128xf32, #tpu.memory_space<vmem>>, vector<1x16xf32>,
        %swap3A_1019 = arith.index_cast %scan3A_1003 : i32 to index
        %swap3A_1020 = arith.constant 48 : index
        %swap3A_1021 = tpu.vector_load %arg10[%swap3A_1019, %swap3A_1020] {strides = array<i32>} : memref<128x128xf32, #tpu.memory_space<vmem>>, vector<1x16xf32>,
        %swap3A_1022 = vector.shape_cast %swap3A_1021 : vector<1x16xf32> to vector<16xf32>
        %swap3A_1023 = vector.shape_cast %get3A_269 : vector<16xf32> to vector<1x16xf32>
        tpu.vector_store %arg10[%swap3A_1019, %swap3A_1020], %swap3A_1023 {add = true, strides = array<i32>} : memref<128x128xf32, #tpu.memory_space<vmem>>, vector<1x16xf32>,
        %swap3A_1024 = arith.index_cast %scan3A_1003 : i32 to index
        %swap3A_1025 = arith.constant 64 : index
        %swap3A_1026 = tpu.vector_load %arg10[%swap3A_1024, %swap3A_1025] {strides = array<i32>} : memref<128x128xf32, #tpu.memory_space<vmem>>, vector<1x16xf32>,
        %swap3A_1027 = vector.shape_cast %swap3A_1026 : vector<1x16xf32> to vector<16xf32>
        %swap3A_1028 = vector.shape_cast %get3A_273 : vector<16xf32> to vector<1x16xf32>
        tpu.vector_store %arg10[%swap3A_1024, %swap3A_1025], %swap3A_1028 {add = true, strides = array<i32>} : memref<128x128xf32, #tpu.memory_space<vmem>>, vector<1x16xf32>,
        %swap3A_1029 = arith.index_cast %scan3A_1003 : i32 to index
        %swap3A_1030 = arith.constant 80 : index
        %swap3A_1031 = tpu.vector_load %arg10[%swap3A_1029, %swap3A_1030] {strides = array<i32>} : memref<128x128xf32, #tpu.memory_space<vmem>>, vector<1x16xf32>,
        %swap3A_1032 = vector.shape_cast %swap3A_1031 : vector<1x16xf32> to vector<16xf32>
        %swap3A_1033 = vector.shape_cast %get3A_277 : vector<16xf32> to vector<1x16xf32>
        tpu.vector_store %arg10[%swap3A_1029, %swap3A_1030], %swap3A_1033 {add = true, strides = array<i32>} : memref<128x128xf32, #tpu.memory_space<vmem>>, vector<1x16xf32>,
        %swap3A_1034 = arith.index_cast %scan3A_1003 : i32 to index
        %swap3A_1035 = arith.constant 96 : index
        %swap3A_1036 = tpu.vector_load %arg10[%swap3A_1034, %swap3A_1035] {strides = array<i32>} : memref<128x128xf32, #tpu.memory_space<vmem>>, vector<1x16xf32>,
        %swap3A_1037 = vector.shape_cast %swap3A_1036 : vector<1x16xf32> to vector<16xf32>
        %swap3A_1038 = vector.shape_cast %get3A_281 : vector<16xf32> to vector<1x16xf32>
        tpu.vector_store %arg10[%swap3A_1034, %swap3A_1035], %swap3A_1038 {add = true, strides = array<i32>} : memref<128x128xf32, #tpu.memory_space<vmem>>, vector<1x16xf32>,
        %swap3A_1039 = arith.index_cast %scan3A_1003 : i32 to index
        %swap3A_1040 = arith.constant 112 : index
        %swap3A_1041 = tpu.vector_load %arg10[%swap3A_1039, %swap3A_1040] {strides = array<i32>} : memref<128x128xf32, #tpu.memory_space<vmem>>, vector<1x16xf32>,
        %swap3A_1042 = vector.shape_cast %swap3A_1041 : vector<1x16xf32> to vector<16xf32>
        %swap3A_1043 = vector.shape_cast %get3A_285 : vector<16xf32> to vector<1x16xf32>
        tpu.vector_store %arg10[%swap3A_1039, %swap3A_1040], %swap3A_1043 {add = true, strides = array<i32>} : memref<128x128xf32, #tpu.memory_space<vmem>>, vector<1x16xf32>,
      }
      %scan3A_291 = arith.constant 128 : i32
      %jit3A_292 = arith.constant 2 : i32
      %div3A_293 = arith.divsi %add3A_219, %jit3A_292 : i32
      %sign3A_294 = arith.constant 0 : i32
      %sign3A_295 = arith.cmpi sgt, %add3A_219, %sign3A_294 : i32
      %sign3A_296 = arith.extui %sign3A_295 : i1 to i32
      %sign3A_297 = arith.constant 0 : i32
      %sign3A_298 = arith.cmpi slt, %add3A_219, %sign3A_297 : i32
      %sign3A_299 = arith.extui %sign3A_298 : i1 to i32
      %sign3A_300 = arith.subi %sign3A_296, %sign3A_299 : i32
      %sign3A_301 = arith.constant 0 : i32
      %sign3A_302 = arith.cmpi sgt, %jit3A_292, %sign3A_301 : i32
      %sign3A_303 = arith.extui %sign3A_302 : i1 to i32
      %sign3A_304 = arith.constant 0 : i32
      %sign3A_305 = arith.cmpi slt, %jit3A_292, %sign3A_304 : i32
      %sign3A_306 = arith.extui %sign3A_305 : i1 to i32
      %sign3A_307 = arith.subi %sign3A_303, %sign3A_306 : i32
      %ne3A_308 = arith.cmpi ne, %sign3A_300, %sign3A_307 : i32
      %rem3A_309 = arith.remsi %add3A_219, %jit3A_292 : i32
      %ne3A_310 = arith.constant 0 : i32
      %ne3A_311 = arith.cmpi ne, %rem3A_309, %ne3A_310 : i32
      %and3A_312 = arith.andi %ne3A_308, %ne3A_311 : i1
      %sub3A_313 = arith.constant 1 : i32
      %sub3A_314 = arith.subi %div3A_293, %sub3A_313 : i32
      %select_n3A_315 = arith.select %and3A_312, %sub3A_314, %div3A_293 : i32
      %jit3A_316 = arith.constant 2 : i32
      %eq3A = arith.constant 0 : i32
      %eq3A_317 = arith.cmpi eq, %jit3A_316, %eq3A : i32
      %jit3A_318 = arith.constant 1 : i32
      %select_n3A_319 = arith.select %eq3A_317, %jit3A_318, %jit3A_316 : i32
      %rem3A_320 = arith.remsi %add3A_219, %select_n3A_319 : i32
      %ne3A_321 = arith.constant 0 : i32
      %ne3A_322 = arith.cmpi ne, %rem3A_320, %ne3A_321 : i32
      %lt3A_323 = arith.constant 0 : i32
      %lt3A_324 = arith.cmpi slt, %rem3A_320, %lt3A_323 : i32
      %lt3A_325 = arith.constant 0 : i32
      %lt3A_326 = arith.cmpi slt, %select_n3A_319, %lt3A_325 : i32
      %ne3A_327 = arith.xori %lt3A_324, %lt3A_326 : i1
      %and3A_328 = arith.andi %ne3A_327, %ne3A_322 : i1
      %add3A_329 = arith.addi %rem3A_320, %select_n3A_319 : i32
      %select_n3A_330 = arith.select %and3A_328, %add3A_329, %rem3A_320 : i32
      %dma_start3A_331 = arith.constant 0 : i32
      %dma_start3A_332 = tpu.memref_slice %arg8[%select_n3A_315, %select_n3A_330, %dma_start3A_331] : memref<25x2x128xi32, #tpu.memory_space<vmem>> -> memref<1x1x128xi32, #tpu.memory_space<vmem>>
      %dma_start3A_333 = tpu.memref_squeeze %dma_start3A_332 : memref<1x1x128xi32, #tpu.memory_space<vmem>> -> memref<128xi32, #tpu.memory_space<vmem>>
      %dma_start3A_334 = arith.constant 0 : i32
      %dma_start3A_335 = arith.constant 0 : i32
      %dma_start3A_336 = tpu.memref_slice %arg6[%dma_start3A_334, %dma_start3A_335] : memref<204800x128xf32, #tpu.memory_space<hbm>> -> memref<204800x128xf32, #tpu.memory_space<hbm>>
      tpu.enqueue_indirect_dma source(%arg10 : memref<128x128xf32, #tpu.memory_space<vmem>>) target(%dma_start3A_336 : memref<204800x128xf32, #tpu.memory_space<hbm>>) offsets(%dma_start3A_333 : memref<128xi32, #tpu.memory_space<vmem>>) semaphore(%arg22 : memref<!tpu.dma_semaphore, #tpu.memory_space<semaphore_mem>>)
      %mul3A_337 = arith.constant 6 : i32
      %mul3A_338 = arith.muli %scan3A_215, %mul3A_337 : i32
      %add3A_339 = arith.constant 1 : i32
      %add3A_340 = arith.addi %mul3A_338, %add3A_339 : i32
      %dma_wait3A_341 = arith.constant 0 : i32
      %dma_wait3A_342 = arith.constant 0 : i32
      %dma_wait3A_343 = tpu.memref_slice %arg5[%dma_wait3A_341, %dma_wait3A_342] : memref<100000x128xf32, #tpu.memory_space<hbm>> -> memref<128x128xf32, #tpu.memory_space<hbm>>
      %dma_wait3A_344 = arith.constant 0 : i32
      %dma_wait3A_345 = arith.constant 0 : i32
      %dma_wait3A_346 = tpu.memref_slice %arg5[%dma_wait3A_344, %dma_wait3A_345] : memref<100000x128xf32, #tpu.memory_space<hbm>> -> memref<128x128xf32, #tpu.memory_space<hbm>>
      tpu.wait_dma2 semaphore(%arg17 : memref<!tpu.dma_semaphore, #tpu.memory_space<semaphore_mem>>) src(%dma_wait3A_346 : memref<128x128xf32, #tpu.memory_space<hbm>>) dst(%arg11 : memref<128x128xf32, #tpu.memory_space<vmem>>)
      %add3A_347 = arith.constant 5 : i32
      %add3A_348 = arith.addi %add3A_340, %add3A_347 : i32
      %lt3A_349 = arith.constant 50 : i32
      %lt3A_350 = arith.cmpi slt, %add3A_348, %lt3A_349 : i32
      %convert_element_type3A_351 = arith.extui %lt3A_350 : i1 to i32
      %cond3A_352 = arith.constant 0 : i32
      %cond3A_353 = arith.cmpi ne, %convert_element_type3A_351, %cond3A_352 : i32
      scf.if %cond3A_353 {
        %ge3A = arith.constant 6 : i32
        %ge3A_962 = arith.cmpi sge, %add3A_348, %ge3A : i32
        %convert_element_type3A_963 = arith.extui %ge3A_962 : i1 to i32
        %cond3A_964 = arith.constant 0 : i32
        %cond3A_965 = arith.cmpi ne, %convert_element_type3A_963, %cond3A_964 : i32
        scf.if %cond3A_965 {
          %dma_wait3A_1012 = arith.constant 0 : i32
          %dma_wait3A_1013 = arith.constant 0 : i32
          %dma_wait3A_1014 = tpu.memref_slice %arg6[%dma_wait3A_1012, %dma_wait3A_1013] : memref<204800x128xf32, #tpu.memory_space<hbm>> -> memref<128x128xf32, #tpu.memory_space<hbm>>
          %dma_wait3A_1015 = arith.constant 0 : i32
          %dma_wait3A_1016 = arith.constant 0 : i32
          %dma_wait3A_1017 = tpu.memref_slice %arg6[%dma_wait3A_1015, %dma_wait3A_1016] : memref<204800x128xf32, #tpu.memory_space<hbm>> -> memref<128x128xf32, #tpu.memory_space<hbm>>
          tpu.wait_dma2 semaphore(%arg22 : memref<!tpu.dma_semaphore, #tpu.memory_space<semaphore_mem>>) src(%arg10 : memref<128x128xf32, #tpu.memory_space<vmem>>) dst(%dma_wait3A_1017 : memref<128x128xf32, #tpu.memory_space<hbm>>)
        } else {
        }
        %jit3A_966 = arith.constant 2 : i32
        %div3A_967 = arith.divsi %add3A_348, %jit3A_966 : i32
        %sign3A_968 = arith.constant 0 : i32
        %sign3A_969 = arith.cmpi sgt, %add3A_348, %sign3A_968 : i32
        %sign3A_970 = arith.extui %sign3A_969 : i1 to i32
        %sign3A_971 = arith.constant 0 : i32
        %sign3A_972 = arith.cmpi slt, %add3A_348, %sign3A_971 : i32
        %sign3A_973 = arith.extui %sign3A_972 : i1 to i32
        %sign3A_974 = arith.subi %sign3A_970, %sign3A_973 : i32
        %sign3A_975 = arith.constant 0 : i32
        %sign3A_976 = arith.cmpi sgt, %jit3A_966, %sign3A_975 : i32
        %sign3A_977 = arith.extui %sign3A_976 : i1 to i32
        %sign3A_978 = arith.constant 0 : i32
        %sign3A_979 = arith.cmpi slt, %jit3A_966, %sign3A_978 : i32
        %sign3A_980 = arith.extui %sign3A_979 : i1 to i32
        %sign3A_981 = arith.subi %sign3A_977, %sign3A_980 : i32
        %ne3A_982 = arith.cmpi ne, %sign3A_974, %sign3A_981 : i32
        %rem3A_983 = arith.remsi %add3A_348, %jit3A_966 : i32
        %ne3A_984 = arith.constant 0 : i32
        %ne3A_985 = arith.cmpi ne, %rem3A_983, %ne3A_984 : i32
        %and3A_986 = arith.andi %ne3A_982, %ne3A_985 : i1
        %sub3A_987 = arith.constant 1 : i32
        %sub3A_988 = arith.subi %div3A_967, %sub3A_987 : i32
        %select_n3A_989 = arith.select %and3A_986, %sub3A_988, %div3A_967 : i32
        %jit3A_990 = arith.constant 2 : i32
        %eq3A_991 = arith.constant 0 : i32
        %eq3A_992 = arith.cmpi eq, %jit3A_990, %eq3A_991 : i32
        %jit3A_993 = arith.constant 1 : i32
        %select_n3A_994 = arith.select %eq3A_992, %jit3A_993, %jit3A_990 : i32
        %rem3A_995 = arith.remsi %add3A_348, %select_n3A_994 : i32
        %ne3A_996 = arith.constant 0 : i32
        %ne3A_997 = arith.cmpi ne, %rem3A_995, %ne3A_996 : i32
        %lt3A_998 = arith.constant 0 : i32
        %lt3A_999 = arith.cmpi slt, %rem3A_995, %lt3A_998 : i32
        %lt3A_1000 = arith.constant 0 : i32
        %lt3A_1001 = arith.cmpi slt, %select_n3A_994, %lt3A_1000 : i32
        %ne3A_1002 = arith.xori %lt3A_999, %lt3A_1001 : i1
        %and3A_1003 = arith.andi %ne3A_1002, %ne3A_997 : i1
        %add3A_1004 = arith.addi %rem3A_995, %select_n3A_994 : i32
        %select_n3A_1005 = arith.select %and3A_1003, %add3A_1004, %rem3A_995 : i32
        %dma_start3A_1006 = arith.constant 0 : i32
        %dma_start3A_1007 = tpu.memref_slice %arg7[%select_n3A_989, %select_n3A_1005, %dma_start3A_1006] : memref<25x2x128xi32, #tpu.memory_space<vmem>> -> memref<1x1x128xi32, #tpu.memory_space<vmem>>
        %dma_start3A_1008 = tpu.memref_squeeze %dma_start3A_1007 : memref<1x1x128xi32, #tpu.memory_space<vmem>> -> memref<128xi32, #tpu.memory_space<vmem>>
        %dma_start3A_1009 = arith.constant 0 : i32
        %dma_start3A_1010 = arith.constant 0 : i32
        %dma_start3A_1011 = tpu.memref_slice %arg5[%dma_start3A_1009, %dma_start3A_1010] : memref<100000x128xf32, #tpu.memory_space<hbm>> -> memref<100000x128xf32, #tpu.memory_space<hbm>>
        tpu.enqueue_indirect_dma source(%dma_start3A_1011 : memref<100000x128xf32, #tpu.memory_space<hbm>>) target(%arg10 : memref<128x128xf32, #tpu.memory_space<vmem>>) offsets(%dma_start3A_1008 : memref<128xi32, #tpu.memory_space<vmem>>) semaphore(%arg16 : memref<!tpu.dma_semaphore, #tpu.memory_space<semaphore_mem>>)
      } else {
      }
      %jit3A_354 = arith.constant 2 : i32
      %div3A_355 = arith.divsi %add3A_340, %jit3A_354 : i32
      %sign3A_356 = arith.constant 0 : i32
      %sign3A_357 = arith.cmpi sgt, %add3A_340, %sign3A_356 : i32
      %sign3A_358 = arith.extui %sign3A_357 : i1 to i32
      %sign3A_359 = arith.constant 0 : i32
      %sign3A_360 = arith.cmpi slt, %add3A_340, %sign3A_359 : i32
      %sign3A_361 = arith.extui %sign3A_360 : i1 to i32
      %sign3A_362 = arith.subi %sign3A_358, %sign3A_361 : i32
      %sign3A_363 = arith.constant 0 : i32
      %sign3A_364 = arith.cmpi sgt, %jit3A_354, %sign3A_363 : i32
      %sign3A_365 = arith.extui %sign3A_364 : i1 to i32
      %sign3A_366 = arith.constant 0 : i32
      %sign3A_367 = arith.cmpi slt, %jit3A_354, %sign3A_366 : i32
      %sign3A_368 = arith.extui %sign3A_367 : i1 to i32
      %sign3A_369 = arith.subi %sign3A_365, %sign3A_368 : i32
      %ne3A_370 = arith.cmpi ne, %sign3A_362, %sign3A_369 : i32
      %rem3A_371 = arith.remsi %add3A_340, %jit3A_354 : i32
      %ne3A_372 = arith.constant 0 : i32
      %ne3A_373 = arith.cmpi ne, %rem3A_371, %ne3A_372 : i32
      %and3A_374 = arith.andi %ne3A_370, %ne3A_373 : i1
      %sub3A_375 = arith.constant 1 : i32
      %sub3A_376 = arith.subi %div3A_355, %sub3A_375 : i32
      %select_n3A_377 = arith.select %and3A_374, %sub3A_376, %div3A_355 : i32
      %get3A_378 = arith.index_cast %select_n3A_377 : i32 to index
      %get3A_379 = arith.constant 0 : index
      %get3A_380 = tpu.vector_load %arg9[%get3A_378, %get3A_379] {strides = array<i32>} : memref<25x128xf32, #tpu.memory_space<vmem>>, vector<1x16xf32>,
      %get3A_381 = vector.shape_cast %get3A_380 : vector<1x16xf32> to vector<16xf32>
      %get3A_382 = arith.index_cast %select_n3A_377 : i32 to index
      %get3A_383 = arith.constant 16 : index
      %get3A_384 = tpu.vector_load %arg9[%get3A_382, %get3A_383] {strides = array<i32>} : memref<25x128xf32, #tpu.memory_space<vmem>>, vector<1x16xf32>,
      %get3A_385 = vector.shape_cast %get3A_384 : vector<1x16xf32> to vector<16xf32>
      %get3A_386 = arith.index_cast %select_n3A_377 : i32 to index
      %get3A_387 = arith.constant 32 : index
      %get3A_388 = tpu.vector_load %arg9[%get3A_386, %get3A_387] {strides = array<i32>} : memref<25x128xf32, #tpu.memory_space<vmem>>, vector<1x16xf32>,
      %get3A_389 = vector.shape_cast %get3A_388 : vector<1x16xf32> to vector<16xf32>
      %get3A_390 = arith.index_cast %select_n3A_377 : i32 to index
      %get3A_391 = arith.constant 48 : index
      %get3A_392 = tpu.vector_load %arg9[%get3A_390, %get3A_391] {strides = array<i32>} : memref<25x128xf32, #tpu.memory_space<vmem>>, vector<1x16xf32>,
      %get3A_393 = vector.shape_cast %get3A_392 : vector<1x16xf32> to vector<16xf32>
      %get3A_394 = arith.index_cast %select_n3A_377 : i32 to index
      %get3A_395 = arith.constant 64 : index
      %get3A_396 = tpu.vector_load %arg9[%get3A_394, %get3A_395] {strides = array<i32>} : memref<25x128xf32, #tpu.memory_space<vmem>>, vector<1x16xf32>,
      %get3A_397 = vector.shape_cast %get3A_396 : vector<1x16xf32> to vector<16xf32>
      %get3A_398 = arith.index_cast %select_n3A_377 : i32 to index
      %get3A_399 = arith.constant 80 : index
      %get3A_400 = tpu.vector_load %arg9[%get3A_398, %get3A_399] {strides = array<i32>} : memref<25x128xf32, #tpu.memory_space<vmem>>, vector<1x16xf32>,
      %get3A_401 = vector.shape_cast %get3A_400 : vector<1x16xf32> to vector<16xf32>
      %get3A_402 = arith.index_cast %select_n3A_377 : i32 to index
      %get3A_403 = arith.constant 96 : index
      %get3A_404 = tpu.vector_load %arg9[%get3A_402, %get3A_403] {strides = array<i32>} : memref<25x128xf32, #tpu.memory_space<vmem>>, vector<1x16xf32>,
      %get3A_405 = vector.shape_cast %get3A_404 : vector<1x16xf32> to vector<16xf32>
      %get3A_406 = arith.index_cast %select_n3A_377 : i32 to index
      %get3A_407 = arith.constant 112 : index
      %get3A_408 = tpu.vector_load %arg9[%get3A_406, %get3A_407] {strides = array<i32>} : memref<25x128xf32, #tpu.memory_space<vmem>>, vector<1x16xf32>,
      %get3A_409 = vector.shape_cast %get3A_408 : vector<1x16xf32> to vector<16xf32>
      %scan3A_410 = arith.constant 0 : i32
      %scan3A_411 = arith.constant 0 : i32
      %scan3A_412 = arith.constant 128 : i32
      %scan3A_413 = arith.addi %scan3A_411, %scan3A_412 : i32
      %scan3A_414 = arith.constant 2 : i32
      scf.for %scan3A_962 = %scan3A_411 to %scan3A_413 step %scan3A_414  : i32 {
        %swap3A = arith.index_cast %scan3A_962 : i32 to index
        %swap3A_963 = arith.constant 0 : index
        %swap3A_964 = tpu.vector_load %arg11[%swap3A, %swap3A_963] {strides = array<i32>} : memref<128x128xf32, #tpu.memory_space<vmem>>, vector<1x16xf32>,
        %swap3A_965 = vector.shape_cast %swap3A_964 : vector<1x16xf32> to vector<16xf32>
        %swap3A_966 = vector.shape_cast %get3A_381 : vector<16xf32> to vector<1x16xf32>
        tpu.vector_store %arg11[%swap3A, %swap3A_963], %swap3A_966 {add = true, strides = array<i32>} : memref<128x128xf32, #tpu.memory_space<vmem>>, vector<1x16xf32>,
        %swap3A_967 = arith.index_cast %scan3A_962 : i32 to index
        %swap3A_968 = arith.constant 16 : index
        %swap3A_969 = tpu.vector_load %arg11[%swap3A_967, %swap3A_968] {strides = array<i32>} : memref<128x128xf32, #tpu.memory_space<vmem>>, vector<1x16xf32>,
        %swap3A_970 = vector.shape_cast %swap3A_969 : vector<1x16xf32> to vector<16xf32>
        %swap3A_971 = vector.shape_cast %get3A_385 : vector<16xf32> to vector<1x16xf32>
        tpu.vector_store %arg11[%swap3A_967, %swap3A_968], %swap3A_971 {add = true, strides = array<i32>} : memref<128x128xf32, #tpu.memory_space<vmem>>, vector<1x16xf32>,
        %swap3A_972 = arith.index_cast %scan3A_962 : i32 to index
        %swap3A_973 = arith.constant 32 : index
        %swap3A_974 = tpu.vector_load %arg11[%swap3A_972, %swap3A_973] {strides = array<i32>} : memref<128x128xf32, #tpu.memory_space<vmem>>, vector<1x16xf32>,
        %swap3A_975 = vector.shape_cast %swap3A_974 : vector<1x16xf32> to vector<16xf32>
        %swap3A_976 = vector.shape_cast %get3A_389 : vector<16xf32> to vector<1x16xf32>
        tpu.vector_store %arg11[%swap3A_972, %swap3A_973], %swap3A_976 {add = true, strides = array<i32>} : memref<128x128xf32, #tpu.memory_space<vmem>>, vector<1x16xf32>,
        %swap3A_977 = arith.index_cast %scan3A_962 : i32 to index
        %swap3A_978 = arith.constant 48 : index
        %swap3A_979 = tpu.vector_load %arg11[%swap3A_977, %swap3A_978] {strides = array<i32>} : memref<128x128xf32, #tpu.memory_space<vmem>>, vector<1x16xf32>,
        %swap3A_980 = vector.shape_cast %swap3A_979 : vector<1x16xf32> to vector<16xf32>
        %swap3A_981 = vector.shape_cast %get3A_393 : vector<16xf32> to vector<1x16xf32>
        tpu.vector_store %arg11[%swap3A_977, %swap3A_978], %swap3A_981 {add = true, strides = array<i32>} : memref<128x128xf32, #tpu.memory_space<vmem>>, vector<1x16xf32>,
        %swap3A_982 = arith.index_cast %scan3A_962 : i32 to index
        %swap3A_983 = arith.constant 64 : index
        %swap3A_984 = tpu.vector_load %arg11[%swap3A_982, %swap3A_983] {strides = array<i32>} : memref<128x128xf32, #tpu.memory_space<vmem>>, vector<1x16xf32>,
        %swap3A_985 = vector.shape_cast %swap3A_984 : vector<1x16xf32> to vector<16xf32>
        %swap3A_986 = vector.shape_cast %get3A_397 : vector<16xf32> to vector<1x16xf32>
        tpu.vector_store %arg11[%swap3A_982, %swap3A_983], %swap3A_986 {add = true, strides = array<i32>} : memref<128x128xf32, #tpu.memory_space<vmem>>, vector<1x16xf32>,
        %swap3A_987 = arith.index_cast %scan3A_962 : i32 to index
        %swap3A_988 = arith.constant 80 : index
        %swap3A_989 = tpu.vector_load %arg11[%swap3A_987, %swap3A_988] {strides = array<i32>} : memref<128x128xf32, #tpu.memory_space<vmem>>, vector<1x16xf32>,
        %swap3A_990 = vector.shape_cast %swap3A_989 : vector<1x16xf32> to vector<16xf32>
        %swap3A_991 = vector.shape_cast %get3A_401 : vector<16xf32> to vector<1x16xf32>
        tpu.vector_store %arg11[%swap3A_987, %swap3A_988], %swap3A_991 {add = true, strides = array<i32>} : memref<128x128xf32, #tpu.memory_space<vmem>>, vector<1x16xf32>,
        %swap3A_992 = arith.index_cast %scan3A_962 : i32 to index
        %swap3A_993 = arith.constant 96 : index
        %swap3A_994 = tpu.vector_load %arg11[%swap3A_992, %swap3A_993] {strides = array<i32>} : memref<128x128xf32, #tpu.memory_space<vmem>>, vector<1x16xf32>,
        %swap3A_995 = vector.shape_cast %swap3A_994 : vector<1x16xf32> to vector<16xf32>
        %swap3A_996 = vector.shape_cast %get3A_405 : vector<16xf32> to vector<1x16xf32>
        tpu.vector_store %arg11[%swap3A_992, %swap3A_993], %swap3A_996 {add = true, strides = array<i32>} : memref<128x128xf32, #tpu.memory_space<vmem>>, vector<1x16xf32>,
        %swap3A_997 = arith.index_cast %scan3A_962 : i32 to index
        %swap3A_998 = arith.constant 112 : index
        %swap3A_999 = tpu.vector_load %arg11[%swap3A_997, %swap3A_998] {strides = array<i32>} : memref<128x128xf32, #tpu.memory_space<vmem>>, vector<1x16xf32>,
        %swap3A_1000 = vector.shape_cast %swap3A_999 : vector<1x16xf32> to vector<16xf32>
        %swap3A_1001 = vector.shape_cast %get3A_409 : vector<16xf32> to vector<1x16xf32>
        tpu.vector_store %arg11[%swap3A_997, %swap3A_998], %swap3A_1001 {add = true, strides = array<i32>} : memref<128x128xf32, #tpu.memory_space<vmem>>, vector<1x16xf32>,
        %scan3A_1002 = arith.constant 1 : i32
        %scan3A_1003 = arith.addi %scan3A_962, %scan3A_1002 : i32
        %swap3A_1004 = arith.index_cast %scan3A_1003 : i32 to index
        %swap3A_1005 = arith.constant 0 : index
        %swap3A_1006 = tpu.vector_load %arg11[%swap3A_1004, %swap3A_1005] {strides = array<i32>} : memref<128x128xf32, #tpu.memory_space<vmem>>, vector<1x16xf32>,
        %swap3A_1007 = vector.shape_cast %swap3A_1006 : vector<1x16xf32> to vector<16xf32>
        %swap3A_1008 = vector.shape_cast %get3A_381 : vector<16xf32> to vector<1x16xf32>
        tpu.vector_store %arg11[%swap3A_1004, %swap3A_1005], %swap3A_1008 {add = true, strides = array<i32>} : memref<128x128xf32, #tpu.memory_space<vmem>>, vector<1x16xf32>,
        %swap3A_1009 = arith.index_cast %scan3A_1003 : i32 to index
        %swap3A_1010 = arith.constant 16 : index
        %swap3A_1011 = tpu.vector_load %arg11[%swap3A_1009, %swap3A_1010] {strides = array<i32>} : memref<128x128xf32, #tpu.memory_space<vmem>>, vector<1x16xf32>,
        %swap3A_1012 = vector.shape_cast %swap3A_1011 : vector<1x16xf32> to vector<16xf32>
        %swap3A_1013 = vector.shape_cast %get3A_385 : vector<16xf32> to vector<1x16xf32>
        tpu.vector_store %arg11[%swap3A_1009, %swap3A_1010], %swap3A_1013 {add = true, strides = array<i32>} : memref<128x128xf32, #tpu.memory_space<vmem>>, vector<1x16xf32>,
        %swap3A_1014 = arith.index_cast %scan3A_1003 : i32 to index
        %swap3A_1015 = arith.constant 32 : index
        %swap3A_1016 = tpu.vector_load %arg11[%swap3A_1014, %swap3A_1015] {strides = array<i32>} : memref<128x128xf32, #tpu.memory_space<vmem>>, vector<1x16xf32>,
        %swap3A_1017 = vector.shape_cast %swap3A_1016 : vector<1x16xf32> to vector<16xf32>
        %swap3A_1018 = vector.shape_cast %get3A_389 : vector<16xf32> to vector<1x16xf32>
        tpu.vector_store %arg11[%swap3A_1014, %swap3A_1015], %swap3A_1018 {add = true, strides = array<i32>} : memref<128x128xf32, #tpu.memory_space<vmem>>, vector<1x16xf32>,
        %swap3A_1019 = arith.index_cast %scan3A_1003 : i32 to index
        %swap3A_1020 = arith.constant 48 : index
        %swap3A_1021 = tpu.vector_load %arg11[%swap3A_1019, %swap3A_1020] {strides = array<i32>} : memref<128x128xf32, #tpu.memory_space<vmem>>, vector<1x16xf32>,
        %swap3A_1022 = vector.shape_cast %swap3A_1021 : vector<1x16xf32> to vector<16xf32>
        %swap3A_1023 = vector.shape_cast %get3A_393 : vector<16xf32> to vector<1x16xf32>
        tpu.vector_store %arg11[%swap3A_1019, %swap3A_1020], %swap3A_1023 {add = true, strides = array<i32>} : memref<128x128xf32, #tpu.memory_space<vmem>>, vector<1x16xf32>,
        %swap3A_1024 = arith.index_cast %scan3A_1003 : i32 to index
        %swap3A_1025 = arith.constant 64 : index
        %swap3A_1026 = tpu.vector_load %arg11[%swap3A_1024, %swap3A_1025] {strides = array<i32>} : memref<128x128xf32, #tpu.memory_space<vmem>>, vector<1x16xf32>,
        %swap3A_1027 = vector.shape_cast %swap3A_1026 : vector<1x16xf32> to vector<16xf32>
        %swap3A_1028 = vector.shape_cast %get3A_397 : vector<16xf32> to vector<1x16xf32>
        tpu.vector_store %arg11[%swap3A_1024, %swap3A_1025], %swap3A_1028 {add = true, strides = array<i32>} : memref<128x128xf32, #tpu.memory_space<vmem>>, vector<1x16xf32>,
        %swap3A_1029 = arith.index_cast %scan3A_1003 : i32 to index
        %swap3A_1030 = arith.constant 80 : index
        %swap3A_1031 = tpu.vector_load %arg11[%swap3A_1029, %swap3A_1030] {strides = array<i32>} : memref<128x128xf32, #tpu.memory_space<vmem>>, vector<1x16xf32>,
        %swap3A_1032 = vector.shape_cast %swap3A_1031 : vector<1x16xf32> to vector<16xf32>
        %swap3A_1033 = vector.shape_cast %get3A_401 : vector<16xf32> to vector<1x16xf32>
        tpu.vector_store %arg11[%swap3A_1029, %swap3A_1030], %swap3A_1033 {add = true, strides = array<i32>} : memref<128x128xf32, #tpu.memory_space<vmem>>, vector<1x16xf32>,
        %swap3A_1034 = arith.index_cast %scan3A_1003 : i32 to index
        %swap3A_1035 = arith.constant 96 : index
        %swap3A_1036 = tpu.vector_load %arg11[%swap3A_1034, %swap3A_1035] {strides = array<i32>} : memref<128x128xf32, #tpu.memory_space<vmem>>, vector<1x16xf32>,
        %swap3A_1037 = vector.shape_cast %swap3A_1036 : vector<1x16xf32> to vector<16xf32>
        %swap3A_1038 = vector.shape_cast %get3A_405 : vector<16xf32> to vector<1x16xf32>
        tpu.vector_store %arg11[%swap3A_1034, %swap3A_1035], %swap3A_1038 {add = true, strides = array<i32>} : memref<128x128xf32, #tpu.memory_space<vmem>>, vector<1x16xf32>,
        %swap3A_1039 = arith.index_cast %scan3A_1003 : i32 to index
        %swap3A_1040 = arith.constant 112 : index
        %swap3A_1041 = tpu.vector_load %arg11[%swap3A_1039, %swap3A_1040] {strides = array<i32>} : memref<128x128xf32, #tpu.memory_space<vmem>>, vector<1x16xf32>,
        %swap3A_1042 = vector.shape_cast %swap3A_1041 : vector<1x16xf32> to vector<16xf32>
        %swap3A_1043 = vector.shape_cast %get3A_409 : vector<16xf32> to vector<1x16xf32>
        tpu.vector_store %arg11[%swap3A_1039, %swap3A_1040], %swap3A_1043 {add = true, strides = array<i32>} : memref<128x128xf32, #tpu.memory_space<vmem>>, vector<1x16xf32>,
      }
      %scan3A_415 = arith.constant 128 : i32
      %jit3A_416 = arith.constant 2 : i32
      %div3A_417 = arith.divsi %add3A_340, %jit3A_416 : i32
      %sign3A_418 = arith.constant 0 : i32
      %sign3A_419 = arith.cmpi sgt, %add3A_340, %sign3A_418 : i32
      %sign3A_420 = arith.extui %sign3A_419 : i1 to i32
      %sign3A_421 = arith.constant 0 : i32
      %sign3A_422 = arith.cmpi slt, %add3A_340, %sign3A_421 : i32
      %sign3A_423 = arith.extui %sign3A_422 : i1 to i32
      %sign3A_424 = arith.subi %sign3A_420, %sign3A_423 : i32
      %sign3A_425 = arith.constant 0 : i32
      %sign3A_426 = arith.cmpi sgt, %jit3A_416, %sign3A_425 : i32
      %sign3A_427 = arith.extui %sign3A_426 : i1 to i32
      %sign3A_428 = arith.constant 0 : i32
      %sign3A_429 = arith.cmpi slt, %jit3A_416, %sign3A_428 : i32
      %sign3A_430 = arith.extui %sign3A_429 : i1 to i32
      %sign3A_431 = arith.subi %sign3A_427, %sign3A_430 : i32
      %ne3A_432 = arith.cmpi ne, %sign3A_424, %sign3A_431 : i32
      %rem3A_433 = arith.remsi %add3A_340, %jit3A_416 : i32
      %ne3A_434 = arith.constant 0 : i32
      %ne3A_435 = arith.cmpi ne, %rem3A_433, %ne3A_434 : i32
      %and3A_436 = arith.andi %ne3A_432, %ne3A_435 : i1
      %sub3A_437 = arith.constant 1 : i32
      %sub3A_438 = arith.subi %div3A_417, %sub3A_437 : i32
      %select_n3A_439 = arith.select %and3A_436, %sub3A_438, %div3A_417 : i32
      %jit3A_440 = arith.constant 2 : i32
      %eq3A_441 = arith.constant 0 : i32
      %eq3A_442 = arith.cmpi eq, %jit3A_440, %eq3A_441 : i32
      %jit3A_443 = arith.constant 1 : i32
      %select_n3A_444 = arith.select %eq3A_442, %jit3A_443, %jit3A_440 : i32
      %rem3A_445 = arith.remsi %add3A_340, %select_n3A_444 : i32
      %ne3A_446 = arith.constant 0 : i32
      %ne3A_447 = arith.cmpi ne, %rem3A_445, %ne3A_446 : i32
      %lt3A_448 = arith.constant 0 : i32
      %lt3A_449 = arith.cmpi slt, %rem3A_445, %lt3A_448 : i32
      %lt3A_450 = arith.constant 0 : i32
      %lt3A_451 = arith.cmpi slt, %select_n3A_444, %lt3A_450 : i32
      %ne3A_452 = arith.xori %lt3A_449, %lt3A_451 : i1
      %and3A_453 = arith.andi %ne3A_452, %ne3A_447 : i1
      %add3A_454 = arith.addi %rem3A_445, %select_n3A_444 : i32
      %select_n3A_455 = arith.select %and3A_453, %add3A_454, %rem3A_445 : i32
      %dma_start3A_456 = arith.constant 0 : i32
      %dma_start3A_457 = tpu.memref_slice %arg8[%select_n3A_439, %select_n3A_455, %dma_start3A_456] : memref<25x2x128xi32, #tpu.memory_space<vmem>> -> memref<1x1x128xi32, #tpu.memory_space<vmem>>
      %dma_start3A_458 = tpu.memref_squeeze %dma_start3A_457 : memref<1x1x128xi32, #tpu.memory_space<vmem>> -> memref<128xi32, #tpu.memory_space<vmem>>
      %dma_start3A_459 = arith.constant 0 : i32
      %dma_start3A_460 = arith.constant 0 : i32
      %dma_start3A_461 = tpu.memref_slice %arg6[%dma_start3A_459, %dma_start3A_460] : memref<204800x128xf32, #tpu.memory_space<hbm>> -> memref<204800x128xf32, #tpu.memory_space<hbm>>
      tpu.enqueue_indirect_dma source(%arg11 : memref<128x128xf32, #tpu.memory_space<vmem>>) target(%dma_start3A_461 : memref<204800x128xf32, #tpu.memory_space<hbm>>) offsets(%dma_start3A_458 : memref<128xi32, #tpu.memory_space<vmem>>) semaphore(%arg23 : memref<!tpu.dma_semaphore, #tpu.memory_space<semaphore_mem>>)
      %mul3A_462 = arith.constant 6 : i32
      %mul3A_463 = arith.muli %scan3A_215, %mul3A_462 : i32
      %add3A_464 = arith.constant 2 : i32
      %add3A_465 = arith.addi %mul3A_463, %add3A_464 : i32
      %dma_wait3A_466 = arith.constant 0 : i32
      %dma_wait3A_467 = arith.constant 0 : i32
      %dma_wait3A_468 = tpu.memref_slice %arg5[%dma_wait3A_466, %dma_wait3A_467] : memref<100000x128xf32, #tpu.memory_space<hbm>> -> memref<128x128xf32, #tpu.memory_space<hbm>>
      %dma_wait3A_469 = arith.constant 0 : i32
      %dma_wait3A_470 = arith.constant 0 : i32
      %dma_wait3A_471 = tpu.memref_slice %arg5[%dma_wait3A_469, %dma_wait3A_470] : memref<100000x128xf32, #tpu.memory_space<hbm>> -> memref<128x128xf32, #tpu.memory_space<hbm>>
      tpu.wait_dma2 semaphore(%arg18 : memref<!tpu.dma_semaphore, #tpu.memory_space<semaphore_mem>>) src(%dma_wait3A_471 : memref<128x128xf32, #tpu.memory_space<hbm>>) dst(%arg12 : memref<128x128xf32, #tpu.memory_space<vmem>>)
      %add3A_472 = arith.constant 5 : i32
      %add3A_473 = arith.addi %add3A_465, %add3A_472 : i32
      %lt3A_474 = arith.constant 50 : i32
      %lt3A_475 = arith.cmpi slt, %add3A_473, %lt3A_474 : i32
      %convert_element_type3A_476 = arith.extui %lt3A_475 : i1 to i32
      %cond3A_477 = arith.constant 0 : i32
      %cond3A_478 = arith.cmpi ne, %convert_element_type3A_476, %cond3A_477 : i32
      scf.if %cond3A_478 {
        %ge3A = arith.constant 6 : i32
        %ge3A_962 = arith.cmpi sge, %add3A_473, %ge3A : i32
        %convert_element_type3A_963 = arith.extui %ge3A_962 : i1 to i32
        %cond3A_964 = arith.constant 0 : i32
        %cond3A_965 = arith.cmpi ne, %convert_element_type3A_963, %cond3A_964 : i32
        scf.if %cond3A_965 {
          %dma_wait3A_1012 = arith.constant 0 : i32
          %dma_wait3A_1013 = arith.constant 0 : i32
          %dma_wait3A_1014 = tpu.memref_slice %arg6[%dma_wait3A_1012, %dma_wait3A_1013] : memref<204800x128xf32, #tpu.memory_space<hbm>> -> memref<128x128xf32, #tpu.memory_space<hbm>>
          %dma_wait3A_1015 = arith.constant 0 : i32
          %dma_wait3A_1016 = arith.constant 0 : i32
          %dma_wait3A_1017 = tpu.memref_slice %arg6[%dma_wait3A_1015, %dma_wait3A_1016] : memref<204800x128xf32, #tpu.memory_space<hbm>> -> memref<128x128xf32, #tpu.memory_space<hbm>>
          tpu.wait_dma2 semaphore(%arg23 : memref<!tpu.dma_semaphore, #tpu.memory_space<semaphore_mem>>) src(%arg11 : memref<128x128xf32, #tpu.memory_space<vmem>>) dst(%dma_wait3A_1017 : memref<128x128xf32, #tpu.memory_space<hbm>>)
        } else {
        }
        %jit3A_966 = arith.constant 2 : i32
        %div3A_967 = arith.divsi %add3A_473, %jit3A_966 : i32
        %sign3A_968 = arith.constant 0 : i32
        %sign3A_969 = arith.cmpi sgt, %add3A_473, %sign3A_968 : i32
        %sign3A_970 = arith.extui %sign3A_969 : i1 to i32
        %sign3A_971 = arith.constant 0 : i32
        %sign3A_972 = arith.cmpi slt, %add3A_473, %sign3A_971 : i32
        %sign3A_973 = arith.extui %sign3A_972 : i1 to i32
        %sign3A_974 = arith.subi %sign3A_970, %sign3A_973 : i32
        %sign3A_975 = arith.constant 0 : i32
        %sign3A_976 = arith.cmpi sgt, %jit3A_966, %sign3A_975 : i32
        %sign3A_977 = arith.extui %sign3A_976 : i1 to i32
        %sign3A_978 = arith.constant 0 : i32
        %sign3A_979 = arith.cmpi slt, %jit3A_966, %sign3A_978 : i32
        %sign3A_980 = arith.extui %sign3A_979 : i1 to i32
        %sign3A_981 = arith.subi %sign3A_977, %sign3A_980 : i32
        %ne3A_982 = arith.cmpi ne, %sign3A_974, %sign3A_981 : i32
        %rem3A_983 = arith.remsi %add3A_473, %jit3A_966 : i32
        %ne3A_984 = arith.constant 0 : i32
        %ne3A_985 = arith.cmpi ne, %rem3A_983, %ne3A_984 : i32
        %and3A_986 = arith.andi %ne3A_982, %ne3A_985 : i1
        %sub3A_987 = arith.constant 1 : i32
        %sub3A_988 = arith.subi %div3A_967, %sub3A_987 : i32
        %select_n3A_989 = arith.select %and3A_986, %sub3A_988, %div3A_967 : i32
        %jit3A_990 = arith.constant 2 : i32
        %eq3A_991 = arith.constant 0 : i32
        %eq3A_992 = arith.cmpi eq, %jit3A_990, %eq3A_991 : i32
        %jit3A_993 = arith.constant 1 : i32
        %select_n3A_994 = arith.select %eq3A_992, %jit3A_993, %jit3A_990 : i32
        %rem3A_995 = arith.remsi %add3A_473, %select_n3A_994 : i32
        %ne3A_996 = arith.constant 0 : i32
        %ne3A_997 = arith.cmpi ne, %rem3A_995, %ne3A_996 : i32
        %lt3A_998 = arith.constant 0 : i32
        %lt3A_999 = arith.cmpi slt, %rem3A_995, %lt3A_998 : i32
        %lt3A_1000 = arith.constant 0 : i32
        %lt3A_1001 = arith.cmpi slt, %select_n3A_994, %lt3A_1000 : i32
        %ne3A_1002 = arith.xori %lt3A_999, %lt3A_1001 : i1
        %and3A_1003 = arith.andi %ne3A_1002, %ne3A_997 : i1
        %add3A_1004 = arith.addi %rem3A_995, %select_n3A_994 : i32
        %select_n3A_1005 = arith.select %and3A_1003, %add3A_1004, %rem3A_995 : i32
        %dma_start3A_1006 = arith.constant 0 : i32
        %dma_start3A_1007 = tpu.memref_slice %arg7[%select_n3A_989, %select_n3A_1005, %dma_start3A_1006] : memref<25x2x128xi32, #tpu.memory_space<vmem>> -> memref<1x1x128xi32, #tpu.memory_space<vmem>>
        %dma_start3A_1008 = tpu.memref_squeeze %dma_start3A_1007 : memref<1x1x128xi32, #tpu.memory_space<vmem>> -> memref<128xi32, #tpu.memory_space<vmem>>
        %dma_start3A_1009 = arith.constant 0 : i32
        %dma_start3A_1010 = arith.constant 0 : i32
        %dma_start3A_1011 = tpu.memref_slice %arg5[%dma_start3A_1009, %dma_start3A_1010] : memref<100000x128xf32, #tpu.memory_space<hbm>> -> memref<100000x128xf32, #tpu.memory_space<hbm>>
        tpu.enqueue_indirect_dma source(%dma_start3A_1011 : memref<100000x128xf32, #tpu.memory_space<hbm>>) target(%arg11 : memref<128x128xf32, #tpu.memory_space<vmem>>) offsets(%dma_start3A_1008 : memref<128xi32, #tpu.memory_space<vmem>>) semaphore(%arg17 : memref<!tpu.dma_semaphore, #tpu.memory_space<semaphore_mem>>)
      } else {
      }
      %jit3A_479 = arith.constant 2 : i32
      %div3A_480 = arith.divsi %add3A_465, %jit3A_479 : i32
      %sign3A_481 = arith.constant 0 : i32
      %sign3A_482 = arith.cmpi sgt, %add3A_465, %sign3A_481 : i32
      %sign3A_483 = arith.extui %sign3A_482 : i1 to i32
      %sign3A_484 = arith.constant 0 : i32
      %sign3A_485 = arith.cmpi slt, %add3A_465, %sign3A_484 : i32
      %sign3A_486 = arith.extui %sign3A_485 : i1 to i32
      %sign3A_487 = arith.subi %sign3A_483, %sign3A_486 : i32
      %sign3A_488 = arith.constant 0 : i32
      %sign3A_489 = arith.cmpi sgt, %jit3A_479, %sign3A_488 : i32
      %sign3A_490 = arith.extui %sign3A_489 : i1 to i32
      %sign3A_491 = arith.constant 0 : i32
      %sign3A_492 = arith.cmpi slt, %jit3A_479, %sign3A_491 : i32
      %sign3A_493 = arith.extui %sign3A_492 : i1 to i32
      %sign3A_494 = arith.subi %sign3A_490, %sign3A_493 : i32
      %ne3A_495 = arith.cmpi ne, %sign3A_487, %sign3A_494 : i32
      %rem3A_496 = arith.remsi %add3A_465, %jit3A_479 : i32
      %ne3A_497 = arith.constant 0 : i32
      %ne3A_498 = arith.cmpi ne, %rem3A_496, %ne3A_497 : i32
      %and3A_499 = arith.andi %ne3A_495, %ne3A_498 : i1
      %sub3A_500 = arith.constant 1 : i32
      %sub3A_501 = arith.subi %div3A_480, %sub3A_500 : i32
      %select_n3A_502 = arith.select %and3A_499, %sub3A_501, %div3A_480 : i32
      %get3A_503 = arith.index_cast %select_n3A_502 : i32 to index
      %get3A_504 = arith.constant 0 : index
      %get3A_505 = tpu.vector_load %arg9[%get3A_503, %get3A_504] {strides = array<i32>} : memref<25x128xf32, #tpu.memory_space<vmem>>, vector<1x16xf32>,
      %get3A_506 = vector.shape_cast %get3A_505 : vector<1x16xf32> to vector<16xf32>
      %get3A_507 = arith.index_cast %select_n3A_502 : i32 to index
      %get3A_508 = arith.constant 16 : index
      %get3A_509 = tpu.vector_load %arg9[%get3A_507, %get3A_508] {strides = array<i32>} : memref<25x128xf32, #tpu.memory_space<vmem>>, vector<1x16xf32>,
      %get3A_510 = vector.shape_cast %get3A_509 : vector<1x16xf32> to vector<16xf32>
      %get3A_511 = arith.index_cast %select_n3A_502 : i32 to index
      %get3A_512 = arith.constant 32 : index
      %get3A_513 = tpu.vector_load %arg9[%get3A_511, %get3A_512] {strides = array<i32>} : memref<25x128xf32, #tpu.memory_space<vmem>>, vector<1x16xf32>,
      %get3A_514 = vector.shape_cast %get3A_513 : vector<1x16xf32> to vector<16xf32>
      %get3A_515 = arith.index_cast %select_n3A_502 : i32 to index
      %get3A_516 = arith.constant 48 : index
      %get3A_517 = tpu.vector_load %arg9[%get3A_515, %get3A_516] {strides = array<i32>} : memref<25x128xf32, #tpu.memory_space<vmem>>, vector<1x16xf32>,
      %get3A_518 = vector.shape_cast %get3A_517 : vector<1x16xf32> to vector<16xf32>
      %get3A_519 = arith.index_cast %select_n3A_502 : i32 to index
      %get3A_520 = arith.constant 64 : index
      %get3A_521 = tpu.vector_load %arg9[%get3A_519, %get3A_520] {strides = array<i32>} : memref<25x128xf32, #tpu.memory_space<vmem>>, vector<1x16xf32>,
      %get3A_522 = vector.shape_cast %get3A_521 : vector<1x16xf32> to vector<16xf32>
      %get3A_523 = arith.index_cast %select_n3A_502 : i32 to index
      %get3A_524 = arith.constant 80 : index
      %get3A_525 = tpu.vector_load %arg9[%get3A_523, %get3A_524] {strides = array<i32>} : memref<25x128xf32, #tpu.memory_space<vmem>>, vector<1x16xf32>,
      %get3A_526 = vector.shape_cast %get3A_525 : vector<1x16xf32> to vector<16xf32>
      %get3A_527 = arith.index_cast %select_n3A_502 : i32 to index
      %get3A_528 = arith.constant 96 : index
      %get3A_529 = tpu.vector_load %arg9[%get3A_527, %get3A_528] {strides = array<i32>} : memref<25x128xf32, #tpu.memory_space<vmem>>, vector<1x16xf32>,
      %get3A_530 = vector.shape_cast %get3A_529 : vector<1x16xf32> to vector<16xf32>
      %get3A_531 = arith.index_cast %select_n3A_502 : i32 to index
      %get3A_532 = arith.constant 112 : index
      %get3A_533 = tpu.vector_load %arg9[%get3A_531, %get3A_532] {strides = array<i32>} : memref<25x128xf32, #tpu.memory_space<vmem>>, vector<1x16xf32>,
      %get3A_534 = vector.shape_cast %get3A_533 : vector<1x16xf32> to vector<16xf32>
      %scan3A_535 = arith.constant 0 : i32
      %scan3A_536 = arith.constant 0 : i32
      %scan3A_537 = arith.constant 128 : i32
      %scan3A_538 = arith.addi %scan3A_536, %scan3A_537 : i32
      %scan3A_539 = arith.constant 2 : i32
      scf.for %scan3A_962 = %scan3A_536 to %scan3A_538 step %scan3A_539  : i32 {
        %swap3A = arith.index_cast %scan3A_962 : i32 to index
        %swap3A_963 = arith.constant 0 : index
        %swap3A_964 = tpu.vector_load %arg12[%swap3A, %swap3A_963] {strides = array<i32>} : memref<128x128xf32, #tpu.memory_space<vmem>>, vector<1x16xf32>,
        %swap3A_965 = vector.shape_cast %swap3A_964 : vector<1x16xf32> to vector<16xf32>
        %swap3A_966 = vector.shape_cast %get3A_506 : vector<16xf32> to vector<1x16xf32>
        tpu.vector_store %arg12[%swap3A, %swap3A_963], %swap3A_966 {add = true, strides = array<i32>} : memref<128x128xf32, #tpu.memory_space<vmem>>, vector<1x16xf32>,
        %swap3A_967 = arith.index_cast %scan3A_962 : i32 to index
        %swap3A_968 = arith.constant 16 : index
        %swap3A_969 = tpu.vector_load %arg12[%swap3A_967, %swap3A_968] {strides = array<i32>} : memref<128x128xf32, #tpu.memory_space<vmem>>, vector<1x16xf32>,
        %swap3A_970 = vector.shape_cast %swap3A_969 : vector<1x16xf32> to vector<16xf32>
        %swap3A_971 = vector.shape_cast %get3A_510 : vector<16xf32> to vector<1x16xf32>
        tpu.vector_store %arg12[%swap3A_967, %swap3A_968], %swap3A_971 {add = true, strides = array<i32>} : memref<128x128xf32, #tpu.memory_space<vmem>>, vector<1x16xf32>,
        %swap3A_972 = arith.index_cast %scan3A_962 : i32 to index
        %swap3A_973 = arith.constant 32 : index
        %swap3A_974 = tpu.vector_load %arg12[%swap3A_972, %swap3A_973] {strides = array<i32>} : memref<128x128xf32, #tpu.memory_space<vmem>>, vector<1x16xf32>,
        %swap3A_975 = vector.shape_cast %swap3A_974 : vector<1x16xf32> to vector<16xf32>
        %swap3A_976 = vector.shape_cast %get3A_514 : vector<16xf32> to vector<1x16xf32>
        tpu.vector_store %arg12[%swap3A_972, %swap3A_973], %swap3A_976 {add = true, strides = array<i32>} : memref<128x128xf32, #tpu.memory_space<vmem>>, vector<1x16xf32>,
        %swap3A_977 = arith.index_cast %scan3A_962 : i32 to index
        %swap3A_978 = arith.constant 48 : index
        %swap3A_979 = tpu.vector_load %arg12[%swap3A_977, %swap3A_978] {strides = array<i32>} : memref<128x128xf32, #tpu.memory_space<vmem>>, vector<1x16xf32>,
        %swap3A_980 = vector.shape_cast %swap3A_979 : vector<1x16xf32> to vector<16xf32>
        %swap3A_981 = vector.shape_cast %get3A_518 : vector<16xf32> to vector<1x16xf32>
        tpu.vector_store %arg12[%swap3A_977, %swap3A_978], %swap3A_981 {add = true, strides = array<i32>} : memref<128x128xf32, #tpu.memory_space<vmem>>, vector<1x16xf32>,
        %swap3A_982 = arith.index_cast %scan3A_962 : i32 to index
        %swap3A_983 = arith.constant 64 : index
        %swap3A_984 = tpu.vector_load %arg12[%swap3A_982, %swap3A_983] {strides = array<i32>} : memref<128x128xf32, #tpu.memory_space<vmem>>, vector<1x16xf32>,
        %swap3A_985 = vector.shape_cast %swap3A_984 : vector<1x16xf32> to vector<16xf32>
        %swap3A_986 = vector.shape_cast %get3A_522 : vector<16xf32> to vector<1x16xf32>
        tpu.vector_store %arg12[%swap3A_982, %swap3A_983], %swap3A_986 {add = true, strides = array<i32>} : memref<128x128xf32, #tpu.memory_space<vmem>>, vector<1x16xf32>,
        %swap3A_987 = arith.index_cast %scan3A_962 : i32 to index
        %swap3A_988 = arith.constant 80 : index
        %swap3A_989 = tpu.vector_load %arg12[%swap3A_987, %swap3A_988] {strides = array<i32>} : memref<128x128xf32, #tpu.memory_space<vmem>>, vector<1x16xf32>,
        %swap3A_990 = vector.shape_cast %swap3A_989 : vector<1x16xf32> to vector<16xf32>
        %swap3A_991 = vector.shape_cast %get3A_526 : vector<16xf32> to vector<1x16xf32>
        tpu.vector_store %arg12[%swap3A_987, %swap3A_988], %swap3A_991 {add = true, strides = array<i32>} : memref<128x128xf32, #tpu.memory_space<vmem>>, vector<1x16xf32>,
        %swap3A_992 = arith.index_cast %scan3A_962 : i32 to index
        %swap3A_993 = arith.constant 96 : index
        %swap3A_994 = tpu.vector_load %arg12[%swap3A_992, %swap3A_993] {strides = array<i32>} : memref<128x128xf32, #tpu.memory_space<vmem>>, vector<1x16xf32>,
        %swap3A_995 = vector.shape_cast %swap3A_994 : vector<1x16xf32> to vector<16xf32>
        %swap3A_996 = vector.shape_cast %get3A_530 : vector<16xf32> to vector<1x16xf32>
        tpu.vector_store %arg12[%swap3A_992, %swap3A_993], %swap3A_996 {add = true, strides = array<i32>} : memref<128x128xf32, #tpu.memory_space<vmem>>, vector<1x16xf32>,
        %swap3A_997 = arith.index_cast %scan3A_962 : i32 to index
        %swap3A_998 = arith.constant 112 : index
        %swap3A_999 = tpu.vector_load %arg12[%swap3A_997, %swap3A_998] {strides = array<i32>} : memref<128x128xf32, #tpu.memory_space<vmem>>, vector<1x16xf32>,
        %swap3A_1000 = vector.shape_cast %swap3A_999 : vector<1x16xf32> to vector<16xf32>
        %swap3A_1001 = vector.shape_cast %get3A_534 : vector<16xf32> to vector<1x16xf32>
        tpu.vector_store %arg12[%swap3A_997, %swap3A_998], %swap3A_1001 {add = true, strides = array<i32>} : memref<128x128xf32, #tpu.memory_space<vmem>>, vector<1x16xf32>,
        %scan3A_1002 = arith.constant 1 : i32
        %scan3A_1003 = arith.addi %scan3A_962, %scan3A_1002 : i32
        %swap3A_1004 = arith.index_cast %scan3A_1003 : i32 to index
        %swap3A_1005 = arith.constant 0 : index
        %swap3A_1006 = tpu.vector_load %arg12[%swap3A_1004, %swap3A_1005] {strides = array<i32>} : memref<128x128xf32, #tpu.memory_space<vmem>>, vector<1x16xf32>,
        %swap3A_1007 = vector.shape_cast %swap3A_1006 : vector<1x16xf32> to vector<16xf32>
        %swap3A_1008 = vector.shape_cast %get3A_506 : vector<16xf32> to vector<1x16xf32>
        tpu.vector_store %arg12[%swap3A_1004, %swap3A_1005], %swap3A_1008 {add = true, strides = array<i32>} : memref<128x128xf32, #tpu.memory_space<vmem>>, vector<1x16xf32>,
        %swap3A_1009 = arith.index_cast %scan3A_1003 : i32 to index
        %swap3A_1010 = arith.constant 16 : index
        %swap3A_1011 = tpu.vector_load %arg12[%swap3A_1009, %swap3A_1010] {strides = array<i32>} : memref<128x128xf32, #tpu.memory_space<vmem>>, vector<1x16xf32>,
        %swap3A_1012 = vector.shape_cast %swap3A_1011 : vector<1x16xf32> to vector<16xf32>
        %swap3A_1013 = vector.shape_cast %get3A_510 : vector<16xf32> to vector<1x16xf32>
        tpu.vector_store %arg12[%swap3A_1009, %swap3A_1010], %swap3A_1013 {add = true, strides = array<i32>} : memref<128x128xf32, #tpu.memory_space<vmem>>, vector<1x16xf32>,
        %swap3A_1014 = arith.index_cast %scan3A_1003 : i32 to index
        %swap3A_1015 = arith.constant 32 : index
        %swap3A_1016 = tpu.vector_load %arg12[%swap3A_1014, %swap3A_1015] {strides = array<i32>} : memref<128x128xf32, #tpu.memory_space<vmem>>, vector<1x16xf32>,
        %swap3A_1017 = vector.shape_cast %swap3A_1016 : vector<1x16xf32> to vector<16xf32>
        %swap3A_1018 = vector.shape_cast %get3A_514 : vector<16xf32> to vector<1x16xf32>
        tpu.vector_store %arg12[%swap3A_1014, %swap3A_1015], %swap3A_1018 {add = true, strides = array<i32>} : memref<128x128xf32, #tpu.memory_space<vmem>>, vector<1x16xf32>,
        %swap3A_1019 = arith.index_cast %scan3A_1003 : i32 to index
        %swap3A_1020 = arith.constant 48 : index
        %swap3A_1021 = tpu.vector_load %arg12[%swap3A_1019, %swap3A_1020] {strides = array<i32>} : memref<128x128xf32, #tpu.memory_space<vmem>>, vector<1x16xf32>,
        %swap3A_1022 = vector.shape_cast %swap3A_1021 : vector<1x16xf32> to vector<16xf32>
        %swap3A_1023 = vector.shape_cast %get3A_518 : vector<16xf32> to vector<1x16xf32>
        tpu.vector_store %arg12[%swap3A_1019, %swap3A_1020], %swap3A_1023 {add = true, strides = array<i32>} : memref<128x128xf32, #tpu.memory_space<vmem>>, vector<1x16xf32>,
        %swap3A_1024 = arith.index_cast %scan3A_1003 : i32 to index
        %swap3A_1025 = arith.constant 64 : index
        %swap3A_1026 = tpu.vector_load %arg12[%swap3A_1024, %swap3A_1025] {strides = array<i32>} : memref<128x128xf32, #tpu.memory_space<vmem>>, vector<1x16xf32>,
        %swap3A_1027 = vector.shape_cast %swap3A_1026 : vector<1x16xf32> to vector<16xf32>
        %swap3A_1028 = vector.shape_cast %get3A_522 : vector<16xf32> to vector<1x16xf32>
        tpu.vector_store %arg12[%swap3A_1024, %swap3A_1025], %swap3A_1028 {add = true, strides = array<i32>} : memref<128x128xf32, #tpu.memory_space<vmem>>, vector<1x16xf32>,
        %swap3A_1029 = arith.index_cast %scan3A_1003 : i32 to index
        %swap3A_1030 = arith.constant 80 : index
        %swap3A_1031 = tpu.vector_load %arg12[%swap3A_1029, %swap3A_1030] {strides = array<i32>} : memref<128x128xf32, #tpu.memory_space<vmem>>, vector<1x16xf32>,
        %swap3A_1032 = vector.shape_cast %swap3A_1031 : vector<1x16xf32> to vector<16xf32>
        %swap3A_1033 = vector.shape_cast %get3A_526 : vector<16xf32> to vector<1x16xf32>
        tpu.vector_store %arg12[%swap3A_1029, %swap3A_1030], %swap3A_1033 {add = true, strides = array<i32>} : memref<128x128xf32, #tpu.memory_space<vmem>>, vector<1x16xf32>,
        %swap3A_1034 = arith.index_cast %scan3A_1003 : i32 to index
        %swap3A_1035 = arith.constant 96 : index
        %swap3A_1036 = tpu.vector_load %arg12[%swap3A_1034, %swap3A_1035] {strides = array<i32>} : memref<128x128xf32, #tpu.memory_space<vmem>>, vector<1x16xf32>,
        %swap3A_1037 = vector.shape_cast %swap3A_1036 : vector<1x16xf32> to vector<16xf32>
        %swap3A_1038 = vector.shape_cast %get3A_530 : vector<16xf32> to vector<1x16xf32>
        tpu.vector_store %arg12[%swap3A_1034, %swap3A_1035], %swap3A_1038 {add = true, strides = array<i32>} : memref<128x128xf32, #tpu.memory_space<vmem>>, vector<1x16xf32>,
        %swap3A_1039 = arith.index_cast %scan3A_1003 : i32 to index
        %swap3A_1040 = arith.constant 112 : index
        %swap3A_1041 = tpu.vector_load %arg12[%swap3A_1039, %swap3A_1040] {strides = array<i32>} : memref<128x128xf32, #tpu.memory_space<vmem>>, vector<1x16xf32>,
        %swap3A_1042 = vector.shape_cast %swap3A_1041 : vector<1x16xf32> to vector<16xf32>
        %swap3A_1043 = vector.shape_cast %get3A_534 : vector<16xf32> to vector<1x16xf32>
        tpu.vector_store %arg12[%swap3A_1039, %swap3A_1040], %swap3A_1043 {add = true, strides = array<i32>} : memref<128x128xf32, #tpu.memory_space<vmem>>, vector<1x16xf32>,
      }
      %scan3A_540 = arith.constant 128 : i32
      %jit3A_541 = arith.constant 2 : i32
      %div3A_542 = arith.divsi %add3A_465, %jit3A_541 : i32
      %sign3A_543 = arith.constant 0 : i32
      %sign3A_544 = arith.cmpi sgt, %add3A_465, %sign3A_543 : i32
      %sign3A_545 = arith.extui %sign3A_544 : i1 to i32
      %sign3A_546 = arith.constant 0 : i32
      %sign3A_547 = arith.cmpi slt, %add3A_465, %sign3A_546 : i32
      %sign3A_548 = arith.extui %sign3A_547 : i1 to i32
      %sign3A_549 = arith.subi %sign3A_545, %sign3A_548 : i32
      %sign3A_550 = arith.constant 0 : i32
      %sign3A_551 = arith.cmpi sgt, %jit3A_541, %sign3A_550 : i32
      %sign3A_552 = arith.extui %sign3A_551 : i1 to i32
      %sign3A_553 = arith.constant 0 : i32
      %sign3A_554 = arith.cmpi slt, %jit3A_541, %sign3A_553 : i32
      %sign3A_555 = arith.extui %sign3A_554 : i1 to i32
      %sign3A_556 = arith.subi %sign3A_552, %sign3A_555 : i32
      %ne3A_557 = arith.cmpi ne, %sign3A_549, %sign3A_556 : i32
      %rem3A_558 = arith.remsi %add3A_465, %jit3A_541 : i32
      %ne3A_559 = arith.constant 0 : i32
      %ne3A_560 = arith.cmpi ne, %rem3A_558, %ne3A_559 : i32
      %and3A_561 = arith.andi %ne3A_557, %ne3A_560 : i1
      %sub3A_562 = arith.constant 1 : i32
      %sub3A_563 = arith.subi %div3A_542, %sub3A_562 : i32
      %select_n3A_564 = arith.select %and3A_561, %sub3A_563, %div3A_542 : i32
      %jit3A_565 = arith.constant 2 : i32
      %eq3A_566 = arith.constant 0 : i32
      %eq3A_567 = arith.cmpi eq, %jit3A_565, %eq3A_566 : i32
      %jit3A_568 = arith.constant 1 : i32
      %select_n3A_569 = arith.select %eq3A_567, %jit3A_568, %jit3A_565 : i32
      %rem3A_570 = arith.remsi %add3A_465, %select_n3A_569 : i32
      %ne3A_571 = arith.constant 0 : i32
      %ne3A_572 = arith.cmpi ne, %rem3A_570, %ne3A_571 : i32
      %lt3A_573 = arith.constant 0 : i32
      %lt3A_574 = arith.cmpi slt, %rem3A_570, %lt3A_573 : i32
      %lt3A_575 = arith.constant 0 : i32
      %lt3A_576 = arith.cmpi slt, %select_n3A_569, %lt3A_575 : i32
      %ne3A_577 = arith.xori %lt3A_574, %lt3A_576 : i1
      %and3A_578 = arith.andi %ne3A_577, %ne3A_572 : i1
      %add3A_579 = arith.addi %rem3A_570, %select_n3A_569 : i32
      %select_n3A_580 = arith.select %and3A_578, %add3A_579, %rem3A_570 : i32
      %dma_start3A_581 = arith.constant 0 : i32
      %dma_start3A_582 = tpu.memref_slice %arg8[%select_n3A_564, %select_n3A_580, %dma_start3A_581] : memref<25x2x128xi32, #tpu.memory_space<vmem>> -> memref<1x1x128xi32, #tpu.memory_space<vmem>>
      %dma_start3A_583 = tpu.memref_squeeze %dma_start3A_582 : memref<1x1x128xi32, #tpu.memory_space<vmem>> -> memref<128xi32, #tpu.memory_space<vmem>>
      %dma_start3A_584 = arith.constant 0 : i32
      %dma_start3A_585 = arith.constant 0 : i32
      %dma_start3A_586 = tpu.memref_slice %arg6[%dma_start3A_584, %dma_start3A_585] : memref<204800x128xf32, #tpu.memory_space<hbm>> -> memref<204800x128xf32, #tpu.memory_space<hbm>>
      tpu.enqueue_indirect_dma source(%arg12 : memref<128x128xf32, #tpu.memory_space<vmem>>) target(%dma_start3A_586 : memref<204800x128xf32, #tpu.memory_space<hbm>>) offsets(%dma_start3A_583 : memref<128xi32, #tpu.memory_space<vmem>>) semaphore(%arg24 : memref<!tpu.dma_semaphore, #tpu.memory_space<semaphore_mem>>)
      %mul3A_587 = arith.constant 6 : i32
      %mul3A_588 = arith.muli %scan3A_215, %mul3A_587 : i32
      %add3A_589 = arith.constant 3 : i32
      %add3A_590 = arith.addi %mul3A_588, %add3A_589 : i32
      %dma_wait3A_591 = arith.constant 0 : i32
      %dma_wait3A_592 = arith.constant 0 : i32
      %dma_wait3A_593 = tpu.memref_slice %arg5[%dma_wait3A_591, %dma_wait3A_592] : memref<100000x128xf32, #tpu.memory_space<hbm>> -> memref<128x128xf32, #tpu.memory_space<hbm>>
      %dma_wait3A_594 = arith.constant 0 : i32
      %dma_wait3A_595 = arith.constant 0 : i32
      %dma_wait3A_596 = tpu.memref_slice %arg5[%dma_wait3A_594, %dma_wait3A_595] : memref<100000x128xf32, #tpu.memory_space<hbm>> -> memref<128x128xf32, #tpu.memory_space<hbm>>
      tpu.wait_dma2 semaphore(%arg19 : memref<!tpu.dma_semaphore, #tpu.memory_space<semaphore_mem>>) src(%dma_wait3A_596 : memref<128x128xf32, #tpu.memory_space<hbm>>) dst(%arg13 : memref<128x128xf32, #tpu.memory_space<vmem>>)
      %add3A_597 = arith.constant 5 : i32
      %add3A_598 = arith.addi %add3A_590, %add3A_597 : i32
      %lt3A_599 = arith.constant 50 : i32
      %lt3A_600 = arith.cmpi slt, %add3A_598, %lt3A_599 : i32
      %convert_element_type3A_601 = arith.extui %lt3A_600 : i1 to i32
      %cond3A_602 = arith.constant 0 : i32
      %cond3A_603 = arith.cmpi ne, %convert_element_type3A_601, %cond3A_602 : i32
      scf.if %cond3A_603 {
        %ge3A = arith.constant 6 : i32
        %ge3A_962 = arith.cmpi sge, %add3A_598, %ge3A : i32
        %convert_element_type3A_963 = arith.extui %ge3A_962 : i1 to i32
        %cond3A_964 = arith.constant 0 : i32
        %cond3A_965 = arith.cmpi ne, %convert_element_type3A_963, %cond3A_964 : i32
        scf.if %cond3A_965 {
          %dma_wait3A_1012 = arith.constant 0 : i32
          %dma_wait3A_1013 = arith.constant 0 : i32
          %dma_wait3A_1014 = tpu.memref_slice %arg6[%dma_wait3A_1012, %dma_wait3A_1013] : memref<204800x128xf32, #tpu.memory_space<hbm>> -> memref<128x128xf32, #tpu.memory_space<hbm>>
          %dma_wait3A_1015 = arith.constant 0 : i32
          %dma_wait3A_1016 = arith.constant 0 : i32
          %dma_wait3A_1017 = tpu.memref_slice %arg6[%dma_wait3A_1015, %dma_wait3A_1016] : memref<204800x128xf32, #tpu.memory_space<hbm>> -> memref<128x128xf32, #tpu.memory_space<hbm>>
          tpu.wait_dma2 semaphore(%arg24 : memref<!tpu.dma_semaphore, #tpu.memory_space<semaphore_mem>>) src(%arg12 : memref<128x128xf32, #tpu.memory_space<vmem>>) dst(%dma_wait3A_1017 : memref<128x128xf32, #tpu.memory_space<hbm>>)
        } else {
        }
        %jit3A_966 = arith.constant 2 : i32
        %div3A_967 = arith.divsi %add3A_598, %jit3A_966 : i32
        %sign3A_968 = arith.constant 0 : i32
        %sign3A_969 = arith.cmpi sgt, %add3A_598, %sign3A_968 : i32
        %sign3A_970 = arith.extui %sign3A_969 : i1 to i32
        %sign3A_971 = arith.constant 0 : i32
        %sign3A_972 = arith.cmpi slt, %add3A_598, %sign3A_971 : i32
        %sign3A_973 = arith.extui %sign3A_972 : i1 to i32
        %sign3A_974 = arith.subi %sign3A_970, %sign3A_973 : i32
        %sign3A_975 = arith.constant 0 : i32
        %sign3A_976 = arith.cmpi sgt, %jit3A_966, %sign3A_975 : i32
        %sign3A_977 = arith.extui %sign3A_976 : i1 to i32
        %sign3A_978 = arith.constant 0 : i32
        %sign3A_979 = arith.cmpi slt, %jit3A_966, %sign3A_978 : i32
        %sign3A_980 = arith.extui %sign3A_979 : i1 to i32
        %sign3A_981 = arith.subi %sign3A_977, %sign3A_980 : i32
        %ne3A_982 = arith.cmpi ne, %sign3A_974, %sign3A_981 : i32
        %rem3A_983 = arith.remsi %add3A_598, %jit3A_966 : i32
        %ne3A_984 = arith.constant 0 : i32
        %ne3A_985 = arith.cmpi ne, %rem3A_983, %ne3A_984 : i32
        %and3A_986 = arith.andi %ne3A_982, %ne3A_985 : i1
        %sub3A_987 = arith.constant 1 : i32
        %sub3A_988 = arith.subi %div3A_967, %sub3A_987 : i32
        %select_n3A_989 = arith.select %and3A_986, %sub3A_988, %div3A_967 : i32
        %jit3A_990 = arith.constant 2 : i32
        %eq3A_991 = arith.constant 0 : i32
        %eq3A_992 = arith.cmpi eq, %jit3A_990, %eq3A_991 : i32
        %jit3A_993 = arith.constant 1 : i32
        %select_n3A_994 = arith.select %eq3A_992, %jit3A_993, %jit3A_990 : i32
        %rem3A_995 = arith.remsi %add3A_598, %select_n3A_994 : i32
        %ne3A_996 = arith.constant 0 : i32
        %ne3A_997 = arith.cmpi ne, %rem3A_995, %ne3A_996 : i32
        %lt3A_998 = arith.constant 0 : i32
        %lt3A_999 = arith.cmpi slt, %rem3A_995, %lt3A_998 : i32
        %lt3A_1000 = arith.constant 0 : i32
        %lt3A_1001 = arith.cmpi slt, %select_n3A_994, %lt3A_1000 : i32
        %ne3A_1002 = arith.xori %lt3A_999, %lt3A_1001 : i1
        %and3A_1003 = arith.andi %ne3A_1002, %ne3A_997 : i1
        %add3A_1004 = arith.addi %rem3A_995, %select_n3A_994 : i32
        %select_n3A_1005 = arith.select %and3A_1003, %add3A_1004, %rem3A_995 : i32
        %dma_start3A_1006 = arith.constant 0 : i32
        %dma_start3A_1007 = tpu.memref_slice %arg7[%select_n3A_989, %select_n3A_1005, %dma_start3A_1006] : memref<25x2x128xi32, #tpu.memory_space<vmem>> -> memref<1x1x128xi32, #tpu.memory_space<vmem>>
        %dma_start3A_1008 = tpu.memref_squeeze %dma_start3A_1007 : memref<1x1x128xi32, #tpu.memory_space<vmem>> -> memref<128xi32, #tpu.memory_space<vmem>>
        %dma_start3A_1009 = arith.constant 0 : i32
        %dma_start3A_1010 = arith.constant 0 : i32
        %dma_start3A_1011 = tpu.memref_slice %arg5[%dma_start3A_1009, %dma_start3A_1010] : memref<100000x128xf32, #tpu.memory_space<hbm>> -> memref<100000x128xf32, #tpu.memory_space<hbm>>
        tpu.enqueue_indirect_dma source(%dma_start3A_1011 : memref<100000x128xf32, #tpu.memory_space<hbm>>) target(%arg12 : memref<128x128xf32, #tpu.memory_space<vmem>>) offsets(%dma_start3A_1008 : memref<128xi32, #tpu.memory_space<vmem>>) semaphore(%arg18 : memref<!tpu.dma_semaphore, #tpu.memory_space<semaphore_mem>>)
      } else {
      }
      %jit3A_604 = arith.constant 2 : i32
      %div3A_605 = arith.divsi %add3A_590, %jit3A_604 : i32
      %sign3A_606 = arith.constant 0 : i32
      %sign3A_607 = arith.cmpi sgt, %add3A_590, %sign3A_606 : i32
      %sign3A_608 = arith.extui %sign3A_607 : i1 to i32
      %sign3A_609 = arith.constant 0 : i32
      %sign3A_610 = arith.cmpi slt, %add3A_590, %sign3A_609 : i32
      %sign3A_611 = arith.extui %sign3A_610 : i1 to i32
      %sign3A_612 = arith.subi %sign3A_608, %sign3A_611 : i32
      %sign3A_613 = arith.constant 0 : i32
      %sign3A_614 = arith.cmpi sgt, %jit3A_604, %sign3A_613 : i32
      %sign3A_615 = arith.extui %sign3A_614 : i1 to i32
      %sign3A_616 = arith.constant 0 : i32
      %sign3A_617 = arith.cmpi slt, %jit3A_604, %sign3A_616 : i32
      %sign3A_618 = arith.extui %sign3A_617 : i1 to i32
      %sign3A_619 = arith.subi %sign3A_615, %sign3A_618 : i32
      %ne3A_620 = arith.cmpi ne, %sign3A_612, %sign3A_619 : i32
      %rem3A_621 = arith.remsi %add3A_590, %jit3A_604 : i32
      %ne3A_622 = arith.constant 0 : i32
      %ne3A_623 = arith.cmpi ne, %rem3A_621, %ne3A_622 : i32
      %and3A_624 = arith.andi %ne3A_620, %ne3A_623 : i1
      %sub3A_625 = arith.constant 1 : i32
      %sub3A_626 = arith.subi %div3A_605, %sub3A_625 : i32
      %select_n3A_627 = arith.select %and3A_624, %sub3A_626, %div3A_605 : i32
      %get3A_628 = arith.index_cast %select_n3A_627 : i32 to index
      %get3A_629 = arith.constant 0 : index
      %get3A_630 = tpu.vector_load %arg9[%get3A_628, %get3A_629] {strides = array<i32>} : memref<25x128xf32, #tpu.memory_space<vmem>>, vector<1x16xf32>,
      %get3A_631 = vector.shape_cast %get3A_630 : vector<1x16xf32> to vector<16xf32>
      %get3A_632 = arith.index_cast %select_n3A_627 : i32 to index
      %get3A_633 = arith.constant 16 : index
      %get3A_634 = tpu.vector_load %arg9[%get3A_632, %get3A_633] {strides = array<i32>} : memref<25x128xf32, #tpu.memory_space<vmem>>, vector<1x16xf32>,
      %get3A_635 = vector.shape_cast %get3A_634 : vector<1x16xf32> to vector<16xf32>
      %get3A_636 = arith.index_cast %select_n3A_627 : i32 to index
      %get3A_637 = arith.constant 32 : index
      %get3A_638 = tpu.vector_load %arg9[%get3A_636, %get3A_637] {strides = array<i32>} : memref<25x128xf32, #tpu.memory_space<vmem>>, vector<1x16xf32>,
      %get3A_639 = vector.shape_cast %get3A_638 : vector<1x16xf32> to vector<16xf32>
      %get3A_640 = arith.index_cast %select_n3A_627 : i32 to index
      %get3A_641 = arith.constant 48 : index
      %get3A_642 = tpu.vector_load %arg9[%get3A_640, %get3A_641] {strides = array<i32>} : memref<25x128xf32, #tpu.memory_space<vmem>>, vector<1x16xf32>,
      %get3A_643 = vector.shape_cast %get3A_642 : vector<1x16xf32> to vector<16xf32>
      %get3A_644 = arith.index_cast %select_n3A_627 : i32 to index
      %get3A_645 = arith.constant 64 : index
      %get3A_646 = tpu.vector_load %arg9[%get3A_644, %get3A_645] {strides = array<i32>} : memref<25x128xf32, #tpu.memory_space<vmem>>, vector<1x16xf32>,
      %get3A_647 = vector.shape_cast %get3A_646 : vector<1x16xf32> to vector<16xf32>
      %get3A_648 = arith.index_cast %select_n3A_627 : i32 to index
      %get3A_649 = arith.constant 80 : index
      %get3A_650 = tpu.vector_load %arg9[%get3A_648, %get3A_649] {strides = array<i32>} : memref<25x128xf32, #tpu.memory_space<vmem>>, vector<1x16xf32>,
      %get3A_651 = vector.shape_cast %get3A_650 : vector<1x16xf32> to vector<16xf32>
      %get3A_652 = arith.index_cast %select_n3A_627 : i32 to index
      %get3A_653 = arith.constant 96 : index
      %get3A_654 = tpu.vector_load %arg9[%get3A_652, %get3A_653] {strides = array<i32>} : memref<25x128xf32, #tpu.memory_space<vmem>>, vector<1x16xf32>,
      %get3A_655 = vector.shape_cast %get3A_654 : vector<1x16xf32> to vector<16xf32>
      %get3A_656 = arith.index_cast %select_n3A_627 : i32 to index
      %get3A_657 = arith.constant 112 : index
      %get3A_658 = tpu.vector_load %arg9[%get3A_656, %get3A_657] {strides = array<i32>} : memref<25x128xf32, #tpu.memory_space<vmem>>, vector<1x16xf32>,
      %get3A_659 = vector.shape_cast %get3A_658 : vector<1x16xf32> to vector<16xf32>
      %scan3A_660 = arith.constant 0 : i32
      %scan3A_661 = arith.constant 0 : i32
      %scan3A_662 = arith.constant 128 : i32
      %scan3A_663 = arith.addi %scan3A_661, %scan3A_662 : i32
      %scan3A_664 = arith.constant 2 : i32
      scf.for %scan3A_962 = %scan3A_661 to %scan3A_663 step %scan3A_664  : i32 {
        %swap3A = arith.index_cast %scan3A_962 : i32 to index
        %swap3A_963 = arith.constant 0 : index
        %swap3A_964 = tpu.vector_load %arg13[%swap3A, %swap3A_963] {strides = array<i32>} : memref<128x128xf32, #tpu.memory_space<vmem>>, vector<1x16xf32>,
        %swap3A_965 = vector.shape_cast %swap3A_964 : vector<1x16xf32> to vector<16xf32>
        %swap3A_966 = vector.shape_cast %get3A_631 : vector<16xf32> to vector<1x16xf32>
        tpu.vector_store %arg13[%swap3A, %swap3A_963], %swap3A_966 {add = true, strides = array<i32>} : memref<128x128xf32, #tpu.memory_space<vmem>>, vector<1x16xf32>,
        %swap3A_967 = arith.index_cast %scan3A_962 : i32 to index
        %swap3A_968 = arith.constant 16 : index
        %swap3A_969 = tpu.vector_load %arg13[%swap3A_967, %swap3A_968] {strides = array<i32>} : memref<128x128xf32, #tpu.memory_space<vmem>>, vector<1x16xf32>,
        %swap3A_970 = vector.shape_cast %swap3A_969 : vector<1x16xf32> to vector<16xf32>
        %swap3A_971 = vector.shape_cast %get3A_635 : vector<16xf32> to vector<1x16xf32>
        tpu.vector_store %arg13[%swap3A_967, %swap3A_968], %swap3A_971 {add = true, strides = array<i32>} : memref<128x128xf32, #tpu.memory_space<vmem>>, vector<1x16xf32>,
        %swap3A_972 = arith.index_cast %scan3A_962 : i32 to index
        %swap3A_973 = arith.constant 32 : index
        %swap3A_974 = tpu.vector_load %arg13[%swap3A_972, %swap3A_973] {strides = array<i32>} : memref<128x128xf32, #tpu.memory_space<vmem>>, vector<1x16xf32>,
        %swap3A_975 = vector.shape_cast %swap3A_974 : vector<1x16xf32> to vector<16xf32>
        %swap3A_976 = vector.shape_cast %get3A_639 : vector<16xf32> to vector<1x16xf32>
        tpu.vector_store %arg13[%swap3A_972, %swap3A_973], %swap3A_976 {add = true, strides = array<i32>} : memref<128x128xf32, #tpu.memory_space<vmem>>, vector<1x16xf32>,
        %swap3A_977 = arith.index_cast %scan3A_962 : i32 to index
        %swap3A_978 = arith.constant 48 : index
        %swap3A_979 = tpu.vector_load %arg13[%swap3A_977, %swap3A_978] {strides = array<i32>} : memref<128x128xf32, #tpu.memory_space<vmem>>, vector<1x16xf32>,
        %swap3A_980 = vector.shape_cast %swap3A_979 : vector<1x16xf32> to vector<16xf32>
        %swap3A_981 = vector.shape_cast %get3A_643 : vector<16xf32> to vector<1x16xf32>
        tpu.vector_store %arg13[%swap3A_977, %swap3A_978], %swap3A_981 {add = true, strides = array<i32>} : memref<128x128xf32, #tpu.memory_space<vmem>>, vector<1x16xf32>,
        %swap3A_982 = arith.index_cast %scan3A_962 : i32 to index
        %swap3A_983 = arith.constant 64 : index
        %swap3A_984 = tpu.vector_load %arg13[%swap3A_982, %swap3A_983] {strides = array<i32>} : memref<128x128xf32, #tpu.memory_space<vmem>>, vector<1x16xf32>,
        %swap3A_985 = vector.shape_cast %swap3A_984 : vector<1x16xf32> to vector<16xf32>
        %swap3A_986 = vector.shape_cast %get3A_647 : vector<16xf32> to vector<1x16xf32>
        tpu.vector_store %arg13[%swap3A_982, %swap3A_983], %swap3A_986 {add = true, strides = array<i32>} : memref<128x128xf32, #tpu.memory_space<vmem>>, vector<1x16xf32>,
        %swap3A_987 = arith.index_cast %scan3A_962 : i32 to index
        %swap3A_988 = arith.constant 80 : index
        %swap3A_989 = tpu.vector_load %arg13[%swap3A_987, %swap3A_988] {strides = array<i32>} : memref<128x128xf32, #tpu.memory_space<vmem>>, vector<1x16xf32>,
        %swap3A_990 = vector.shape_cast %swap3A_989 : vector<1x16xf32> to vector<16xf32>
        %swap3A_991 = vector.shape_cast %get3A_651 : vector<16xf32> to vector<1x16xf32>
        tpu.vector_store %arg13[%swap3A_987, %swap3A_988], %swap3A_991 {add = true, strides = array<i32>} : memref<128x128xf32, #tpu.memory_space<vmem>>, vector<1x16xf32>,
        %swap3A_992 = arith.index_cast %scan3A_962 : i32 to index
        %swap3A_993 = arith.constant 96 : index
        %swap3A_994 = tpu.vector_load %arg13[%swap3A_992, %swap3A_993] {strides = array<i32>} : memref<128x128xf32, #tpu.memory_space<vmem>>, vector<1x16xf32>,
        %swap3A_995 = vector.shape_cast %swap3A_994 : vector<1x16xf32> to vector<16xf32>
        %swap3A_996 = vector.shape_cast %get3A_655 : vector<16xf32> to vector<1x16xf32>
        tpu.vector_store %arg13[%swap3A_992, %swap3A_993], %swap3A_996 {add = true, strides = array<i32>} : memref<128x128xf32, #tpu.memory_space<vmem>>, vector<1x16xf32>,
        %swap3A_997 = arith.index_cast %scan3A_962 : i32 to index
        %swap3A_998 = arith.constant 112 : index
        %swap3A_999 = tpu.vector_load %arg13[%swap3A_997, %swap3A_998] {strides = array<i32>} : memref<128x128xf32, #tpu.memory_space<vmem>>, vector<1x16xf32>,
        %swap3A_1000 = vector.shape_cast %swap3A_999 : vector<1x16xf32> to vector<16xf32>
        %swap3A_1001 = vector.shape_cast %get3A_659 : vector<16xf32> to vector<1x16xf32>
        tpu.vector_store %arg13[%swap3A_997, %swap3A_998], %swap3A_1001 {add = true, strides = array<i32>} : memref<128x128xf32, #tpu.memory_space<vmem>>, vector<1x16xf32>,
        %scan3A_1002 = arith.constant 1 : i32
        %scan3A_1003 = arith.addi %scan3A_962, %scan3A_1002 : i32
        %swap3A_1004 = arith.index_cast %scan3A_1003 : i32 to index
        %swap3A_1005 = arith.constant 0 : index
        %swap3A_1006 = tpu.vector_load %arg13[%swap3A_1004, %swap3A_1005] {strides = array<i32>} : memref<128x128xf32, #tpu.memory_space<vmem>>, vector<1x16xf32>,
        %swap3A_1007 = vector.shape_cast %swap3A_1006 : vector<1x16xf32> to vector<16xf32>
        %swap3A_1008 = vector.shape_cast %get3A_631 : vector<16xf32> to vector<1x16xf32>
        tpu.vector_store %arg13[%swap3A_1004, %swap3A_1005], %swap3A_1008 {add = true, strides = array<i32>} : memref<128x128xf32, #tpu.memory_space<vmem>>, vector<1x16xf32>,
        %swap3A_1009 = arith.index_cast %scan3A_1003 : i32 to index
        %swap3A_1010 = arith.constant 16 : index
        %swap3A_1011 = tpu.vector_load %arg13[%swap3A_1009, %swap3A_1010] {strides = array<i32>} : memref<128x128xf32, #tpu.memory_space<vmem>>, vector<1x16xf32>,
        %swap3A_1012 = vector.shape_cast %swap3A_1011 : vector<1x16xf32> to vector<16xf32>
        %swap3A_1013 = vector.shape_cast %get3A_635 : vector<16xf32> to vector<1x16xf32>
        tpu.vector_store %arg13[%swap3A_1009, %swap3A_1010], %swap3A_1013 {add = true, strides = array<i32>} : memref<128x128xf32, #tpu.memory_space<vmem>>, vector<1x16xf32>,
        %swap3A_1014 = arith.index_cast %scan3A_1003 : i32 to index
        %swap3A_1015 = arith.constant 32 : index
        %swap3A_1016 = tpu.vector_load %arg13[%swap3A_1014, %swap3A_1015] {strides = array<i32>} : memref<128x128xf32, #tpu.memory_space<vmem>>, vector<1x16xf32>,
        %swap3A_1017 = vector.shape_cast %swap3A_1016 : vector<1x16xf32> to vector<16xf32>
        %swap3A_1018 = vector.shape_cast %get3A_639 : vector<16xf32> to vector<1x16xf32>
        tpu.vector_store %arg13[%swap3A_1014, %swap3A_1015], %swap3A_1018 {add = true, strides = array<i32>} : memref<128x128xf32, #tpu.memory_space<vmem>>, vector<1x16xf32>,
        %swap3A_1019 = arith.index_cast %scan3A_1003 : i32 to index
        %swap3A_1020 = arith.constant 48 : index
        %swap3A_1021 = tpu.vector_load %arg13[%swap3A_1019, %swap3A_1020] {strides = array<i32>} : memref<128x128xf32, #tpu.memory_space<vmem>>, vector<1x16xf32>,
        %swap3A_1022 = vector.shape_cast %swap3A_1021 : vector<1x16xf32> to vector<16xf32>
        %swap3A_1023 = vector.shape_cast %get3A_643 : vector<16xf32> to vector<1x16xf32>
        tpu.vector_store %arg13[%swap3A_1019, %swap3A_1020], %swap3A_1023 {add = true, strides = array<i32>} : memref<128x128xf32, #tpu.memory_space<vmem>>, vector<1x16xf32>,
        %swap3A_1024 = arith.index_cast %scan3A_1003 : i32 to index
        %swap3A_1025 = arith.constant 64 : index
        %swap3A_1026 = tpu.vector_load %arg13[%swap3A_1024, %swap3A_1025] {strides = array<i32>} : memref<128x128xf32, #tpu.memory_space<vmem>>, vector<1x16xf32>,
        %swap3A_1027 = vector.shape_cast %swap3A_1026 : vector<1x16xf32> to vector<16xf32>
        %swap3A_1028 = vector.shape_cast %get3A_647 : vector<16xf32> to vector<1x16xf32>
        tpu.vector_store %arg13[%swap3A_1024, %swap3A_1025], %swap3A_1028 {add = true, strides = array<i32>} : memref<128x128xf32, #tpu.memory_space<vmem>>, vector<1x16xf32>,
        %swap3A_1029 = arith.index_cast %scan3A_1003 : i32 to index
        %swap3A_1030 = arith.constant 80 : index
        %swap3A_1031 = tpu.vector_load %arg13[%swap3A_1029, %swap3A_1030] {strides = array<i32>} : memref<128x128xf32, #tpu.memory_space<vmem>>, vector<1x16xf32>,
        %swap3A_1032 = vector.shape_cast %swap3A_1031 : vector<1x16xf32> to vector<16xf32>
        %swap3A_1033 = vector.shape_cast %get3A_651 : vector<16xf32> to vector<1x16xf32>
        tpu.vector_store %arg13[%swap3A_1029, %swap3A_1030], %swap3A_1033 {add = true, strides = array<i32>} : memref<128x128xf32, #tpu.memory_space<vmem>>, vector<1x16xf32>,
        %swap3A_1034 = arith.index_cast %scan3A_1003 : i32 to index
        %swap3A_1035 = arith.constant 96 : index
        %swap3A_1036 = tpu.vector_load %arg13[%swap3A_1034, %swap3A_1035] {strides = array<i32>} : memref<128x128xf32, #tpu.memory_space<vmem>>, vector<1x16xf32>,
        %swap3A_1037 = vector.shape_cast %swap3A_1036 : vector<1x16xf32> to vector<16xf32>
        %swap3A_1038 = vector.shape_cast %get3A_655 : vector<16xf32> to vector<1x16xf32>
        tpu.vector_store %arg13[%swap3A_1034, %swap3A_1035], %swap3A_1038 {add = true, strides = array<i32>} : memref<128x128xf32, #tpu.memory_space<vmem>>, vector<1x16xf32>,
        %swap3A_1039 = arith.index_cast %scan3A_1003 : i32 to index
        %swap3A_1040 = arith.constant 112 : index
        %swap3A_1041 = tpu.vector_load %arg13[%swap3A_1039, %swap3A_1040] {strides = array<i32>} : memref<128x128xf32, #tpu.memory_space<vmem>>, vector<1x16xf32>,
        %swap3A_1042 = vector.shape_cast %swap3A_1041 : vector<1x16xf32> to vector<16xf32>
        %swap3A_1043 = vector.shape_cast %get3A_659 : vector<16xf32> to vector<1x16xf32>
        tpu.vector_store %arg13[%swap3A_1039, %swap3A_1040], %swap3A_1043 {add = true, strides = array<i32>} : memref<128x128xf32, #tpu.memory_space<vmem>>, vector<1x16xf32>,
      }
      %scan3A_665 = arith.constant 128 : i32
      %jit3A_666 = arith.constant 2 : i32
      %div3A_667 = arith.divsi %add3A_590, %jit3A_666 : i32
      %sign3A_668 = arith.constant 0 : i32
      %sign3A_669 = arith.cmpi sgt, %add3A_590, %sign3A_668 : i32
      %sign3A_670 = arith.extui %sign3A_669 : i1 to i32
      %sign3A_671 = arith.constant 0 : i32
      %sign3A_672 = arith.cmpi slt, %add3A_590, %sign3A_671 : i32
      %sign3A_673 = arith.extui %sign3A_672 : i1 to i32
      %sign3A_674 = arith.subi %sign3A_670, %sign3A_673 : i32
      %sign3A_675 = arith.constant 0 : i32
      %sign3A_676 = arith.cmpi sgt, %jit3A_666, %sign3A_675 : i32
      %sign3A_677 = arith.extui %sign3A_676 : i1 to i32
      %sign3A_678 = arith.constant 0 : i32
      %sign3A_679 = arith.cmpi slt, %jit3A_666, %sign3A_678 : i32
      %sign3A_680 = arith.extui %sign3A_679 : i1 to i32
      %sign3A_681 = arith.subi %sign3A_677, %sign3A_680 : i32
      %ne3A_682 = arith.cmpi ne, %sign3A_674, %sign3A_681 : i32
      %rem3A_683 = arith.remsi %add3A_590, %jit3A_666 : i32
      %ne3A_684 = arith.constant 0 : i32
      %ne3A_685 = arith.cmpi ne, %rem3A_683, %ne3A_684 : i32
      %and3A_686 = arith.andi %ne3A_682, %ne3A_685 : i1
      %sub3A_687 = arith.constant 1 : i32
      %sub3A_688 = arith.subi %div3A_667, %sub3A_687 : i32
      %select_n3A_689 = arith.select %and3A_686, %sub3A_688, %div3A_667 : i32
      %jit3A_690 = arith.constant 2 : i32
      %eq3A_691 = arith.constant 0 : i32
      %eq3A_692 = arith.cmpi eq, %jit3A_690, %eq3A_691 : i32
      %jit3A_693 = arith.constant 1 : i32
      %select_n3A_694 = arith.select %eq3A_692, %jit3A_693, %jit3A_690 : i32
      %rem3A_695 = arith.remsi %add3A_590, %select_n3A_694 : i32
      %ne3A_696 = arith.constant 0 : i32
      %ne3A_697 = arith.cmpi ne, %rem3A_695, %ne3A_696 : i32
      %lt3A_698 = arith.constant 0 : i32
      %lt3A_699 = arith.cmpi slt, %rem3A_695, %lt3A_698 : i32
      %lt3A_700 = arith.constant 0 : i32
      %lt3A_701 = arith.cmpi slt, %select_n3A_694, %lt3A_700 : i32
      %ne3A_702 = arith.xori %lt3A_699, %lt3A_701 : i1
      %and3A_703 = arith.andi %ne3A_702, %ne3A_697 : i1
      %add3A_704 = arith.addi %rem3A_695, %select_n3A_694 : i32
      %select_n3A_705 = arith.select %and3A_703, %add3A_704, %rem3A_695 : i32
      %dma_start3A_706 = arith.constant 0 : i32
      %dma_start3A_707 = tpu.memref_slice %arg8[%select_n3A_689, %select_n3A_705, %dma_start3A_706] : memref<25x2x128xi32, #tpu.memory_space<vmem>> -> memref<1x1x128xi32, #tpu.memory_space<vmem>>
      %dma_start3A_708 = tpu.memref_squeeze %dma_start3A_707 : memref<1x1x128xi32, #tpu.memory_space<vmem>> -> memref<128xi32, #tpu.memory_space<vmem>>
      %dma_start3A_709 = arith.constant 0 : i32
      %dma_start3A_710 = arith.constant 0 : i32
      %dma_start3A_711 = tpu.memref_slice %arg6[%dma_start3A_709, %dma_start3A_710] : memref<204800x128xf32, #tpu.memory_space<hbm>> -> memref<204800x128xf32, #tpu.memory_space<hbm>>
      tpu.enqueue_indirect_dma source(%arg13 : memref<128x128xf32, #tpu.memory_space<vmem>>) target(%dma_start3A_711 : memref<204800x128xf32, #tpu.memory_space<hbm>>) offsets(%dma_start3A_708 : memref<128xi32, #tpu.memory_space<vmem>>) semaphore(%arg25 : memref<!tpu.dma_semaphore, #tpu.memory_space<semaphore_mem>>)
      %mul3A_712 = arith.constant 6 : i32
      %mul3A_713 = arith.muli %scan3A_215, %mul3A_712 : i32
      %add3A_714 = arith.constant 4 : i32
      %add3A_715 = arith.addi %mul3A_713, %add3A_714 : i32
      %dma_wait3A_716 = arith.constant 0 : i32
      %dma_wait3A_717 = arith.constant 0 : i32
      %dma_wait3A_718 = tpu.memref_slice %arg5[%dma_wait3A_716, %dma_wait3A_717] : memref<100000x128xf32, #tpu.memory_space<hbm>> -> memref<128x128xf32, #tpu.memory_space<hbm>>
      %dma_wait3A_719 = arith.constant 0 : i32
      %dma_wait3A_720 = arith.constant 0 : i32
      %dma_wait3A_721 = tpu.memref_slice %arg5[%dma_wait3A_719, %dma_wait3A_720] : memref<100000x128xf32, #tpu.memory_space<hbm>> -> memref<128x128xf32, #tpu.memory_space<hbm>>
      tpu.wait_dma2 semaphore(%arg20 : memref<!tpu.dma_semaphore, #tpu.memory_space<semaphore_mem>>) src(%dma_wait3A_721 : memref<128x128xf32, #tpu.memory_space<hbm>>) dst(%arg14 : memref<128x128xf32, #tpu.memory_space<vmem>>)
      %add3A_722 = arith.constant 5 : i32
      %add3A_723 = arith.addi %add3A_715, %add3A_722 : i32
      %lt3A_724 = arith.constant 50 : i32
      %lt3A_725 = arith.cmpi slt, %add3A_723, %lt3A_724 : i32
      %convert_element_type3A_726 = arith.extui %lt3A_725 : i1 to i32
      %cond3A_727 = arith.constant 0 : i32
      %cond3A_728 = arith.cmpi ne, %convert_element_type3A_726, %cond3A_727 : i32
      scf.if %cond3A_728 {
        %ge3A = arith.constant 6 : i32
        %ge3A_962 = arith.cmpi sge, %add3A_723, %ge3A : i32
        %convert_element_type3A_963 = arith.extui %ge3A_962 : i1 to i32
        %cond3A_964 = arith.constant 0 : i32
        %cond3A_965 = arith.cmpi ne, %convert_element_type3A_963, %cond3A_964 : i32
        scf.if %cond3A_965 {
          %dma_wait3A_1012 = arith.constant 0 : i32
          %dma_wait3A_1013 = arith.constant 0 : i32
          %dma_wait3A_1014 = tpu.memref_slice %arg6[%dma_wait3A_1012, %dma_wait3A_1013] : memref<204800x128xf32, #tpu.memory_space<hbm>> -> memref<128x128xf32, #tpu.memory_space<hbm>>
          %dma_wait3A_1015 = arith.constant 0 : i32
          %dma_wait3A_1016 = arith.constant 0 : i32
          %dma_wait3A_1017 = tpu.memref_slice %arg6[%dma_wait3A_1015, %dma_wait3A_1016] : memref<204800x128xf32, #tpu.memory_space<hbm>> -> memref<128x128xf32, #tpu.memory_space<hbm>>
          tpu.wait_dma2 semaphore(%arg25 : memref<!tpu.dma_semaphore, #tpu.memory_space<semaphore_mem>>) src(%arg13 : memref<128x128xf32, #tpu.memory_space<vmem>>) dst(%dma_wait3A_1017 : memref<128x128xf32, #tpu.memory_space<hbm>>)
        } else {
        }
        %jit3A_966 = arith.constant 2 : i32
        %div3A_967 = arith.divsi %add3A_723, %jit3A_966 : i32
        %sign3A_968 = arith.constant 0 : i32
        %sign3A_969 = arith.cmpi sgt, %add3A_723, %sign3A_968 : i32
        %sign3A_970 = arith.extui %sign3A_969 : i1 to i32
        %sign3A_971 = arith.constant 0 : i32
        %sign3A_972 = arith.cmpi slt, %add3A_723, %sign3A_971 : i32
        %sign3A_973 = arith.extui %sign3A_972 : i1 to i32
        %sign3A_974 = arith.subi %sign3A_970, %sign3A_973 : i32
        %sign3A_975 = arith.constant 0 : i32
        %sign3A_976 = arith.cmpi sgt, %jit3A_966, %sign3A_975 : i32
        %sign3A_977 = arith.extui %sign3A_976 : i1 to i32
        %sign3A_978 = arith.constant 0 : i32
        %sign3A_979 = arith.cmpi slt, %jit3A_966, %sign3A_978 : i32
        %sign3A_980 = arith.extui %sign3A_979 : i1 to i32
        %sign3A_981 = arith.subi %sign3A_977, %sign3A_980 : i32
        %ne3A_982 = arith.cmpi ne, %sign3A_974, %sign3A_981 : i32
        %rem3A_983 = arith.remsi %add3A_723, %jit3A_966 : i32
        %ne3A_984 = arith.constant 0 : i32
        %ne3A_985 = arith.cmpi ne, %rem3A_983, %ne3A_984 : i32
        %and3A_986 = arith.andi %ne3A_982, %ne3A_985 : i1
        %sub3A_987 = arith.constant 1 : i32
        %sub3A_988 = arith.subi %div3A_967, %sub3A_987 : i32
        %select_n3A_989 = arith.select %and3A_986, %sub3A_988, %div3A_967 : i32
        %jit3A_990 = arith.constant 2 : i32
        %eq3A_991 = arith.constant 0 : i32
        %eq3A_992 = arith.cmpi eq, %jit3A_990, %eq3A_991 : i32
        %jit3A_993 = arith.constant 1 : i32
        %select_n3A_994 = arith.select %eq3A_992, %jit3A_993, %jit3A_990 : i32
        %rem3A_995 = arith.remsi %add3A_723, %select_n3A_994 : i32
        %ne3A_996 = arith.constant 0 : i32
        %ne3A_997 = arith.cmpi ne, %rem3A_995, %ne3A_996 : i32
        %lt3A_998 = arith.constant 0 : i32
        %lt3A_999 = arith.cmpi slt, %rem3A_995, %lt3A_998 : i32
        %lt3A_1000 = arith.constant 0 : i32
        %lt3A_1001 = arith.cmpi slt, %select_n3A_994, %lt3A_1000 : i32
        %ne3A_1002 = arith.xori %lt3A_999, %lt3A_1001 : i1
        %and3A_1003 = arith.andi %ne3A_1002, %ne3A_997 : i1
        %add3A_1004 = arith.addi %rem3A_995, %select_n3A_994 : i32
        %select_n3A_1005 = arith.select %and3A_1003, %add3A_1004, %rem3A_995 : i32
        %dma_start3A_1006 = arith.constant 0 : i32
        %dma_start3A_1007 = tpu.memref_slice %arg7[%select_n3A_989, %select_n3A_1005, %dma_start3A_1006] : memref<25x2x128xi32, #tpu.memory_space<vmem>> -> memref<1x1x128xi32, #tpu.memory_space<vmem>>
        %dma_start3A_1008 = tpu.memref_squeeze %dma_start3A_1007 : memref<1x1x128xi32, #tpu.memory_space<vmem>> -> memref<128xi32, #tpu.memory_space<vmem>>
        %dma_start3A_1009 = arith.constant 0 : i32
        %dma_start3A_1010 = arith.constant 0 : i32
        %dma_start3A_1011 = tpu.memref_slice %arg5[%dma_start3A_1009, %dma_start3A_1010] : memref<100000x128xf32, #tpu.memory_space<hbm>> -> memref<100000x128xf32, #tpu.memory_space<hbm>>
        tpu.enqueue_indirect_dma source(%dma_start3A_1011 : memref<100000x128xf32, #tpu.memory_space<hbm>>) target(%arg13 : memref<128x128xf32, #tpu.memory_space<vmem>>) offsets(%dma_start3A_1008 : memref<128xi32, #tpu.memory_space<vmem>>) semaphore(%arg19 : memref<!tpu.dma_semaphore, #tpu.memory_space<semaphore_mem>>)
      } else {
      }
      %jit3A_729 = arith.constant 2 : i32
      %div3A_730 = arith.divsi %add3A_715, %jit3A_729 : i32
      %sign3A_731 = arith.constant 0 : i32
      %sign3A_732 = arith.cmpi sgt, %add3A_715, %sign3A_731 : i32
      %sign3A_733 = arith.extui %sign3A_732 : i1 to i32
      %sign3A_734 = arith.constant 0 : i32
      %sign3A_735 = arith.cmpi slt, %add3A_715, %sign3A_734 : i32
      %sign3A_736 = arith.extui %sign3A_735 : i1 to i32
      %sign3A_737 = arith.subi %sign3A_733, %sign3A_736 : i32
      %sign3A_738 = arith.constant 0 : i32
      %sign3A_739 = arith.cmpi sgt, %jit3A_729, %sign3A_738 : i32
      %sign3A_740 = arith.extui %sign3A_739 : i1 to i32
      %sign3A_741 = arith.constant 0 : i32
      %sign3A_742 = arith.cmpi slt, %jit3A_729, %sign3A_741 : i32
      %sign3A_743 = arith.extui %sign3A_742 : i1 to i32
      %sign3A_744 = arith.subi %sign3A_740, %sign3A_743 : i32
      %ne3A_745 = arith.cmpi ne, %sign3A_737, %sign3A_744 : i32
      %rem3A_746 = arith.remsi %add3A_715, %jit3A_729 : i32
      %ne3A_747 = arith.constant 0 : i32
      %ne3A_748 = arith.cmpi ne, %rem3A_746, %ne3A_747 : i32
      %and3A_749 = arith.andi %ne3A_745, %ne3A_748 : i1
      %sub3A_750 = arith.constant 1 : i32
      %sub3A_751 = arith.subi %div3A_730, %sub3A_750 : i32
      %select_n3A_752 = arith.select %and3A_749, %sub3A_751, %div3A_730 : i32
      %get3A_753 = arith.index_cast %select_n3A_752 : i32 to index
      %get3A_754 = arith.constant 0 : index
      %get3A_755 = tpu.vector_load %arg9[%get3A_753, %get3A_754] {strides = array<i32>} : memref<25x128xf32, #tpu.memory_space<vmem>>, vector<1x16xf32>,
      %get3A_756 = vector.shape_cast %get3A_755 : vector<1x16xf32> to vector<16xf32>
      %get3A_757 = arith.index_cast %select_n3A_752 : i32 to index
      %get3A_758 = arith.constant 16 : index
      %get3A_759 = tpu.vector_load %arg9[%get3A_757, %get3A_758] {strides = array<i32>} : memref<25x128xf32, #tpu.memory_space<vmem>>, vector<1x16xf32>,
      %get3A_760 = vector.shape_cast %get3A_759 : vector<1x16xf32> to vector<16xf32>
      %get3A_761 = arith.index_cast %select_n3A_752 : i32 to index
      %get3A_762 = arith.constant 32 : index
      %get3A_763 = tpu.vector_load %arg9[%get3A_761, %get3A_762] {strides = array<i32>} : memref<25x128xf32, #tpu.memory_space<vmem>>, vector<1x16xf32>,
      %get3A_764 = vector.shape_cast %get3A_763 : vector<1x16xf32> to vector<16xf32>
      %get3A_765 = arith.index_cast %select_n3A_752 : i32 to index
      %get3A_766 = arith.constant 48 : index
      %get3A_767 = tpu.vector_load %arg9[%get3A_765, %get3A_766] {strides = array<i32>} : memref<25x128xf32, #tpu.memory_space<vmem>>, vector<1x16xf32>,
      %get3A_768 = vector.shape_cast %get3A_767 : vector<1x16xf32> to vector<16xf32>
      %get3A_769 = arith.index_cast %select_n3A_752 : i32 to index
      %get3A_770 = arith.constant 64 : index
      %get3A_771 = tpu.vector_load %arg9[%get3A_769, %get3A_770] {strides = array<i32>} : memref<25x128xf32, #tpu.memory_space<vmem>>, vector<1x16xf32>,
      %get3A_772 = vector.shape_cast %get3A_771 : vector<1x16xf32> to vector<16xf32>
      %get3A_773 = arith.index_cast %select_n3A_752 : i32 to index
      %get3A_774 = arith.constant 80 : index
      %get3A_775 = tpu.vector_load %arg9[%get3A_773, %get3A_774] {strides = array<i32>} : memref<25x128xf32, #tpu.memory_space<vmem>>, vector<1x16xf32>,
      %get3A_776 = vector.shape_cast %get3A_775 : vector<1x16xf32> to vector<16xf32>
      %get3A_777 = arith.index_cast %select_n3A_752 : i32 to index
      %get3A_778 = arith.constant 96 : index
      %get3A_779 = tpu.vector_load %arg9[%get3A_777, %get3A_778] {strides = array<i32>} : memref<25x128xf32, #tpu.memory_space<vmem>>, vector<1x16xf32>,
      %get3A_780 = vector.shape_cast %get3A_779 : vector<1x16xf32> to vector<16xf32>
      %get3A_781 = arith.index_cast %select_n3A_752 : i32 to index
      %get3A_782 = arith.constant 112 : index
      %get3A_783 = tpu.vector_load %arg9[%get3A_781, %get3A_782] {strides = array<i32>} : memref<25x128xf32, #tpu.memory_space<vmem>>, vector<1x16xf32>,
      %get3A_784 = vector.shape_cast %get3A_783 : vector<1x16xf32> to vector<16xf32>
      %scan3A_785 = arith.constant 0 : i32
      %scan3A_786 = arith.constant 0 : i32
      %scan3A_787 = arith.constant 128 : i32
      %scan3A_788 = arith.addi %scan3A_786, %scan3A_787 : i32
      %scan3A_789 = arith.constant 2 : i32
      scf.for %scan3A_962 = %scan3A_786 to %scan3A_788 step %scan3A_789  : i32 {
        %swap3A = arith.index_cast %scan3A_962 : i32 to index
        %swap3A_963 = arith.constant 0 : index
        %swap3A_964 = tpu.vector_load %arg14[%swap3A, %swap3A_963] {strides = array<i32>} : memref<128x128xf32, #tpu.memory_space<vmem>>, vector<1x16xf32>,
        %swap3A_965 = vector.shape_cast %swap3A_964 : vector<1x16xf32> to vector<16xf32>
        %swap3A_966 = vector.shape_cast %get3A_756 : vector<16xf32> to vector<1x16xf32>
        tpu.vector_store %arg14[%swap3A, %swap3A_963], %swap3A_966 {add = true, strides = array<i32>} : memref<128x128xf32, #tpu.memory_space<vmem>>, vector<1x16xf32>,
        %swap3A_967 = arith.index_cast %scan3A_962 : i32 to index
        %swap3A_968 = arith.constant 16 : index
        %swap3A_969 = tpu.vector_load %arg14[%swap3A_967, %swap3A_968] {strides = array<i32>} : memref<128x128xf32, #tpu.memory_space<vmem>>, vector<1x16xf32>,
        %swap3A_970 = vector.shape_cast %swap3A_969 : vector<1x16xf32> to vector<16xf32>
        %swap3A_971 = vector.shape_cast %get3A_760 : vector<16xf32> to vector<1x16xf32>
        tpu.vector_store %arg14[%swap3A_967, %swap3A_968], %swap3A_971 {add = true, strides = array<i32>} : memref<128x128xf32, #tpu.memory_space<vmem>>, vector<1x16xf32>,
        %swap3A_972 = arith.index_cast %scan3A_962 : i32 to index
        %swap3A_973 = arith.constant 32 : index
        %swap3A_974 = tpu.vector_load %arg14[%swap3A_972, %swap3A_973] {strides = array<i32>} : memref<128x128xf32, #tpu.memory_space<vmem>>, vector<1x16xf32>,
        %swap3A_975 = vector.shape_cast %swap3A_974 : vector<1x16xf32> to vector<16xf32>
        %swap3A_976 = vector.shape_cast %get3A_764 : vector<16xf32> to vector<1x16xf32>
        tpu.vector_store %arg14[%swap3A_972, %swap3A_973], %swap3A_976 {add = true, strides = array<i32>} : memref<128x128xf32, #tpu.memory_space<vmem>>, vector<1x16xf32>,
        %swap3A_977 = arith.index_cast %scan3A_962 : i32 to index
        %swap3A_978 = arith.constant 48 : index
        %swap3A_979 = tpu.vector_load %arg14[%swap3A_977, %swap3A_978] {strides = array<i32>} : memref<128x128xf32, #tpu.memory_space<vmem>>, vector<1x16xf32>,
        %swap3A_980 = vector.shape_cast %swap3A_979 : vector<1x16xf32> to vector<16xf32>
        %swap3A_981 = vector.shape_cast %get3A_768 : vector<16xf32> to vector<1x16xf32>
        tpu.vector_store %arg14[%swap3A_977, %swap3A_978], %swap3A_981 {add = true, strides = array<i32>} : memref<128x128xf32, #tpu.memory_space<vmem>>, vector<1x16xf32>,
        %swap3A_982 = arith.index_cast %scan3A_962 : i32 to index
        %swap3A_983 = arith.constant 64 : index
        %swap3A_984 = tpu.vector_load %arg14[%swap3A_982, %swap3A_983] {strides = array<i32>} : memref<128x128xf32, #tpu.memory_space<vmem>>, vector<1x16xf32>,
        %swap3A_985 = vector.shape_cast %swap3A_984 : vector<1x16xf32> to vector<16xf32>
        %swap3A_986 = vector.shape_cast %get3A_772 : vector<16xf32> to vector<1x16xf32>
        tpu.vector_store %arg14[%swap3A_982, %swap3A_983], %swap3A_986 {add = true, strides = array<i32>} : memref<128x128xf32, #tpu.memory_space<vmem>>, vector<1x16xf32>,
        %swap3A_987 = arith.index_cast %scan3A_962 : i32 to index
        %swap3A_988 = arith.constant 80 : index
        %swap3A_989 = tpu.vector_load %arg14[%swap3A_987, %swap3A_988] {strides = array<i32>} : memref<128x128xf32, #tpu.memory_space<vmem>>, vector<1x16xf32>,
        %swap3A_990 = vector.shape_cast %swap3A_989 : vector<1x16xf32> to vector<16xf32>
        %swap3A_991 = vector.shape_cast %get3A_776 : vector<16xf32> to vector<1x16xf32>
        tpu.vector_store %arg14[%swap3A_987, %swap3A_988], %swap3A_991 {add = true, strides = array<i32>} : memref<128x128xf32, #tpu.memory_space<vmem>>, vector<1x16xf32>,
        %swap3A_992 = arith.index_cast %scan3A_962 : i32 to index
        %swap3A_993 = arith.constant 96 : index
        %swap3A_994 = tpu.vector_load %arg14[%swap3A_992, %swap3A_993] {strides = array<i32>} : memref<128x128xf32, #tpu.memory_space<vmem>>, vector<1x16xf32>,
        %swap3A_995 = vector.shape_cast %swap3A_994 : vector<1x16xf32> to vector<16xf32>
        %swap3A_996 = vector.shape_cast %get3A_780 : vector<16xf32> to vector<1x16xf32>
        tpu.vector_store %arg14[%swap3A_992, %swap3A_993], %swap3A_996 {add = true, strides = array<i32>} : memref<128x128xf32, #tpu.memory_space<vmem>>, vector<1x16xf32>,
        %swap3A_997 = arith.index_cast %scan3A_962 : i32 to index
        %swap3A_998 = arith.constant 112 : index
        %swap3A_999 = tpu.vector_load %arg14[%swap3A_997, %swap3A_998] {strides = array<i32>} : memref<128x128xf32, #tpu.memory_space<vmem>>, vector<1x16xf32>,
        %swap3A_1000 = vector.shape_cast %swap3A_999 : vector<1x16xf32> to vector<16xf32>
        %swap3A_1001 = vector.shape_cast %get3A_784 : vector<16xf32> to vector<1x16xf32>
        tpu.vector_store %arg14[%swap3A_997, %swap3A_998], %swap3A_1001 {add = true, strides = array<i32>} : memref<128x128xf32, #tpu.memory_space<vmem>>, vector<1x16xf32>,
        %scan3A_1002 = arith.constant 1 : i32
        %scan3A_1003 = arith.addi %scan3A_962, %scan3A_1002 : i32
        %swap3A_1004 = arith.index_cast %scan3A_1003 : i32 to index
        %swap3A_1005 = arith.constant 0 : index
        %swap3A_1006 = tpu.vector_load %arg14[%swap3A_1004, %swap3A_1005] {strides = array<i32>} : memref<128x128xf32, #tpu.memory_space<vmem>>, vector<1x16xf32>,
        %swap3A_1007 = vector.shape_cast %swap3A_1006 : vector<1x16xf32> to vector<16xf32>
        %swap3A_1008 = vector.shape_cast %get3A_756 : vector<16xf32> to vector<1x16xf32>
        tpu.vector_store %arg14[%swap3A_1004, %swap3A_1005], %swap3A_1008 {add = true, strides = array<i32>} : memref<128x128xf32, #tpu.memory_space<vmem>>, vector<1x16xf32>,
        %swap3A_1009 = arith.index_cast %scan3A_1003 : i32 to index
        %swap3A_1010 = arith.constant 16 : index
        %swap3A_1011 = tpu.vector_load %arg14[%swap3A_1009, %swap3A_1010] {strides = array<i32>} : memref<128x128xf32, #tpu.memory_space<vmem>>, vector<1x16xf32>,
        %swap3A_1012 = vector.shape_cast %swap3A_1011 : vector<1x16xf32> to vector<16xf32>
        %swap3A_1013 = vector.shape_cast %get3A_760 : vector<16xf32> to vector<1x16xf32>
        tpu.vector_store %arg14[%swap3A_1009, %swap3A_1010], %swap3A_1013 {add = true, strides = array<i32>} : memref<128x128xf32, #tpu.memory_space<vmem>>, vector<1x16xf32>,
        %swap3A_1014 = arith.index_cast %scan3A_1003 : i32 to index
        %swap3A_1015 = arith.constant 32 : index
        %swap3A_1016 = tpu.vector_load %arg14[%swap3A_1014, %swap3A_1015] {strides = array<i32>} : memref<128x128xf32, #tpu.memory_space<vmem>>, vector<1x16xf32>,
        %swap3A_1017 = vector.shape_cast %swap3A_1016 : vector<1x16xf32> to vector<16xf32>
        %swap3A_1018 = vector.shape_cast %get3A_764 : vector<16xf32> to vector<1x16xf32>
        tpu.vector_store %arg14[%swap3A_1014, %swap3A_1015], %swap3A_1018 {add = true, strides = array<i32>} : memref<128x128xf32, #tpu.memory_space<vmem>>, vector<1x16xf32>,
        %swap3A_1019 = arith.index_cast %scan3A_1003 : i32 to index
        %swap3A_1020 = arith.constant 48 : index
        %swap3A_1021 = tpu.vector_load %arg14[%swap3A_1019, %swap3A_1020] {strides = array<i32>} : memref<128x128xf32, #tpu.memory_space<vmem>>, vector<1x16xf32>,
        %swap3A_1022 = vector.shape_cast %swap3A_1021 : vector<1x16xf32> to vector<16xf32>
        %swap3A_1023 = vector.shape_cast %get3A_768 : vector<16xf32> to vector<1x16xf32>
        tpu.vector_store %arg14[%swap3A_1019, %swap3A_1020], %swap3A_1023 {add = true, strides = array<i32>} : memref<128x128xf32, #tpu.memory_space<vmem>>, vector<1x16xf32>,
        %swap3A_1024 = arith.index_cast %scan3A_1003 : i32 to index
        %swap3A_1025 = arith.constant 64 : index
        %swap3A_1026 = tpu.vector_load %arg14[%swap3A_1024, %swap3A_1025] {strides = array<i32>} : memref<128x128xf32, #tpu.memory_space<vmem>>, vector<1x16xf32>,
        %swap3A_1027 = vector.shape_cast %swap3A_1026 : vector<1x16xf32> to vector<16xf32>
        %swap3A_1028 = vector.shape_cast %get3A_772 : vector<16xf32> to vector<1x16xf32>
        tpu.vector_store %arg14[%swap3A_1024, %swap3A_1025], %swap3A_1028 {add = true, strides = array<i32>} : memref<128x128xf32, #tpu.memory_space<vmem>>, vector<1x16xf32>,
        %swap3A_1029 = arith.index_cast %scan3A_1003 : i32 to index
        %swap3A_1030 = arith.constant 80 : index
        %swap3A_1031 = tpu.vector_load %arg14[%swap3A_1029, %swap3A_1030] {strides = array<i32>} : memref<128x128xf32, #tpu.memory_space<vmem>>, vector<1x16xf32>,
        %swap3A_1032 = vector.shape_cast %swap3A_1031 : vector<1x16xf32> to vector<16xf32>
        %swap3A_1033 = vector.shape_cast %get3A_776 : vector<16xf32> to vector<1x16xf32>
        tpu.vector_store %arg14[%swap3A_1029, %swap3A_1030], %swap3A_1033 {add = true, strides = array<i32>} : memref<128x128xf32, #tpu.memory_space<vmem>>, vector<1x16xf32>,
        %swap3A_1034 = arith.index_cast %scan3A_1003 : i32 to index
        %swap3A_1035 = arith.constant 96 : index
        %swap3A_1036 = tpu.vector_load %arg14[%swap3A_1034, %swap3A_1035] {strides = array<i32>} : memref<128x128xf32, #tpu.memory_space<vmem>>, vector<1x16xf32>,
        %swap3A_1037 = vector.shape_cast %swap3A_1036 : vector<1x16xf32> to vector<16xf32>
        %swap3A_1038 = vector.shape_cast %get3A_780 : vector<16xf32> to vector<1x16xf32>
        tpu.vector_store %arg14[%swap3A_1034, %swap3A_1035], %swap3A_1038 {add = true, strides = array<i32>} : memref<128x128xf32, #tpu.memory_space<vmem>>, vector<1x16xf32>,
        %swap3A_1039 = arith.index_cast %scan3A_1003 : i32 to index
        %swap3A_1040 = arith.constant 112 : index
        %swap3A_1041 = tpu.vector_load %arg14[%swap3A_1039, %swap3A_1040] {strides = array<i32>} : memref<128x128xf32, #tpu.memory_space<vmem>>, vector<1x16xf32>,
        %swap3A_1042 = vector.shape_cast %swap3A_1041 : vector<1x16xf32> to vector<16xf32>
        %swap3A_1043 = vector.shape_cast %get3A_784 : vector<16xf32> to vector<1x16xf32>
        tpu.vector_store %arg14[%swap3A_1039, %swap3A_1040], %swap3A_1043 {add = true, strides = array<i32>} : memref<128x128xf32, #tpu.memory_space<vmem>>, vector<1x16xf32>,
      }
      %scan3A_790 = arith.constant 128 : i32
      %jit3A_791 = arith.constant 2 : i32
      %div3A_792 = arith.divsi %add3A_715, %jit3A_791 : i32
      %sign3A_793 = arith.constant 0 : i32
      %sign3A_794 = arith.cmpi sgt, %add3A_715, %sign3A_793 : i32
      %sign3A_795 = arith.extui %sign3A_794 : i1 to i32
      %sign3A_796 = arith.constant 0 : i32
      %sign3A_797 = arith.cmpi slt, %add3A_715, %sign3A_796 : i32
      %sign3A_798 = arith.extui %sign3A_797 : i1 to i32
      %sign3A_799 = arith.subi %sign3A_795, %sign3A_798 : i32
      %sign3A_800 = arith.constant 0 : i32
      %sign3A_801 = arith.cmpi sgt, %jit3A_791, %sign3A_800 : i32
      %sign3A_802 = arith.extui %sign3A_801 : i1 to i32
      %sign3A_803 = arith.constant 0 : i32
      %sign3A_804 = arith.cmpi slt, %jit3A_791, %sign3A_803 : i32
      %sign3A_805 = arith.extui %sign3A_804 : i1 to i32
      %sign3A_806 = arith.subi %sign3A_802, %sign3A_805 : i32
      %ne3A_807 = arith.cmpi ne, %sign3A_799, %sign3A_806 : i32
      %rem3A_808 = arith.remsi %add3A_715, %jit3A_791 : i32
      %ne3A_809 = arith.constant 0 : i32
      %ne3A_810 = arith.cmpi ne, %rem3A_808, %ne3A_809 : i32
      %and3A_811 = arith.andi %ne3A_807, %ne3A_810 : i1
      %sub3A_812 = arith.constant 1 : i32
      %sub3A_813 = arith.subi %div3A_792, %sub3A_812 : i32
      %select_n3A_814 = arith.select %and3A_811, %sub3A_813, %div3A_792 : i32
      %jit3A_815 = arith.constant 2 : i32
      %eq3A_816 = arith.constant 0 : i32
      %eq3A_817 = arith.cmpi eq, %jit3A_815, %eq3A_816 : i32
      %jit3A_818 = arith.constant 1 : i32
      %select_n3A_819 = arith.select %eq3A_817, %jit3A_818, %jit3A_815 : i32
      %rem3A_820 = arith.remsi %add3A_715, %select_n3A_819 : i32
      %ne3A_821 = arith.constant 0 : i32
      %ne3A_822 = arith.cmpi ne, %rem3A_820, %ne3A_821 : i32
      %lt3A_823 = arith.constant 0 : i32
      %lt3A_824 = arith.cmpi slt, %rem3A_820, %lt3A_823 : i32
      %lt3A_825 = arith.constant 0 : i32
      %lt3A_826 = arith.cmpi slt, %select_n3A_819, %lt3A_825 : i32
      %ne3A_827 = arith.xori %lt3A_824, %lt3A_826 : i1
      %and3A_828 = arith.andi %ne3A_827, %ne3A_822 : i1
      %add3A_829 = arith.addi %rem3A_820, %select_n3A_819 : i32
      %select_n3A_830 = arith.select %and3A_828, %add3A_829, %rem3A_820 : i32
      %dma_start3A_831 = arith.constant 0 : i32
      %dma_start3A_832 = tpu.memref_slice %arg8[%select_n3A_814, %select_n3A_830, %dma_start3A_831] : memref<25x2x128xi32, #tpu.memory_space<vmem>> -> memref<1x1x128xi32, #tpu.memory_space<vmem>>
      %dma_start3A_833 = tpu.memref_squeeze %dma_start3A_832 : memref<1x1x128xi32, #tpu.memory_space<vmem>> -> memref<128xi32, #tpu.memory_space<vmem>>
      %dma_start3A_834 = arith.constant 0 : i32
      %dma_start3A_835 = arith.constant 0 : i32
      %dma_start3A_836 = tpu.memref_slice %arg6[%dma_start3A_834, %dma_start3A_835] : memref<204800x128xf32, #tpu.memory_space<hbm>> -> memref<204800x128xf32, #tpu.memory_space<hbm>>
      tpu.enqueue_indirect_dma source(%arg14 : memref<128x128xf32, #tpu.memory_space<vmem>>) target(%dma_start3A_836 : memref<204800x128xf32, #tpu.memory_space<hbm>>) offsets(%dma_start3A_833 : memref<128xi32, #tpu.memory_space<vmem>>) semaphore(%arg26 : memref<!tpu.dma_semaphore, #tpu.memory_space<semaphore_mem>>)
      %mul3A_837 = arith.constant 6 : i32
      %mul3A_838 = arith.muli %scan3A_215, %mul3A_837 : i32
      %add3A_839 = arith.constant 5 : i32
      %add3A_840 = arith.addi %mul3A_838, %add3A_839 : i32
      %dma_wait3A_841 = arith.constant 0 : i32
      %dma_wait3A_842 = arith.constant 0 : i32
      %dma_wait3A_843 = tpu.memref_slice %arg5[%dma_wait3A_841, %dma_wait3A_842] : memref<100000x128xf32, #tpu.memory_space<hbm>> -> memref<128x128xf32, #tpu.memory_space<hbm>>
      %dma_wait3A_844 = arith.constant 0 : i32
      %dma_wait3A_845 = arith.constant 0 : i32
      %dma_wait3A_846 = tpu.memref_slice %arg5[%dma_wait3A_844, %dma_wait3A_845] : memref<100000x128xf32, #tpu.memory_space<hbm>> -> memref<128x128xf32, #tpu.memory_space<hbm>>
      tpu.wait_dma2 semaphore(%arg21 : memref<!tpu.dma_semaphore, #tpu.memory_space<semaphore_mem>>) src(%dma_wait3A_846 : memref<128x128xf32, #tpu.memory_space<hbm>>) dst(%arg15 : memref<128x128xf32, #tpu.memory_space<vmem>>)
      %add3A_847 = arith.constant 5 : i32
      %add3A_848 = arith.addi %add3A_840, %add3A_847 : i32
      %lt3A_849 = arith.constant 50 : i32
      %lt3A_850 = arith.cmpi slt, %add3A_848, %lt3A_849 : i32
      %convert_element_type3A_851 = arith.extui %lt3A_850 : i1 to i32
      %cond3A_852 = arith.constant 0 : i32
      %cond3A_853 = arith.cmpi ne, %convert_element_type3A_851, %cond3A_852 : i32
      scf.if %cond3A_853 {
        %ge3A = arith.constant 6 : i32
        %ge3A_962 = arith.cmpi sge, %add3A_848, %ge3A : i32
        %convert_element_type3A_963 = arith.extui %ge3A_962 : i1 to i32
        %cond3A_964 = arith.constant 0 : i32
        %cond3A_965 = arith.cmpi ne, %convert_element_type3A_963, %cond3A_964 : i32
        scf.if %cond3A_965 {
          %dma_wait3A_1012 = arith.constant 0 : i32
          %dma_wait3A_1013 = arith.constant 0 : i32
          %dma_wait3A_1014 = tpu.memref_slice %arg6[%dma_wait3A_1012, %dma_wait3A_1013] : memref<204800x128xf32, #tpu.memory_space<hbm>> -> memref<128x128xf32, #tpu.memory_space<hbm>>
          %dma_wait3A_1015 = arith.constant 0 : i32
          %dma_wait3A_1016 = arith.constant 0 : i32
          %dma_wait3A_1017 = tpu.memref_slice %arg6[%dma_wait3A_1015, %dma_wait3A_1016] : memref<204800x128xf32, #tpu.memory_space<hbm>> -> memref<128x128xf32, #tpu.memory_space<hbm>>
          tpu.wait_dma2 semaphore(%arg26 : memref<!tpu.dma_semaphore, #tpu.memory_space<semaphore_mem>>) src(%arg14 : memref<128x128xf32, #tpu.memory_space<vmem>>) dst(%dma_wait3A_1017 : memref<128x128xf32, #tpu.memory_space<hbm>>)
        } else {
        }
        %jit3A_966 = arith.constant 2 : i32
        %div3A_967 = arith.divsi %add3A_848, %jit3A_966 : i32
        %sign3A_968 = arith.constant 0 : i32
        %sign3A_969 = arith.cmpi sgt, %add3A_848, %sign3A_968 : i32
        %sign3A_970 = arith.extui %sign3A_969 : i1 to i32
        %sign3A_971 = arith.constant 0 : i32
        %sign3A_972 = arith.cmpi slt, %add3A_848, %sign3A_971 : i32
        %sign3A_973 = arith.extui %sign3A_972 : i1 to i32
        %sign3A_974 = arith.subi %sign3A_970, %sign3A_973 : i32
        %sign3A_975 = arith.constant 0 : i32
        %sign3A_976 = arith.cmpi sgt, %jit3A_966, %sign3A_975 : i32
        %sign3A_977 = arith.extui %sign3A_976 : i1 to i32
        %sign3A_978 = arith.constant 0 : i32
        %sign3A_979 = arith.cmpi slt, %jit3A_966, %sign3A_978 : i32
        %sign3A_980 = arith.extui %sign3A_979 : i1 to i32
        %sign3A_981 = arith.subi %sign3A_977, %sign3A_980 : i32
        %ne3A_982 = arith.cmpi ne, %sign3A_974, %sign3A_981 : i32
        %rem3A_983 = arith.remsi %add3A_848, %jit3A_966 : i32
        %ne3A_984 = arith.constant 0 : i32
        %ne3A_985 = arith.cmpi ne, %rem3A_983, %ne3A_984 : i32
        %and3A_986 = arith.andi %ne3A_982, %ne3A_985 : i1
        %sub3A_987 = arith.constant 1 : i32
        %sub3A_988 = arith.subi %div3A_967, %sub3A_987 : i32
        %select_n3A_989 = arith.select %and3A_986, %sub3A_988, %div3A_967 : i32
        %jit3A_990 = arith.constant 2 : i32
        %eq3A_991 = arith.constant 0 : i32
        %eq3A_992 = arith.cmpi eq, %jit3A_990, %eq3A_991 : i32
        %jit3A_993 = arith.constant 1 : i32
        %select_n3A_994 = arith.select %eq3A_992, %jit3A_993, %jit3A_990 : i32
        %rem3A_995 = arith.remsi %add3A_848, %select_n3A_994 : i32
        %ne3A_996 = arith.constant 0 : i32
        %ne3A_997 = arith.cmpi ne, %rem3A_995, %ne3A_996 : i32
        %lt3A_998 = arith.constant 0 : i32
        %lt3A_999 = arith.cmpi slt, %rem3A_995, %lt3A_998 : i32
        %lt3A_1000 = arith.constant 0 : i32
        %lt3A_1001 = arith.cmpi slt, %select_n3A_994, %lt3A_1000 : i32
        %ne3A_1002 = arith.xori %lt3A_999, %lt3A_1001 : i1
        %and3A_1003 = arith.andi %ne3A_1002, %ne3A_997 : i1
        %add3A_1004 = arith.addi %rem3A_995, %select_n3A_994 : i32
        %select_n3A_1005 = arith.select %and3A_1003, %add3A_1004, %rem3A_995 : i32
        %dma_start3A_1006 = arith.constant 0 : i32
        %dma_start3A_1007 = tpu.memref_slice %arg7[%select_n3A_989, %select_n3A_1005, %dma_start3A_1006] : memref<25x2x128xi32, #tpu.memory_space<vmem>> -> memref<1x1x128xi32, #tpu.memory_space<vmem>>
        %dma_start3A_1008 = tpu.memref_squeeze %dma_start3A_1007 : memref<1x1x128xi32, #tpu.memory_space<vmem>> -> memref<128xi32, #tpu.memory_space<vmem>>
        %dma_start3A_1009 = arith.constant 0 : i32
        %dma_start3A_1010 = arith.constant 0 : i32
        %dma_start3A_1011 = tpu.memref_slice %arg5[%dma_start3A_1009, %dma_start3A_1010] : memref<100000x128xf32, #tpu.memory_space<hbm>> -> memref<100000x128xf32, #tpu.memory_space<hbm>>
        tpu.enqueue_indirect_dma source(%dma_start3A_1011 : memref<100000x128xf32, #tpu.memory_space<hbm>>) target(%arg14 : memref<128x128xf32, #tpu.memory_space<vmem>>) offsets(%dma_start3A_1008 : memref<128xi32, #tpu.memory_space<vmem>>) semaphore(%arg20 : memref<!tpu.dma_semaphore, #tpu.memory_space<semaphore_mem>>)
      } else {
      }
      %jit3A_854 = arith.constant 2 : i32
      %div3A_855 = arith.divsi %add3A_840, %jit3A_854 : i32
      %sign3A_856 = arith.constant 0 : i32
      %sign3A_857 = arith.cmpi sgt, %add3A_840, %sign3A_856 : i32
      %sign3A_858 = arith.extui %sign3A_857 : i1 to i32
      %sign3A_859 = arith.constant 0 : i32
      %sign3A_860 = arith.cmpi slt, %add3A_840, %sign3A_859 : i32
      %sign3A_861 = arith.extui %sign3A_860 : i1 to i32
      %sign3A_862 = arith.subi %sign3A_858, %sign3A_861 : i32
      %sign3A_863 = arith.constant 0 : i32
      %sign3A_864 = arith.cmpi sgt, %jit3A_854, %sign3A_863 : i32
      %sign3A_865 = arith.extui %sign3A_864 : i1 to i32
      %sign3A_866 = arith.constant 0 : i32
      %sign3A_867 = arith.cmpi slt, %jit3A_854, %sign3A_866 : i32
      %sign3A_868 = arith.extui %sign3A_867 : i1 to i32
      %sign3A_869 = arith.subi %sign3A_865, %sign3A_868 : i32
      %ne3A_870 = arith.cmpi ne, %sign3A_862, %sign3A_869 : i32
      %rem3A_871 = arith.remsi %add3A_840, %jit3A_854 : i32
      %ne3A_872 = arith.constant 0 : i32
      %ne3A_873 = arith.cmpi ne, %rem3A_871, %ne3A_872 : i32
      %and3A_874 = arith.andi %ne3A_870, %ne3A_873 : i1
      %sub3A_875 = arith.constant 1 : i32
      %sub3A_876 = arith.subi %div3A_855, %sub3A_875 : i32
      %select_n3A_877 = arith.select %and3A_874, %sub3A_876, %div3A_855 : i32
      %get3A_878 = arith.index_cast %select_n3A_877 : i32 to index
      %get3A_879 = arith.constant 0 : index
      %get3A_880 = tpu.vector_load %arg9[%get3A_878, %get3A_879] {strides = array<i32>} : memref<25x128xf32, #tpu.memory_space<vmem>>, vector<1x16xf32>,
      %get3A_881 = vector.shape_cast %get3A_880 : vector<1x16xf32> to vector<16xf32>
      %get3A_882 = arith.index_cast %select_n3A_877 : i32 to index
      %get3A_883 = arith.constant 16 : index
      %get3A_884 = tpu.vector_load %arg9[%get3A_882, %get3A_883] {strides = array<i32>} : memref<25x128xf32, #tpu.memory_space<vmem>>, vector<1x16xf32>,
      %get3A_885 = vector.shape_cast %get3A_884 : vector<1x16xf32> to vector<16xf32>
      %get3A_886 = arith.index_cast %select_n3A_877 : i32 to index
      %get3A_887 = arith.constant 32 : index
      %get3A_888 = tpu.vector_load %arg9[%get3A_886, %get3A_887] {strides = array<i32>} : memref<25x128xf32, #tpu.memory_space<vmem>>, vector<1x16xf32>,
      %get3A_889 = vector.shape_cast %get3A_888 : vector<1x16xf32> to vector<16xf32>
      %get3A_890 = arith.index_cast %select_n3A_877 : i32 to index
      %get3A_891 = arith.constant 48 : index
      %get3A_892 = tpu.vector_load %arg9[%get3A_890, %get3A_891] {strides = array<i32>} : memref<25x128xf32, #tpu.memory_space<vmem>>, vector<1x16xf32>,
      %get3A_893 = vector.shape_cast %get3A_892 : vector<1x16xf32> to vector<16xf32>
      %get3A_894 = arith.index_cast %select_n3A_877 : i32 to index
      %get3A_895 = arith.constant 64 : index
      %get3A_896 = tpu.vector_load %arg9[%get3A_894, %get3A_895] {strides = array<i32>} : memref<25x128xf32, #tpu.memory_space<vmem>>, vector<1x16xf32>,
      %get3A_897 = vector.shape_cast %get3A_896 : vector<1x16xf32> to vector<16xf32>
      %get3A_898 = arith.index_cast %select_n3A_877 : i32 to index
      %get3A_899 = arith.constant 80 : index
      %get3A_900 = tpu.vector_load %arg9[%get3A_898, %get3A_899] {strides = array<i32>} : memref<25x128xf32, #tpu.memory_space<vmem>>, vector<1x16xf32>,
      %get3A_901 = vector.shape_cast %get3A_900 : vector<1x16xf32> to vector<16xf32>
      %get3A_902 = arith.index_cast %select_n3A_877 : i32 to index
      %get3A_903 = arith.constant 96 : index
      %get3A_904 = tpu.vector_load %arg9[%get3A_902, %get3A_903] {strides = array<i32>} : memref<25x128xf32, #tpu.memory_space<vmem>>, vector<1x16xf32>,
      %get3A_905 = vector.shape_cast %get3A_904 : vector<1x16xf32> to vector<16xf32>
      %get3A_906 = arith.index_cast %select_n3A_877 : i32 to index
      %get3A_907 = arith.constant 112 : index
      %get3A_908 = tpu.vector_load %arg9[%get3A_906, %get3A_907] {strides = array<i32>} : memref<25x128xf32, #tpu.memory_space<vmem>>, vector<1x16xf32>,
      %get3A_909 = vector.shape_cast %get3A_908 : vector<1x16xf32> to vector<16xf32>
      %scan3A_910 = arith.constant 0 : i32
      %scan3A_911 = arith.constant 0 : i32
      %scan3A_912 = arith.constant 128 : i32
      %scan3A_913 = arith.addi %scan3A_911, %scan3A_912 : i32
      %scan3A_914 = arith.constant 2 : i32
      scf.for %scan3A_962 = %scan3A_911 to %scan3A_913 step %scan3A_914  : i32 {
        %swap3A = arith.index_cast %scan3A_962 : i32 to index
        %swap3A_963 = arith.constant 0 : index
        %swap3A_964 = tpu.vector_load %arg15[%swap3A, %swap3A_963] {strides = array<i32>} : memref<128x128xf32, #tpu.memory_space<vmem>>, vector<1x16xf32>,
        %swap3A_965 = vector.shape_cast %swap3A_964 : vector<1x16xf32> to vector<16xf32>
        %swap3A_966 = vector.shape_cast %get3A_881 : vector<16xf32> to vector<1x16xf32>
        tpu.vector_store %arg15[%swap3A, %swap3A_963], %swap3A_966 {add = true, strides = array<i32>} : memref<128x128xf32, #tpu.memory_space<vmem>>, vector<1x16xf32>,
        %swap3A_967 = arith.index_cast %scan3A_962 : i32 to index
        %swap3A_968 = arith.constant 16 : index
        %swap3A_969 = tpu.vector_load %arg15[%swap3A_967, %swap3A_968] {strides = array<i32>} : memref<128x128xf32, #tpu.memory_space<vmem>>, vector<1x16xf32>,
        %swap3A_970 = vector.shape_cast %swap3A_969 : vector<1x16xf32> to vector<16xf32>
        %swap3A_971 = vector.shape_cast %get3A_885 : vector<16xf32> to vector<1x16xf32>
        tpu.vector_store %arg15[%swap3A_967, %swap3A_968], %swap3A_971 {add = true, strides = array<i32>} : memref<128x128xf32, #tpu.memory_space<vmem>>, vector<1x16xf32>,
        %swap3A_972 = arith.index_cast %scan3A_962 : i32 to index
        %swap3A_973 = arith.constant 32 : index
        %swap3A_974 = tpu.vector_load %arg15[%swap3A_972, %swap3A_973] {strides = array<i32>} : memref<128x128xf32, #tpu.memory_space<vmem>>, vector<1x16xf32>,
        %swap3A_975 = vector.shape_cast %swap3A_974 : vector<1x16xf32> to vector<16xf32>
        %swap3A_976 = vector.shape_cast %get3A_889 : vector<16xf32> to vector<1x16xf32>
        tpu.vector_store %arg15[%swap3A_972, %swap3A_973], %swap3A_976 {add = true, strides = array<i32>} : memref<128x128xf32, #tpu.memory_space<vmem>>, vector<1x16xf32>,
        %swap3A_977 = arith.index_cast %scan3A_962 : i32 to index
        %swap3A_978 = arith.constant 48 : index
        %swap3A_979 = tpu.vector_load %arg15[%swap3A_977, %swap3A_978] {strides = array<i32>} : memref<128x128xf32, #tpu.memory_space<vmem>>, vector<1x16xf32>,
        %swap3A_980 = vector.shape_cast %swap3A_979 : vector<1x16xf32> to vector<16xf32>
        %swap3A_981 = vector.shape_cast %get3A_893 : vector<16xf32> to vector<1x16xf32>
        tpu.vector_store %arg15[%swap3A_977, %swap3A_978], %swap3A_981 {add = true, strides = array<i32>} : memref<128x128xf32, #tpu.memory_space<vmem>>, vector<1x16xf32>,
        %swap3A_982 = arith.index_cast %scan3A_962 : i32 to index
        %swap3A_983 = arith.constant 64 : index
        %swap3A_984 = tpu.vector_load %arg15[%swap3A_982, %swap3A_983] {strides = array<i32>} : memref<128x128xf32, #tpu.memory_space<vmem>>, vector<1x16xf32>,
        %swap3A_985 = vector.shape_cast %swap3A_984 : vector<1x16xf32> to vector<16xf32>
        %swap3A_986 = vector.shape_cast %get3A_897 : vector<16xf32> to vector<1x16xf32>
        tpu.vector_store %arg15[%swap3A_982, %swap3A_983], %swap3A_986 {add = true, strides = array<i32>} : memref<128x128xf32, #tpu.memory_space<vmem>>, vector<1x16xf32>,
        %swap3A_987 = arith.index_cast %scan3A_962 : i32 to index
        %swap3A_988 = arith.constant 80 : index
        %swap3A_989 = tpu.vector_load %arg15[%swap3A_987, %swap3A_988] {strides = array<i32>} : memref<128x128xf32, #tpu.memory_space<vmem>>, vector<1x16xf32>,
        %swap3A_990 = vector.shape_cast %swap3A_989 : vector<1x16xf32> to vector<16xf32>
        %swap3A_991 = vector.shape_cast %get3A_901 : vector<16xf32> to vector<1x16xf32>
        tpu.vector_store %arg15[%swap3A_987, %swap3A_988], %swap3A_991 {add = true, strides = array<i32>} : memref<128x128xf32, #tpu.memory_space<vmem>>, vector<1x16xf32>,
        %swap3A_992 = arith.index_cast %scan3A_962 : i32 to index
        %swap3A_993 = arith.constant 96 : index
        %swap3A_994 = tpu.vector_load %arg15[%swap3A_992, %swap3A_993] {strides = array<i32>} : memref<128x128xf32, #tpu.memory_space<vmem>>, vector<1x16xf32>,
        %swap3A_995 = vector.shape_cast %swap3A_994 : vector<1x16xf32> to vector<16xf32>
        %swap3A_996 = vector.shape_cast %get3A_905 : vector<16xf32> to vector<1x16xf32>
        tpu.vector_store %arg15[%swap3A_992, %swap3A_993], %swap3A_996 {add = true, strides = array<i32>} : memref<128x128xf32, #tpu.memory_space<vmem>>, vector<1x16xf32>,
        %swap3A_997 = arith.index_cast %scan3A_962 : i32 to index
        %swap3A_998 = arith.constant 112 : index
        %swap3A_999 = tpu.vector_load %arg15[%swap3A_997, %swap3A_998] {strides = array<i32>} : memref<128x128xf32, #tpu.memory_space<vmem>>, vector<1x16xf32>,
        %swap3A_1000 = vector.shape_cast %swap3A_999 : vector<1x16xf32> to vector<16xf32>
        %swap3A_1001 = vector.shape_cast %get3A_909 : vector<16xf32> to vector<1x16xf32>
        tpu.vector_store %arg15[%swap3A_997, %swap3A_998], %swap3A_1001 {add = true, strides = array<i32>} : memref<128x128xf32, #tpu.memory_space<vmem>>, vector<1x16xf32>,
        %scan3A_1002 = arith.constant 1 : i32
        %scan3A_1003 = arith.addi %scan3A_962, %scan3A_1002 : i32
        %swap3A_1004 = arith.index_cast %scan3A_1003 : i32 to index
        %swap3A_1005 = arith.constant 0 : index
        %swap3A_1006 = tpu.vector_load %arg15[%swap3A_1004, %swap3A_1005] {strides = array<i32>} : memref<128x128xf32, #tpu.memory_space<vmem>>, vector<1x16xf32>,
        %swap3A_1007 = vector.shape_cast %swap3A_1006 : vector<1x16xf32> to vector<16xf32>
        %swap3A_1008 = vector.shape_cast %get3A_881 : vector<16xf32> to vector<1x16xf32>
        tpu.vector_store %arg15[%swap3A_1004, %swap3A_1005], %swap3A_1008 {add = true, strides = array<i32>} : memref<128x128xf32, #tpu.memory_space<vmem>>, vector<1x16xf32>,
        %swap3A_1009 = arith.index_cast %scan3A_1003 : i32 to index
        %swap3A_1010 = arith.constant 16 : index
        %swap3A_1011 = tpu.vector_load %arg15[%swap3A_1009, %swap3A_1010] {strides = array<i32>} : memref<128x128xf32, #tpu.memory_space<vmem>>, vector<1x16xf32>,
        %swap3A_1012 = vector.shape_cast %swap3A_1011 : vector<1x16xf32> to vector<16xf32>
        %swap3A_1013 = vector.shape_cast %get3A_885 : vector<16xf32> to vector<1x16xf32>
        tpu.vector_store %arg15[%swap3A_1009, %swap3A_1010], %swap3A_1013 {add = true, strides = array<i32>} : memref<128x128xf32, #tpu.memory_space<vmem>>, vector<1x16xf32>,
        %swap3A_1014 = arith.index_cast %scan3A_1003 : i32 to index
        %swap3A_1015 = arith.constant 32 : index
        %swap3A_1016 = tpu.vector_load %arg15[%swap3A_1014, %swap3A_1015] {strides = array<i32>} : memref<128x128xf32, #tpu.memory_space<vmem>>, vector<1x16xf32>,
        %swap3A_1017 = vector.shape_cast %swap3A_1016 : vector<1x16xf32> to vector<16xf32>
        %swap3A_1018 = vector.shape_cast %get3A_889 : vector<16xf32> to vector<1x16xf32>
        tpu.vector_store %arg15[%swap3A_1014, %swap3A_1015], %swap3A_1018 {add = true, strides = array<i32>} : memref<128x128xf32, #tpu.memory_space<vmem>>, vector<1x16xf32>,
        %swap3A_1019 = arith.index_cast %scan3A_1003 : i32 to index
        %swap3A_1020 = arith.constant 48 : index
        %swap3A_1021 = tpu.vector_load %arg15[%swap3A_1019, %swap3A_1020] {strides = array<i32>} : memref<128x128xf32, #tpu.memory_space<vmem>>, vector<1x16xf32>,
        %swap3A_1022 = vector.shape_cast %swap3A_1021 : vector<1x16xf32> to vector<16xf32>
        %swap3A_1023 = vector.shape_cast %get3A_893 : vector<16xf32> to vector<1x16xf32>
        tpu.vector_store %arg15[%swap3A_1019, %swap3A_1020], %swap3A_1023 {add = true, strides = array<i32>} : memref<128x128xf32, #tpu.memory_space<vmem>>, vector<1x16xf32>,
        %swap3A_1024 = arith.index_cast %scan3A_1003 : i32 to index
        %swap3A_1025 = arith.constant 64 : index
        %swap3A_1026 = tpu.vector_load %arg15[%swap3A_1024, %swap3A_1025] {strides = array<i32>} : memref<128x128xf32, #tpu.memory_space<vmem>>, vector<1x16xf32>,
        %swap3A_1027 = vector.shape_cast %swap3A_1026 : vector<1x16xf32> to vector<16xf32>
        %swap3A_1028 = vector.shape_cast %get3A_897 : vector<16xf32> to vector<1x16xf32>
        tpu.vector_store %arg15[%swap3A_1024, %swap3A_1025], %swap3A_1028 {add = true, strides = array<i32>} : memref<128x128xf32, #tpu.memory_space<vmem>>, vector<1x16xf32>,
        %swap3A_1029 = arith.index_cast %scan3A_1003 : i32 to index
        %swap3A_1030 = arith.constant 80 : index
        %swap3A_1031 = tpu.vector_load %arg15[%swap3A_1029, %swap3A_1030] {strides = array<i32>} : memref<128x128xf32, #tpu.memory_space<vmem>>, vector<1x16xf32>,
        %swap3A_1032 = vector.shape_cast %swap3A_1031 : vector<1x16xf32> to vector<16xf32>
        %swap3A_1033 = vector.shape_cast %get3A_901 : vector<16xf32> to vector<1x16xf32>
        tpu.vector_store %arg15[%swap3A_1029, %swap3A_1030], %swap3A_1033 {add = true, strides = array<i32>} : memref<128x128xf32, #tpu.memory_space<vmem>>, vector<1x16xf32>,
        %swap3A_1034 = arith.index_cast %scan3A_1003 : i32 to index
        %swap3A_1035 = arith.constant 96 : index
        %swap3A_1036 = tpu.vector_load %arg15[%swap3A_1034, %swap3A_1035] {strides = array<i32>} : memref<128x128xf32, #tpu.memory_space<vmem>>, vector<1x16xf32>,
        %swap3A_1037 = vector.shape_cast %swap3A_1036 : vector<1x16xf32> to vector<16xf32>
        %swap3A_1038 = vector.shape_cast %get3A_905 : vector<16xf32> to vector<1x16xf32>
        tpu.vector_store %arg15[%swap3A_1034, %swap3A_1035], %swap3A_1038 {add = true, strides = array<i32>} : memref<128x128xf32, #tpu.memory_space<vmem>>, vector<1x16xf32>,
        %swap3A_1039 = arith.index_cast %scan3A_1003 : i32 to index
        %swap3A_1040 = arith.constant 112 : index
        %swap3A_1041 = tpu.vector_load %arg15[%swap3A_1039, %swap3A_1040] {strides = array<i32>} : memref<128x128xf32, #tpu.memory_space<vmem>>, vector<1x16xf32>,
        %swap3A_1042 = vector.shape_cast %swap3A_1041 : vector<1x16xf32> to vector<16xf32>
        %swap3A_1043 = vector.shape_cast %get3A_909 : vector<16xf32> to vector<1x16xf32>
        tpu.vector_store %arg15[%swap3A_1039, %swap3A_1040], %swap3A_1043 {add = true, strides = array<i32>} : memref<128x128xf32, #tpu.memory_space<vmem>>, vector<1x16xf32>,
      }
      %scan3A_915 = arith.constant 128 : i32
      %jit3A_916 = arith.constant 2 : i32
      %div3A_917 = arith.divsi %add3A_840, %jit3A_916 : i32
      %sign3A_918 = arith.constant 0 : i32
      %sign3A_919 = arith.cmpi sgt, %add3A_840, %sign3A_918 : i32
      %sign3A_920 = arith.extui %sign3A_919 : i1 to i32
      %sign3A_921 = arith.constant 0 : i32
      %sign3A_922 = arith.cmpi slt, %add3A_840, %sign3A_921 : i32
      %sign3A_923 = arith.extui %sign3A_922 : i1 to i32
      %sign3A_924 = arith.subi %sign3A_920, %sign3A_923 : i32
      %sign3A_925 = arith.constant 0 : i32
      %sign3A_926 = arith.cmpi sgt, %jit3A_916, %sign3A_925 : i32
      %sign3A_927 = arith.extui %sign3A_926 : i1 to i32
      %sign3A_928 = arith.constant 0 : i32
      %sign3A_929 = arith.cmpi slt, %jit3A_916, %sign3A_928 : i32
      %sign3A_930 = arith.extui %sign3A_929 : i1 to i32
      %sign3A_931 = arith.subi %sign3A_927, %sign3A_930 : i32
      %ne3A_932 = arith.cmpi ne, %sign3A_924, %sign3A_931 : i32
      %rem3A_933 = arith.remsi %add3A_840, %jit3A_916 : i32
      %ne3A_934 = arith.constant 0 : i32
      %ne3A_935 = arith.cmpi ne, %rem3A_933, %ne3A_934 : i32
      %and3A_936 = arith.andi %ne3A_932, %ne3A_935 : i1
      %sub3A_937 = arith.constant 1 : i32
      %sub3A_938 = arith.subi %div3A_917, %sub3A_937 : i32
      %select_n3A_939 = arith.select %and3A_936, %sub3A_938, %div3A_917 : i32
      %jit3A_940 = arith.constant 2 : i32
      %eq3A_941 = arith.constant 0 : i32
      %eq3A_942 = arith.cmpi eq, %jit3A_940, %eq3A_941 : i32
      %jit3A_943 = arith.constant 1 : i32
      %select_n3A_944 = arith.select %eq3A_942, %jit3A_943, %jit3A_940 : i32
      %rem3A_945 = arith.remsi %add3A_840, %select_n3A_944 : i32
      %ne3A_946 = arith.constant 0 : i32
      %ne3A_947 = arith.cmpi ne, %rem3A_945, %ne3A_946 : i32
      %lt3A_948 = arith.constant 0 : i32
      %lt3A_949 = arith.cmpi slt, %rem3A_945, %lt3A_948 : i32
      %lt3A_950 = arith.constant 0 : i32
      %lt3A_951 = arith.cmpi slt, %select_n3A_944, %lt3A_950 : i32
      %ne3A_952 = arith.xori %lt3A_949, %lt3A_951 : i1
      %and3A_953 = arith.andi %ne3A_952, %ne3A_947 : i1
      %add3A_954 = arith.addi %rem3A_945, %select_n3A_944 : i32
      %select_n3A_955 = arith.select %and3A_953, %add3A_954, %rem3A_945 : i32
      %dma_start3A_956 = arith.constant 0 : i32
      %dma_start3A_957 = tpu.memref_slice %arg8[%select_n3A_939, %select_n3A_955, %dma_start3A_956] : memref<25x2x128xi32, #tpu.memory_space<vmem>> -> memref<1x1x128xi32, #tpu.memory_space<vmem>>
      %dma_start3A_958 = tpu.memref_squeeze %dma_start3A_957 : memref<1x1x128xi32, #tpu.memory_space<vmem>> -> memref<128xi32, #tpu.memory_space<vmem>>
      %dma_start3A_959 = arith.constant 0 : i32
      %dma_start3A_960 = arith.constant 0 : i32
      %dma_start3A_961 = tpu.memref_slice %arg6[%dma_start3A_959, %dma_start3A_960] : memref<204800x128xf32, #tpu.memory_space<hbm>> -> memref<204800x128xf32, #tpu.memory_space<hbm>>
      tpu.enqueue_indirect_dma source(%arg15 : memref<128x128xf32, #tpu.memory_space<vmem>>) target(%dma_start3A_961 : memref<204800x128xf32, #tpu.memory_space<hbm>>) offsets(%dma_start3A_958 : memref<128xi32, #tpu.memory_space<vmem>>) semaphore(%arg27 : memref<!tpu.dma_semaphore, #tpu.memory_space<semaphore_mem>>)
    }
    %scan3A_60 = arith.constant 8 : i32
    %dma_wait3A = arith.constant 0 : i32
    %dma_wait3A_61 = arith.constant 0 : i32
    %dma_wait3A_62 = tpu.memref_slice %arg5[%dma_wait3A, %dma_wait3A_61] : memref<100000x128xf32, #tpu.memory_space<hbm>> -> memref<128x128xf32, #tpu.memory_space<hbm>>
    %dma_wait3A_63 = arith.constant 0 : i32
    %dma_wait3A_64 = arith.constant 0 : i32
    %dma_wait3A_65 = tpu.memref_slice %arg5[%dma_wait3A_63, %dma_wait3A_64] : memref<100000x128xf32, #tpu.memory_space<hbm>> -> memref<128x128xf32, #tpu.memory_space<hbm>>
    tpu.wait_dma2 semaphore(%arg16 : memref<!tpu.dma_semaphore, #tpu.memory_space<semaphore_mem>>) src(%dma_wait3A_65 : memref<128x128xf32, #tpu.memory_space<hbm>>) dst(%arg10 : memref<128x128xf32, #tpu.memory_space<vmem>>)
    %get3A = arith.constant 24 : i32
    %get3A_66 = arith.index_cast %get3A : i32 to index
    %get3A_67 = arith.constant 0 : index
    %get3A_68 = tpu.vector_load %arg9[%get3A_66, %get3A_67] {strides = array<i32>} : memref<25x128xf32, #tpu.memory_space<vmem>>, vector<1x16xf32>,
    %get3A_69 = vector.shape_cast %get3A_68 : vector<1x16xf32> to vector<16xf32>
    %get3A_70 = arith.constant 24 : i32
    %get3A_71 = arith.index_cast %get3A_70 : i32 to index
    %get3A_72 = arith.constant 16 : index
    %get3A_73 = tpu.vector_load %arg9[%get3A_71, %get3A_72] {strides = array<i32>} : memref<25x128xf32, #tpu.memory_space<vmem>>, vector<1x16xf32>,
    %get3A_74 = vector.shape_cast %get3A_73 : vector<1x16xf32> to vector<16xf32>
    %get3A_75 = arith.constant 24 : i32
    %get3A_76 = arith.index_cast %get3A_75 : i32 to index
    %get3A_77 = arith.constant 32 : index
    %get3A_78 = tpu.vector_load %arg9[%get3A_76, %get3A_77] {strides = array<i32>} : memref<25x128xf32, #tpu.memory_space<vmem>>, vector<1x16xf32>,
    %get3A_79 = vector.shape_cast %get3A_78 : vector<1x16xf32> to vector<16xf32>
    %get3A_80 = arith.constant 24 : i32
    %get3A_81 = arith.index_cast %get3A_80 : i32 to index
    %get3A_82 = arith.constant 48 : index
    %get3A_83 = tpu.vector_load %arg9[%get3A_81, %get3A_82] {strides = array<i32>} : memref<25x128xf32, #tpu.memory_space<vmem>>, vector<1x16xf32>,
    %get3A_84 = vector.shape_cast %get3A_83 : vector<1x16xf32> to vector<16xf32>
    %get3A_85 = arith.constant 24 : i32
    %get3A_86 = arith.index_cast %get3A_85 : i32 to index
    %get3A_87 = arith.constant 64 : index
    %get3A_88 = tpu.vector_load %arg9[%get3A_86, %get3A_87] {strides = array<i32>} : memref<25x128xf32, #tpu.memory_space<vmem>>, vector<1x16xf32>,
    %get3A_89 = vector.shape_cast %get3A_88 : vector<1x16xf32> to vector<16xf32>
    %get3A_90 = arith.constant 24 : i32
    %get3A_91 = arith.index_cast %get3A_90 : i32 to index
    %get3A_92 = arith.constant 80 : index
    %get3A_93 = tpu.vector_load %arg9[%get3A_91, %get3A_92] {strides = array<i32>} : memref<25x128xf32, #tpu.memory_space<vmem>>, vector<1x16xf32>,
    %get3A_94 = vector.shape_cast %get3A_93 : vector<1x16xf32> to vector<16xf32>
    %get3A_95 = arith.constant 24 : i32
    %get3A_96 = arith.index_cast %get3A_95 : i32 to index
    %get3A_97 = arith.constant 96 : index
    %get3A_98 = tpu.vector_load %arg9[%get3A_96, %get3A_97] {strides = array<i32>} : memref<25x128xf32, #tpu.memory_space<vmem>>, vector<1x16xf32>,
    %get3A_99 = vector.shape_cast %get3A_98 : vector<1x16xf32> to vector<16xf32>
    %get3A_100 = arith.constant 24 : i32
    %get3A_101 = arith.index_cast %get3A_100 : i32 to index
    %get3A_102 = arith.constant 112 : index
    %get3A_103 = tpu.vector_load %arg9[%get3A_101, %get3A_102] {strides = array<i32>} : memref<25x128xf32, #tpu.memory_space<vmem>>, vector<1x16xf32>,
    %get3A_104 = vector.shape_cast %get3A_103 : vector<1x16xf32> to vector<16xf32>
    %scan3A_105 = arith.constant 0 : i32
    %scan3A_106 = arith.constant 0 : i32
    %scan3A_107 = arith.constant 128 : i32
    %scan3A_108 = arith.addi %scan3A_106, %scan3A_107 : i32
    %scan3A_109 = arith.constant 2 : i32
    scf.for %scan3A_215 = %scan3A_106 to %scan3A_108 step %scan3A_109  : i32 {
      %swap3A = arith.index_cast %scan3A_215 : i32 to index
      %swap3A_216 = arith.constant 0 : index
      %swap3A_217 = tpu.vector_load %arg10[%swap3A, %swap3A_216] {strides = array<i32>} : memref<128x128xf32, #tpu.memory_space<vmem>>, vector<1x16xf32>,
      %swap3A_218 = vector.shape_cast %swap3A_217 : vector<1x16xf32> to vector<16xf32>
      %swap3A_219 = vector.shape_cast %get3A_69 : vector<16xf32> to vector<1x16xf32>
      tpu.vector_store %arg10[%swap3A, %swap3A_216], %swap3A_219 {add = true, strides = array<i32>} : memref<128x128xf32, #tpu.memory_space<vmem>>, vector<1x16xf32>,
      %swap3A_220 = arith.index_cast %scan3A_215 : i32 to index
      %swap3A_221 = arith.constant 16 : index
      %swap3A_222 = tpu.vector_load %arg10[%swap3A_220, %swap3A_221] {strides = array<i32>} : memref<128x128xf32, #tpu.memory_space<vmem>>, vector<1x16xf32>,
      %swap3A_223 = vector.shape_cast %swap3A_222 : vector<1x16xf32> to vector<16xf32>
      %swap3A_224 = vector.shape_cast %get3A_74 : vector<16xf32> to vector<1x16xf32>
      tpu.vector_store %arg10[%swap3A_220, %swap3A_221], %swap3A_224 {add = true, strides = array<i32>} : memref<128x128xf32, #tpu.memory_space<vmem>>, vector<1x16xf32>,
      %swap3A_225 = arith.index_cast %scan3A_215 : i32 to index
      %swap3A_226 = arith.constant 32 : index
      %swap3A_227 = tpu.vector_load %arg10[%swap3A_225, %swap3A_226] {strides = array<i32>} : memref<128x128xf32, #tpu.memory_space<vmem>>, vector<1x16xf32>,
      %swap3A_228 = vector.shape_cast %swap3A_227 : vector<1x16xf32> to vector<16xf32>
      %swap3A_229 = vector.shape_cast %get3A_79 : vector<16xf32> to vector<1x16xf32>
      tpu.vector_store %arg10[%swap3A_225, %swap3A_226], %swap3A_229 {add = true, strides = array<i32>} : memref<128x128xf32, #tpu.memory_space<vmem>>, vector<1x16xf32>,
      %swap3A_230 = arith.index_cast %scan3A_215 : i32 to index
      %swap3A_231 = arith.constant 48 : index
      %swap3A_232 = tpu.vector_load %arg10[%swap3A_230, %swap3A_231] {strides = array<i32>} : memref<128x128xf32, #tpu.memory_space<vmem>>, vector<1x16xf32>,
      %swap3A_233 = vector.shape_cast %swap3A_232 : vector<1x16xf32> to vector<16xf32>
      %swap3A_234 = vector.shape_cast %get3A_84 : vector<16xf32> to vector<1x16xf32>
      tpu.vector_store %arg10[%swap3A_230, %swap3A_231], %swap3A_234 {add = true, strides = array<i32>} : memref<128x128xf32, #tpu.memory_space<vmem>>, vector<1x16xf32>,
      %swap3A_235 = arith.index_cast %scan3A_215 : i32 to index
      %swap3A_236 = arith.constant 64 : index
      %swap3A_237 = tpu.vector_load %arg10[%swap3A_235, %swap3A_236] {strides = array<i32>} : memref<128x128xf32, #tpu.memory_space<vmem>>, vector<1x16xf32>,
      %swap3A_238 = vector.shape_cast %swap3A_237 : vector<1x16xf32> to vector<16xf32>
      %swap3A_239 = vector.shape_cast %get3A_89 : vector<16xf32> to vector<1x16xf32>
      tpu.vector_store %arg10[%swap3A_235, %swap3A_236], %swap3A_239 {add = true, strides = array<i32>} : memref<128x128xf32, #tpu.memory_space<vmem>>, vector<1x16xf32>,
      %swap3A_240 = arith.index_cast %scan3A_215 : i32 to index
      %swap3A_241 = arith.constant 80 : index
      %swap3A_242 = tpu.vector_load %arg10[%swap3A_240, %swap3A_241] {strides = array<i32>} : memref<128x128xf32, #tpu.memory_space<vmem>>, vector<1x16xf32>,
      %swap3A_243 = vector.shape_cast %swap3A_242 : vector<1x16xf32> to vector<16xf32>
      %swap3A_244 = vector.shape_cast %get3A_94 : vector<16xf32> to vector<1x16xf32>
      tpu.vector_store %arg10[%swap3A_240, %swap3A_241], %swap3A_244 {add = true, strides = array<i32>} : memref<128x128xf32, #tpu.memory_space<vmem>>, vector<1x16xf32>,
      %swap3A_245 = arith.index_cast %scan3A_215 : i32 to index
      %swap3A_246 = arith.constant 96 : index
      %swap3A_247 = tpu.vector_load %arg10[%swap3A_245, %swap3A_246] {strides = array<i32>} : memref<128x128xf32, #tpu.memory_space<vmem>>, vector<1x16xf32>,
      %swap3A_248 = vector.shape_cast %swap3A_247 : vector<1x16xf32> to vector<16xf32>
      %swap3A_249 = vector.shape_cast %get3A_99 : vector<16xf32> to vector<1x16xf32>
      tpu.vector_store %arg10[%swap3A_245, %swap3A_246], %swap3A_249 {add = true, strides = array<i32>} : memref<128x128xf32, #tpu.memory_space<vmem>>, vector<1x16xf32>,
      %swap3A_250 = arith.index_cast %scan3A_215 : i32 to index
      %swap3A_251 = arith.constant 112 : index
      %swap3A_252 = tpu.vector_load %arg10[%swap3A_250, %swap3A_251] {strides = array<i32>} : memref<128x128xf32, #tpu.memory_space<vmem>>, vector<1x16xf32>,
      %swap3A_253 = vector.shape_cast %swap3A_252 : vector<1x16xf32> to vector<16xf32>
      %swap3A_254 = vector.shape_cast %get3A_104 : vector<16xf32> to vector<1x16xf32>
      tpu.vector_store %arg10[%swap3A_250, %swap3A_251], %swap3A_254 {add = true, strides = array<i32>} : memref<128x128xf32, #tpu.memory_space<vmem>>, vector<1x16xf32>,
      %scan3A_255 = arith.constant 1 : i32
      %scan3A_256 = arith.addi %scan3A_215, %scan3A_255 : i32
      %swap3A_257 = arith.index_cast %scan3A_256 : i32 to index
      %swap3A_258 = arith.constant 0 : index
      %swap3A_259 = tpu.vector_load %arg10[%swap3A_257, %swap3A_258] {strides = array<i32>} : memref<128x128xf32, #tpu.memory_space<vmem>>, vector<1x16xf32>,
      %swap3A_260 = vector.shape_cast %swap3A_259 : vector<1x16xf32> to vector<16xf32>
      %swap3A_261 = vector.shape_cast %get3A_69 : vector<16xf32> to vector<1x16xf32>
      tpu.vector_store %arg10[%swap3A_257, %swap3A_258], %swap3A_261 {add = true, strides = array<i32>} : memref<128x128xf32, #tpu.memory_space<vmem>>, vector<1x16xf32>,
      %swap3A_262 = arith.index_cast %scan3A_256 : i32 to index
      %swap3A_263 = arith.constant 16 : index
      %swap3A_264 = tpu.vector_load %arg10[%swap3A_262, %swap3A_263] {strides = array<i32>} : memref<128x128xf32, #tpu.memory_space<vmem>>, vector<1x16xf32>,
      %swap3A_265 = vector.shape_cast %swap3A_264 : vector<1x16xf32> to vector<16xf32>
      %swap3A_266 = vector.shape_cast %get3A_74 : vector<16xf32> to vector<1x16xf32>
      tpu.vector_store %arg10[%swap3A_262, %swap3A_263], %swap3A_266 {add = true, strides = array<i32>} : memref<128x128xf32, #tpu.memory_space<vmem>>, vector<1x16xf32>,
      %swap3A_267 = arith.index_cast %scan3A_256 : i32 to index
      %swap3A_268 = arith.constant 32 : index
      %swap3A_269 = tpu.vector_load %arg10[%swap3A_267, %swap3A_268] {strides = array<i32>} : memref<128x128xf32, #tpu.memory_space<vmem>>, vector<1x16xf32>,
      %swap3A_270 = vector.shape_cast %swap3A_269 : vector<1x16xf32> to vector<16xf32>
      %swap3A_271 = vector.shape_cast %get3A_79 : vector<16xf32> to vector<1x16xf32>
      tpu.vector_store %arg10[%swap3A_267, %swap3A_268], %swap3A_271 {add = true, strides = array<i32>} : memref<128x128xf32, #tpu.memory_space<vmem>>, vector<1x16xf32>,
      %swap3A_272 = arith.index_cast %scan3A_256 : i32 to index
      %swap3A_273 = arith.constant 48 : index
      %swap3A_274 = tpu.vector_load %arg10[%swap3A_272, %swap3A_273] {strides = array<i32>} : memref<128x128xf32, #tpu.memory_space<vmem>>, vector<1x16xf32>,
      %swap3A_275 = vector.shape_cast %swap3A_274 : vector<1x16xf32> to vector<16xf32>
      %swap3A_276 = vector.shape_cast %get3A_84 : vector<16xf32> to vector<1x16xf32>
      tpu.vector_store %arg10[%swap3A_272, %swap3A_273], %swap3A_276 {add = true, strides = array<i32>} : memref<128x128xf32, #tpu.memory_space<vmem>>, vector<1x16xf32>,
      %swap3A_277 = arith.index_cast %scan3A_256 : i32 to index
      %swap3A_278 = arith.constant 64 : index
      %swap3A_279 = tpu.vector_load %arg10[%swap3A_277, %swap3A_278] {strides = array<i32>} : memref<128x128xf32, #tpu.memory_space<vmem>>, vector<1x16xf32>,
      %swap3A_280 = vector.shape_cast %swap3A_279 : vector<1x16xf32> to vector<16xf32>
      %swap3A_281 = vector.shape_cast %get3A_89 : vector<16xf32> to vector<1x16xf32>
      tpu.vector_store %arg10[%swap3A_277, %swap3A_278], %swap3A_281 {add = true, strides = array<i32>} : memref<128x128xf32, #tpu.memory_space<vmem>>, vector<1x16xf32>,
      %swap3A_282 = arith.index_cast %scan3A_256 : i32 to index
      %swap3A_283 = arith.constant 80 : index
      %swap3A_284 = tpu.vector_load %arg10[%swap3A_282, %swap3A_283] {strides = array<i32>} : memref<128x128xf32, #tpu.memory_space<vmem>>, vector<1x16xf32>,
      %swap3A_285 = vector.shape_cast %swap3A_284 : vector<1x16xf32> to vector<16xf32>
      %swap3A_286 = vector.shape_cast %get3A_94 : vector<16xf32> to vector<1x16xf32>
      tpu.vector_store %arg10[%swap3A_282, %swap3A_283], %swap3A_286 {add = true, strides = array<i32>} : memref<128x128xf32, #tpu.memory_space<vmem>>, vector<1x16xf32>,
      %swap3A_287 = arith.index_cast %scan3A_256 : i32 to index
      %swap3A_288 = arith.constant 96 : index
      %swap3A_289 = tpu.vector_load %arg10[%swap3A_287, %swap3A_288] {strides = array<i32>} : memref<128x128xf32, #tpu.memory_space<vmem>>, vector<1x16xf32>,
      %swap3A_290 = vector.shape_cast %swap3A_289 : vector<1x16xf32> to vector<16xf32>
      %swap3A_291 = vector.shape_cast %get3A_99 : vector<16xf32> to vector<1x16xf32>
      tpu.vector_store %arg10[%swap3A_287, %swap3A_288], %swap3A_291 {add = true, strides = array<i32>} : memref<128x128xf32, #tpu.memory_space<vmem>>, vector<1x16xf32>,
      %swap3A_292 = arith.index_cast %scan3A_256 : i32 to index
      %swap3A_293 = arith.constant 112 : index
      %swap3A_294 = tpu.vector_load %arg10[%swap3A_292, %swap3A_293] {strides = array<i32>} : memref<128x128xf32, #tpu.memory_space<vmem>>, vector<1x16xf32>,
      %swap3A_295 = vector.shape_cast %swap3A_294 : vector<1x16xf32> to vector<16xf32>
      %swap3A_296 = vector.shape_cast %get3A_104 : vector<16xf32> to vector<1x16xf32>
      tpu.vector_store %arg10[%swap3A_292, %swap3A_293], %swap3A_296 {add = true, strides = array<i32>} : memref<128x128xf32, #tpu.memory_space<vmem>>, vector<1x16xf32>,
    }
    %scan3A_110 = arith.constant 128 : i32
    %dma_start3A_111 = arith.constant 24 : i32
    %dma_start3A_112 = arith.constant 0 : i32
    %dma_start3A_113 = arith.constant 0 : i32
    %dma_start3A_114 = tpu.memref_slice %arg8[%dma_start3A_111, %dma_start3A_112, %dma_start3A_113] : memref<25x2x128xi32, #tpu.memory_space<vmem>> -> memref<1x1x128xi32, #tpu.memory_space<vmem>>
    %dma_start3A_115 = tpu.memref_squeeze %dma_start3A_114 : memref<1x1x128xi32, #tpu.memory_space<vmem>> -> memref<128xi32, #tpu.memory_space<vmem>>
    %dma_start3A_116 = arith.constant 0 : i32
    %dma_start3A_117 = arith.constant 0 : i32
    %dma_start3A_118 = tpu.memref_slice %arg6[%dma_start3A_116, %dma_start3A_117] : memref<204800x128xf32, #tpu.memory_space<hbm>> -> memref<204800x128xf32, #tpu.memory_space<hbm>>
    tpu.enqueue_indirect_dma source(%arg10 : memref<128x128xf32, #tpu.memory_space<vmem>>) target(%dma_start3A_118 : memref<204800x128xf32, #tpu.memory_space<hbm>>) offsets(%dma_start3A_115 : memref<128xi32, #tpu.memory_space<vmem>>) semaphore(%arg22 : memref<!tpu.dma_semaphore, #tpu.memory_space<semaphore_mem>>)
    %dma_wait3A_119 = arith.constant 0 : i32
    %dma_wait3A_120 = arith.constant 0 : i32
    %dma_wait3A_121 = tpu.memref_slice %arg5[%dma_wait3A_119, %dma_wait3A_120] : memref<100000x128xf32, #tpu.memory_space<hbm>> -> memref<128x128xf32, #tpu.memory_space<hbm>>
    %dma_wait3A_122 = arith.constant 0 : i32
    %dma_wait3A_123 = arith.constant 0 : i32
    %dma_wait3A_124 = tpu.memref_slice %arg5[%dma_wait3A_122, %dma_wait3A_123] : memref<100000x128xf32, #tpu.memory_space<hbm>> -> memref<128x128xf32, #tpu.memory_space<hbm>>
    tpu.wait_dma2 semaphore(%arg17 : memref<!tpu.dma_semaphore, #tpu.memory_space<semaphore_mem>>) src(%dma_wait3A_124 : memref<128x128xf32, #tpu.memory_space<hbm>>) dst(%arg11 : memref<128x128xf32, #tpu.memory_space<vmem>>)
    %get3A_125 = arith.constant 24 : i32
    %get3A_126 = arith.index_cast %get3A_125 : i32 to index
    %get3A_127 = arith.constant 0 : index
    %get3A_128 = tpu.vector_load %arg9[%get3A_126, %get3A_127] {strides = array<i32>} : memref<25x128xf32, #tpu.memory_space<vmem>>, vector<1x16xf32>,
    %get3A_129 = vector.shape_cast %get3A_128 : vector<1x16xf32> to vector<16xf32>
    %get3A_130 = arith.constant 24 : i32
    %get3A_131 = arith.index_cast %get3A_130 : i32 to index
    %get3A_132 = arith.constant 16 : index
    %get3A_133 = tpu.vector_load %arg9[%get3A_131, %get3A_132] {strides = array<i32>} : memref<25x128xf32, #tpu.memory_space<vmem>>, vector<1x16xf32>,
    %get3A_134 = vector.shape_cast %get3A_133 : vector<1x16xf32> to vector<16xf32>
    %get3A_135 = arith.constant 24 : i32
    %get3A_136 = arith.index_cast %get3A_135 : i32 to index
    %get3A_137 = arith.constant 32 : index
    %get3A_138 = tpu.vector_load %arg9[%get3A_136, %get3A_137] {strides = array<i32>} : memref<25x128xf32, #tpu.memory_space<vmem>>, vector<1x16xf32>,
    %get3A_139 = vector.shape_cast %get3A_138 : vector<1x16xf32> to vector<16xf32>
    %get3A_140 = arith.constant 24 : i32
    %get3A_141 = arith.index_cast %get3A_140 : i32 to index
    %get3A_142 = arith.constant 48 : index
    %get3A_143 = tpu.vector_load %arg9[%get3A_141, %get3A_142] {strides = array<i32>} : memref<25x128xf32, #tpu.memory_space<vmem>>, vector<1x16xf32>,
    %get3A_144 = vector.shape_cast %get3A_143 : vector<1x16xf32> to vector<16xf32>
    %get3A_145 = arith.constant 24 : i32
    %get3A_146 = arith.index_cast %get3A_145 : i32 to index
    %get3A_147 = arith.constant 64 : index
    %get3A_148 = tpu.vector_load %arg9[%get3A_146, %get3A_147] {strides = array<i32>} : memref<25x128xf32, #tpu.memory_space<vmem>>, vector<1x16xf32>,
    %get3A_149 = vector.shape_cast %get3A_148 : vector<1x16xf32> to vector<16xf32>
    %get3A_150 = arith.constant 24 : i32
    %get3A_151 = arith.index_cast %get3A_150 : i32 to index
    %get3A_152 = arith.constant 80 : index
    %get3A_153 = tpu.vector_load %arg9[%get3A_151, %get3A_152] {strides = array<i32>} : memref<25x128xf32, #tpu.memory_space<vmem>>, vector<1x16xf32>,
    %get3A_154 = vector.shape_cast %get3A_153 : vector<1x16xf32> to vector<16xf32>
    %get3A_155 = arith.constant 24 : i32
    %get3A_156 = arith.index_cast %get3A_155 : i32 to index
    %get3A_157 = arith.constant 96 : index
    %get3A_158 = tpu.vector_load %arg9[%get3A_156, %get3A_157] {strides = array<i32>} : memref<25x128xf32, #tpu.memory_space<vmem>>, vector<1x16xf32>,
    %get3A_159 = vector.shape_cast %get3A_158 : vector<1x16xf32> to vector<16xf32>
    %get3A_160 = arith.constant 24 : i32
    %get3A_161 = arith.index_cast %get3A_160 : i32 to index
    %get3A_162 = arith.constant 112 : index
    %get3A_163 = tpu.vector_load %arg9[%get3A_161, %get3A_162] {strides = array<i32>} : memref<25x128xf32, #tpu.memory_space<vmem>>, vector<1x16xf32>,
    %get3A_164 = vector.shape_cast %get3A_163 : vector<1x16xf32> to vector<16xf32>
    %scan3A_165 = arith.constant 0 : i32
    %scan3A_166 = arith.constant 0 : i32
    %scan3A_167 = arith.constant 128 : i32
    %scan3A_168 = arith.addi %scan3A_166, %scan3A_167 : i32
    %scan3A_169 = arith.constant 2 : i32
    scf.for %scan3A_215 = %scan3A_166 to %scan3A_168 step %scan3A_169  : i32 {
      %swap3A = arith.index_cast %scan3A_215 : i32 to index
      %swap3A_216 = arith.constant 0 : index
      %swap3A_217 = tpu.vector_load %arg11[%swap3A, %swap3A_216] {strides = array<i32>} : memref<128x128xf32, #tpu.memory_space<vmem>>, vector<1x16xf32>,
      %swap3A_218 = vector.shape_cast %swap3A_217 : vector<1x16xf32> to vector<16xf32>
      %swap3A_219 = vector.shape_cast %get3A_129 : vector<16xf32> to vector<1x16xf32>
      tpu.vector_store %arg11[%swap3A, %swap3A_216], %swap3A_219 {add = true, strides = array<i32>} : memref<128x128xf32, #tpu.memory_space<vmem>>, vector<1x16xf32>,
      %swap3A_220 = arith.index_cast %scan3A_215 : i32 to index
      %swap3A_221 = arith.constant 16 : index
      %swap3A_222 = tpu.vector_load %arg11[%swap3A_220, %swap3A_221] {strides = array<i32>} : memref<128x128xf32, #tpu.memory_space<vmem>>, vector<1x16xf32>,
      %swap3A_223 = vector.shape_cast %swap3A_222 : vector<1x16xf32> to vector<16xf32>
      %swap3A_224 = vector.shape_cast %get3A_134 : vector<16xf32> to vector<1x16xf32>
      tpu.vector_store %arg11[%swap3A_220, %swap3A_221], %swap3A_224 {add = true, strides = array<i32>} : memref<128x128xf32, #tpu.memory_space<vmem>>, vector<1x16xf32>,
      %swap3A_225 = arith.index_cast %scan3A_215 : i32 to index
      %swap3A_226 = arith.constant 32 : index
      %swap3A_227 = tpu.vector_load %arg11[%swap3A_225, %swap3A_226] {strides = array<i32>} : memref<128x128xf32, #tpu.memory_space<vmem>>, vector<1x16xf32>,
      %swap3A_228 = vector.shape_cast %swap3A_227 : vector<1x16xf32> to vector<16xf32>
      %swap3A_229 = vector.shape_cast %get3A_139 : vector<16xf32> to vector<1x16xf32>
      tpu.vector_store %arg11[%swap3A_225, %swap3A_226], %swap3A_229 {add = true, strides = array<i32>} : memref<128x128xf32, #tpu.memory_space<vmem>>, vector<1x16xf32>,
      %swap3A_230 = arith.index_cast %scan3A_215 : i32 to index
      %swap3A_231 = arith.constant 48 : index
      %swap3A_232 = tpu.vector_load %arg11[%swap3A_230, %swap3A_231] {strides = array<i32>} : memref<128x128xf32, #tpu.memory_space<vmem>>, vector<1x16xf32>,
      %swap3A_233 = vector.shape_cast %swap3A_232 : vector<1x16xf32> to vector<16xf32>
      %swap3A_234 = vector.shape_cast %get3A_144 : vector<16xf32> to vector<1x16xf32>
      tpu.vector_store %arg11[%swap3A_230, %swap3A_231], %swap3A_234 {add = true, strides = array<i32>} : memref<128x128xf32, #tpu.memory_space<vmem>>, vector<1x16xf32>,
      %swap3A_235 = arith.index_cast %scan3A_215 : i32 to index
      %swap3A_236 = arith.constant 64 : index
      %swap3A_237 = tpu.vector_load %arg11[%swap3A_235, %swap3A_236] {strides = array<i32>} : memref<128x128xf32, #tpu.memory_space<vmem>>, vector<1x16xf32>,
      %swap3A_238 = vector.shape_cast %swap3A_237 : vector<1x16xf32> to vector<16xf32>
      %swap3A_239 = vector.shape_cast %get3A_149 : vector<16xf32> to vector<1x16xf32>
      tpu.vector_store %arg11[%swap3A_235, %swap3A_236], %swap3A_239 {add = true, strides = array<i32>} : memref<128x128xf32, #tpu.memory_space<vmem>>, vector<1x16xf32>,
      %swap3A_240 = arith.index_cast %scan3A_215 : i32 to index
      %swap3A_241 = arith.constant 80 : index
      %swap3A_242 = tpu.vector_load %arg11[%swap3A_240, %swap3A_241] {strides = array<i32>} : memref<128x128xf32, #tpu.memory_space<vmem>>, vector<1x16xf32>,
      %swap3A_243 = vector.shape_cast %swap3A_242 : vector<1x16xf32> to vector<16xf32>
      %swap3A_244 = vector.shape_cast %get3A_154 : vector<16xf32> to vector<1x16xf32>
      tpu.vector_store %arg11[%swap3A_240, %swap3A_241], %swap3A_244 {add = true, strides = array<i32>} : memref<128x128xf32, #tpu.memory_space<vmem>>, vector<1x16xf32>,
      %swap3A_245 = arith.index_cast %scan3A_215 : i32 to index
      %swap3A_246 = arith.constant 96 : index
      %swap3A_247 = tpu.vector_load %arg11[%swap3A_245, %swap3A_246] {strides = array<i32>} : memref<128x128xf32, #tpu.memory_space<vmem>>, vector<1x16xf32>,
      %swap3A_248 = vector.shape_cast %swap3A_247 : vector<1x16xf32> to vector<16xf32>
      %swap3A_249 = vector.shape_cast %get3A_159 : vector<16xf32> to vector<1x16xf32>
      tpu.vector_store %arg11[%swap3A_245, %swap3A_246], %swap3A_249 {add = true, strides = array<i32>} : memref<128x128xf32, #tpu.memory_space<vmem>>, vector<1x16xf32>,
      %swap3A_250 = arith.index_cast %scan3A_215 : i32 to index
      %swap3A_251 = arith.constant 112 : index
      %swap3A_252 = tpu.vector_load %arg11[%swap3A_250, %swap3A_251] {strides = array<i32>} : memref<128x128xf32, #tpu.memory_space<vmem>>, vector<1x16xf32>,
      %swap3A_253 = vector.shape_cast %swap3A_252 : vector<1x16xf32> to vector<16xf32>
      %swap3A_254 = vector.shape_cast %get3A_164 : vector<16xf32> to vector<1x16xf32>
      tpu.vector_store %arg11[%swap3A_250, %swap3A_251], %swap3A_254 {add = true, strides = array<i32>} : memref<128x128xf32, #tpu.memory_space<vmem>>, vector<1x16xf32>,
      %scan3A_255 = arith.constant 1 : i32
      %scan3A_256 = arith.addi %scan3A_215, %scan3A_255 : i32
      %swap3A_257 = arith.index_cast %scan3A_256 : i32 to index
      %swap3A_258 = arith.constant 0 : index
      %swap3A_259 = tpu.vector_load %arg11[%swap3A_257, %swap3A_258] {strides = array<i32>} : memref<128x128xf32, #tpu.memory_space<vmem>>, vector<1x16xf32>,
      %swap3A_260 = vector.shape_cast %swap3A_259 : vector<1x16xf32> to vector<16xf32>
      %swap3A_261 = vector.shape_cast %get3A_129 : vector<16xf32> to vector<1x16xf32>
      tpu.vector_store %arg11[%swap3A_257, %swap3A_258], %swap3A_261 {add = true, strides = array<i32>} : memref<128x128xf32, #tpu.memory_space<vmem>>, vector<1x16xf32>,
      %swap3A_262 = arith.index_cast %scan3A_256 : i32 to index
      %swap3A_263 = arith.constant 16 : index
      %swap3A_264 = tpu.vector_load %arg11[%swap3A_262, %swap3A_263] {strides = array<i32>} : memref<128x128xf32, #tpu.memory_space<vmem>>, vector<1x16xf32>,
      %swap3A_265 = vector.shape_cast %swap3A_264 : vector<1x16xf32> to vector<16xf32>
      %swap3A_266 = vector.shape_cast %get3A_134 : vector<16xf32> to vector<1x16xf32>
      tpu.vector_store %arg11[%swap3A_262, %swap3A_263], %swap3A_266 {add = true, strides = array<i32>} : memref<128x128xf32, #tpu.memory_space<vmem>>, vector<1x16xf32>,
      %swap3A_267 = arith.index_cast %scan3A_256 : i32 to index
      %swap3A_268 = arith.constant 32 : index
      %swap3A_269 = tpu.vector_load %arg11[%swap3A_267, %swap3A_268] {strides = array<i32>} : memref<128x128xf32, #tpu.memory_space<vmem>>, vector<1x16xf32>,
      %swap3A_270 = vector.shape_cast %swap3A_269 : vector<1x16xf32> to vector<16xf32>
      %swap3A_271 = vector.shape_cast %get3A_139 : vector<16xf32> to vector<1x16xf32>
      tpu.vector_store %arg11[%swap3A_267, %swap3A_268], %swap3A_271 {add = true, strides = array<i32>} : memref<128x128xf32, #tpu.memory_space<vmem>>, vector<1x16xf32>,
      %swap3A_272 = arith.index_cast %scan3A_256 : i32 to index
      %swap3A_273 = arith.constant 48 : index
      %swap3A_274 = tpu.vector_load %arg11[%swap3A_272, %swap3A_273] {strides = array<i32>} : memref<128x128xf32, #tpu.memory_space<vmem>>, vector<1x16xf32>,
      %swap3A_275 = vector.shape_cast %swap3A_274 : vector<1x16xf32> to vector<16xf32>
      %swap3A_276 = vector.shape_cast %get3A_144 : vector<16xf32> to vector<1x16xf32>
      tpu.vector_store %arg11[%swap3A_272, %swap3A_273], %swap3A_276 {add = true, strides = array<i32>} : memref<128x128xf32, #tpu.memory_space<vmem>>, vector<1x16xf32>,
      %swap3A_277 = arith.index_cast %scan3A_256 : i32 to index
      %swap3A_278 = arith.constant 64 : index
      %swap3A_279 = tpu.vector_load %arg11[%swap3A_277, %swap3A_278] {strides = array<i32>} : memref<128x128xf32, #tpu.memory_space<vmem>>, vector<1x16xf32>,
      %swap3A_280 = vector.shape_cast %swap3A_279 : vector<1x16xf32> to vector<16xf32>
      %swap3A_281 = vector.shape_cast %get3A_149 : vector<16xf32> to vector<1x16xf32>
      tpu.vector_store %arg11[%swap3A_277, %swap3A_278], %swap3A_281 {add = true, strides = array<i32>} : memref<128x128xf32, #tpu.memory_space<vmem>>, vector<1x16xf32>,
      %swap3A_282 = arith.index_cast %scan3A_256 : i32 to index
      %swap3A_283 = arith.constant 80 : index
      %swap3A_284 = tpu.vector_load %arg11[%swap3A_282, %swap3A_283] {strides = array<i32>} : memref<128x128xf32, #tpu.memory_space<vmem>>, vector<1x16xf32>,
      %swap3A_285 = vector.shape_cast %swap3A_284 : vector<1x16xf32> to vector<16xf32>
      %swap3A_286 = vector.shape_cast %get3A_154 : vector<16xf32> to vector<1x16xf32>
      tpu.vector_store %arg11[%swap3A_282, %swap3A_283], %swap3A_286 {add = true, strides = array<i32>} : memref<128x128xf32, #tpu.memory_space<vmem>>, vector<1x16xf32>,
      %swap3A_287 = arith.index_cast %scan3A_256 : i32 to index
      %swap3A_288 = arith.constant 96 : index
      %swap3A_289 = tpu.vector_load %arg11[%swap3A_287, %swap3A_288] {strides = array<i32>} : memref<128x128xf32, #tpu.memory_space<vmem>>, vector<1x16xf32>,
      %swap3A_290 = vector.shape_cast %swap3A_289 : vector<1x16xf32> to vector<16xf32>
      %swap3A_291 = vector.shape_cast %get3A_159 : vector<16xf32> to vector<1x16xf32>
      tpu.vector_store %arg11[%swap3A_287, %swap3A_288], %swap3A_291 {add = true, strides = array<i32>} : memref<128x128xf32, #tpu.memory_space<vmem>>, vector<1x16xf32>,
      %swap3A_292 = arith.index_cast %scan3A_256 : i32 to index
      %swap3A_293 = arith.constant 112 : index
      %swap3A_294 = tpu.vector_load %arg11[%swap3A_292, %swap3A_293] {strides = array<i32>} : memref<128x128xf32, #tpu.memory_space<vmem>>, vector<1x16xf32>,
      %swap3A_295 = vector.shape_cast %swap3A_294 : vector<1x16xf32> to vector<16xf32>
      %swap3A_296 = vector.shape_cast %get3A_164 : vector<16xf32> to vector<1x16xf32>
      tpu.vector_store %arg11[%swap3A_292, %swap3A_293], %swap3A_296 {add = true, strides = array<i32>} : memref<128x128xf32, #tpu.memory_space<vmem>>, vector<1x16xf32>,
    }
    %scan3A_170 = arith.constant 128 : i32
    %dma_start3A_171 = arith.constant 24 : i32
    %dma_start3A_172 = arith.constant 1 : i32
    %dma_start3A_173 = arith.constant 0 : i32
    %dma_start3A_174 = tpu.memref_slice %arg8[%dma_start3A_171, %dma_start3A_172, %dma_start3A_173] : memref<25x2x128xi32, #tpu.memory_space<vmem>> -> memref<1x1x128xi32, #tpu.memory_space<vmem>>
    %dma_start3A_175 = tpu.memref_squeeze %dma_start3A_174 : memref<1x1x128xi32, #tpu.memory_space<vmem>> -> memref<128xi32, #tpu.memory_space<vmem>>
    %dma_start3A_176 = arith.constant 0 : i32
    %dma_start3A_177 = arith.constant 0 : i32
    %dma_start3A_178 = tpu.memref_slice %arg6[%dma_start3A_176, %dma_start3A_177] : memref<204800x128xf32, #tpu.memory_space<hbm>> -> memref<204800x128xf32, #tpu.memory_space<hbm>>
    tpu.enqueue_indirect_dma source(%arg11 : memref<128x128xf32, #tpu.memory_space<vmem>>) target(%dma_start3A_178 : memref<204800x128xf32, #tpu.memory_space<hbm>>) offsets(%dma_start3A_175 : memref<128xi32, #tpu.memory_space<vmem>>) semaphore(%arg23 : memref<!tpu.dma_semaphore, #tpu.memory_space<semaphore_mem>>)
    %dma_wait3A_179 = arith.constant 0 : i32
    %dma_wait3A_180 = arith.constant 0 : i32
    %dma_wait3A_181 = tpu.memref_slice %arg6[%dma_wait3A_179, %dma_wait3A_180] : memref<204800x128xf32, #tpu.memory_space<hbm>> -> memref<128x128xf32, #tpu.memory_space<hbm>>
    %dma_wait3A_182 = arith.constant 0 : i32
    %dma_wait3A_183 = arith.constant 0 : i32
    %dma_wait3A_184 = tpu.memref_slice %arg6[%dma_wait3A_182, %dma_wait3A_183] : memref<204800x128xf32, #tpu.memory_space<hbm>> -> memref<128x128xf32, #tpu.memory_space<hbm>>
    tpu.wait_dma2 semaphore(%arg22 : memref<!tpu.dma_semaphore, #tpu.memory_space<semaphore_mem>>) src(%arg10 : memref<128x128xf32, #tpu.memory_space<vmem>>) dst(%dma_wait3A_184 : memref<128x128xf32, #tpu.memory_space<hbm>>)
    %dma_wait3A_185 = arith.constant 0 : i32
    %dma_wait3A_186 = arith.constant 0 : i32
    %dma_wait3A_187 = tpu.memref_slice %arg6[%dma_wait3A_185, %dma_wait3A_186] : memref<204800x128xf32, #tpu.memory_space<hbm>> -> memref<128x128xf32, #tpu.memory_space<hbm>>
    %dma_wait3A_188 = arith.constant 0 : i32
    %dma_wait3A_189 = arith.constant 0 : i32
    %dma_wait3A_190 = tpu.memref_slice %arg6[%dma_wait3A_188, %dma_wait3A_189] : memref<204800x128xf32, #tpu.memory_space<hbm>> -> memref<128x128xf32, #tpu.memory_space<hbm>>
    tpu.wait_dma2 semaphore(%arg23 : memref<!tpu.dma_semaphore, #tpu.memory_space<semaphore_mem>>) src(%arg11 : memref<128x128xf32, #tpu.memory_space<vmem>>) dst(%dma_wait3A_190 : memref<128x128xf32, #tpu.memory_space<hbm>>)
    %dma_wait3A_191 = arith.constant 0 : i32
    %dma_wait3A_192 = arith.constant 0 : i32
    %dma_wait3A_193 = tpu.memref_slice %arg6[%dma_wait3A_191, %dma_wait3A_192] : memref<204800x128xf32, #tpu.memory_space<hbm>> -> memref<128x128xf32, #tpu.memory_space<hbm>>
    %dma_wait3A_194 = arith.constant 0 : i32
    %dma_wait3A_195 = arith.constant 0 : i32
    %dma_wait3A_196 = tpu.memref_slice %arg6[%dma_wait3A_194, %dma_wait3A_195] : memref<204800x128xf32, #tpu.memory_space<hbm>> -> memref<128x128xf32, #tpu.memory_space<hbm>>
    tpu.wait_dma2 semaphore(%arg24 : memref<!tpu.dma_semaphore, #tpu.memory_space<semaphore_mem>>) src(%arg12 : memref<128x128xf32, #tpu.memory_space<vmem>>) dst(%dma_wait3A_196 : memref<128x128xf32, #tpu.memory_space<hbm>>)
    %dma_wait3A_197 = arith.constant 0 : i32
    %dma_wait3A_198 = arith.constant 0 : i32
    %dma_wait3A_199 = tpu.memref_slice %arg6[%dma_wait3A_197, %dma_wait3A_198] : memref<204800x128xf32, #tpu.memory_space<hbm>> -> memref<128x128xf32, #tpu.memory_space<hbm>>
    %dma_wait3A_200 = arith.constant 0 : i32
    %dma_wait3A_201 = arith.constant 0 : i32
    %dma_wait3A_202 = tpu.memref_slice %arg6[%dma_wait3A_200, %dma_wait3A_201] : memref<204800x128xf32, #tpu.memory_space<hbm>> -> memref<128x128xf32, #tpu.memory_space<hbm>>
    tpu.wait_dma2 semaphore(%arg25 : memref<!tpu.dma_semaphore, #tpu.memory_space<semaphore_mem>>) src(%arg13 : memref<128x128xf32, #tpu.memory_space<vmem>>) dst(%dma_wait3A_202 : memref<128x128xf32, #tpu.memory_space<hbm>>)
    %dma_wait3A_203 = arith.constant 0 : i32
    %dma_wait3A_204 = arith.constant 0 : i32
    %dma_wait3A_205 = tpu.memref_slice %arg6[%dma_wait3A_203, %dma_wait3A_204] : memref<204800x128xf32, #tpu.memory_space<hbm>> -> memref<128x128xf32, #tpu.memory_space<hbm>>
    %dma_wait3A_206 = arith.constant 0 : i32
    %dma_wait3A_207 = arith.constant 0 : i32
    %dma_wait3A_208 = tpu.memref_slice %arg6[%dma_wait3A_206, %dma_wait3A_207] : memref<204800x128xf32, #tpu.memory_space<hbm>> -> memref<128x128xf32, #tpu.memory_space<hbm>>
    tpu.wait_dma2 semaphore(%arg26 : memref<!tpu.dma_semaphore, #tpu.memory_space<semaphore_mem>>) src(%arg14 : memref<128x128xf32, #tpu.memory_space<vmem>>) dst(%dma_wait3A_208 : memref<128x128xf32, #tpu.memory_space<hbm>>)
    %dma_wait3A_209 = arith.constant 0 : i32
    %dma_wait3A_210 = arith.constant 0 : i32
    %dma_wait3A_211 = tpu.memref_slice %arg6[%dma_wait3A_209, %dma_wait3A_210] : memref<204800x128xf32, #tpu.memory_space<hbm>> -> memref<128x128xf32, #tpu.memory_space<hbm>>
    %dma_wait3A_212 = arith.constant 0 : i32
    %dma_wait3A_213 = arith.constant 0 : i32
    %dma_wait3A_214 = tpu.memref_slice %arg6[%dma_wait3A_212, %dma_wait3A_213] : memref<204800x128xf32, #tpu.memory_space<hbm>> -> memref<128x128xf32, #tpu.memory_space<hbm>>
    tpu.wait_dma2 semaphore(%arg27 : memref<!tpu.dma_semaphore, #tpu.memory_space<semaphore_mem>>) src(%arg15 : memref<128x128xf32, #tpu.memory_space<vmem>>) dst(%dma_wait3A_214 : memref<128x128xf32, #tpu.memory_space<hbm>>)
    return
  }
}

</mosaic_0001>

<sc_bundles>
// kernel: _run.3.cloned.1.call-start
scs
__scs_entry_jumppad:
0x0: {  	(pc) =	sbr.rel $0x88, $3  }
0x1: {  	(tag) =	ssettag $0x0;
	lr =	simm.s32 $0x1  }
0x2: {  	[smem:$0x3F9D] =	sst lr;
	_ =	strace $0xD0000000  }
0x3: {  	_ = 	snop  }
0x4: {  	_ = 	snop  }
0x5: {  	_ = 	snop  }
0x6: {  	_ = 	snop  }
0x7: {  	_ = 	snop  }
__scs_overlays_trampoline_lowered:
0x8: {  	[smem:$0x3FAC] =	sst s0  }
0x9: {  	[smem:$0x3FAD] =	sst s1  }
0xa: {  	[smem:$0x3FAE] =	sst s2  }
0xb: {  	[smem:$0x3FAF] =	sst s3  }
0xc: {  	[smem:$0x3FB0] =	sst s4  }
0xd: {  	[smem:$0x3FB1] =	sst s5  }
0xe: {  	[smem:$0x3FB2] =	sst s6  }
0xf: {  	[smem:$0x3FB3] =	sst s7  }
0x10: {  	[smem:$0x3FB4] =	sst s8  }
0x11: {  	[smem:$0x3FB5] =	sst s9;
	s0 =	simm.s32 @!p0 $0x0  }
0x12: {  	s1 =	sld [smem:$0x3F9B];
	s0 =	simm.s32 @p0 $0x1  }
0x13: {  	[smem:$0x3FB6] =	sst s0;
	s0 =	simm.s32 @!p1 $0x0  }
0x14: {  	s2 =	sld [smem:$0x3F9A];
	s0 =	simm.s32 @p1 $0x1  }
0x15: {  	[smem:$0x3FB7] =	sst s0;
	s0 =	simm.s32 @!p2 $0x0  }
0x16: {  	s3 =	sld [smem:$0x3FDB];
	s0 =	simm.s32 @p2 $0x1  }
0x17: {  	s4 =	simm.s32 $0x1BF5;
	[smem:$0x3FB9] =	sst s0  }
0x18: {  	s0 =	sld [smem:$0x3F9C];
	_ =	swait.ge [sflag:s4], $0x0  }
0x19: {  	s7 =	sld [smem:$0x3F9D]  }
0x1a: {  	s8 =	sadd.s32 $0xFFFFE003, lr  }
0x1b: {  	s9 =	sadd.s32 $0xFFFFFEF7, lr;
	s5 =	simm.s32 $0xFFFFFFFF;
	p2 =	slt.u32 s8, $0xFFFFF086  }
0x1c: {  	p1 =	slt.u32 s9, $0xF7A;
	s5 =	simm.s32 @!p2 $0x0  }
0x1d: {  	s5 =	simm.s32 @p1 $0x1;
	p0 =	seq.s32 s7, s2  }
0x1e: {  	s7 =	smul.u32 @!p0 $0xF7A, s2;
	p2 =	seq.s32 @!p0 s5, $0x0  }
0x1f: {  	s9 =	smul.u32 $0xF7A, s1;
	s8 =	simm.s32 @!p0 $0x1BF5;
	p2 =	por !p2, p0  }
0x20: {  	[sflag:s8] =	ssyncset.s32 @!p0 $0xFFFFF086;
	s6 =	sadd.s32 @!p0 s3, s7;
	s7 =	simm.s32 @!p0 $0x108  }
0x21: {  	s3 =	sadd.s32 s3, s9;
	s6 =	sadd.s32 @!p0 $0x88, s6;
	s7 =	simm.s32 @p2 $0x1082  }
0x22: {  	[simem:s7], [sflag:s8] =	dma.local @!p0 [hbm:s6], $0xF7A  }
0x23: {  	s9 =	sor.u32 $0xD0000000, s2;
	s6 =	simm.s32 $0x108;
	_ =	swait.ge @!p0 [sflag:s8], $0x0  }
0x24: {  	s3 =	sadd.s32 $0x88, s3;
	s6 =	simm.s32 @!p1 $0x1082;
	[sflag:s4] =	ssyncset.s32 $0xFFFFF086  }
0x25: {  	[simem:s6], [sflag:s4] =	dma.local [hbm:s3], $0xF7A  }
0x26: {  	[smem:$0x3F9D] =	sst s1;
	(tag) =	ssettag s2;
	_ =	strace s9  }
0x27: {  	s1 =	sld [smem:$0x3FAD]  }
0x28: {  	s2 =	sld [smem:$0x3FAE]  }
0x29: {  	s4 =	sld [smem:$0x3FB0]  }
0x2a: {  	p0 =	seq.s32 s5, $0x0;
	s5 =	sld [smem:$0x3FB1]  }
0x2b: {  	s6 =	sld [smem:$0x3FB2]  }
0x2c: {  	s7 =	sld [smem:$0x3FB3]  }
0x2d: {  	s3 =	simm.s32 $0x108;
	s8 =	sld [smem:$0x3FB4]  }
0x2e: {  	s3 =	simm.s32 @!p0 $0x1082;
	s9 =	sld [smem:$0x3FB5]  }
0x2f: {  	lr =	sadd.s32 s0, s3;
	s0 =	sld [smem:$0x3FAC]  }
0x30: {  	s3 =	sld [smem:$0x3FAF]  }
0x31: {  	[smem:$0x3FB8] =	sst s10  }
0x32: {  	s10 =	sld [smem:$0x3FB6];
	_ =	sdelay $0x3  }
0x33: {  	p0 =	seq.s32 s10, $0x1;
	s10 =	sld [smem:$0x3FB8];
	_ =	sdelay $0x3  }
0x34: {  	[smem:$0x3FB8] =	sst s10  }
0x35: {  	s10 =	sld [smem:$0x3FB7];
	_ =	sdelay $0x3  }
0x36: {  	p1 =	seq.s32 s10, $0x1;
	s10 =	sld [smem:$0x3FB8];
	_ =	sdelay $0x3  }
0x37: {  	[smem:$0x3FB8] =	sst s10  }
0x38: {  	s10 =	sld [smem:$0x3FB9]  }
0x39: {  	_ = 	snop;
	(pc) =	sbr.ind lr, $3  }
0x3a: {  	_ = 	snop  }
0x3b: {  	_ = 	snop  }
0x3c: {  	p2 =	seq.s32 s10, $0x1;
	s10 =	sld [smem:$0x3FB8]  }
0x3d: {  	_ =	shalt  }
0x3e: {  	_ =	shalt  }
0x3f: {  	_ =	shalt  }
0x40: {  	_ =	shalt  }
0x41: {  	_ =	shalt  }
0x42: {  	_ =	shalt  }
0x43: {  	_ =	shalt  }
0x44: {  	_ =	shalt  }
0x45: {  	_ =	shalt  }
0x46: {  	_ =	shalt  }
0x47: {  	_ =	shalt  }
0x48: {  	_ =	shalt  }
0x49: {  	_ =	shalt  }
0x4a: {  	_ =	shalt  }
0x4b: {  	_ =	shalt  }
0x4c: {  	_ =	shalt  }
0x4d: {  	_ =	shalt  }
0x4e: {  	_ =	shalt  }
0x4f: {  	_ =	shalt  }
0x50: {  	_ =	shalt  }
0x51: {  	_ =	shalt  }
0x52: {  	_ =	shalt  }
0x53: {  	_ =	shalt  }
0x54: {  	_ =	shalt  }
0x55: {  	_ =	shalt  }
0x56: {  	_ =	shalt  }
0x57: {  	_ =	shalt  }
0x58: {  	_ =	shalt  }
0x59: {  	_ =	shalt  }
0x5a: {  	_ =	shalt  }
0x5b: {  	_ =	shalt  }
0x5c: {  	_ =	shalt  }
0x5d: {  	_ =	shalt  }
0x5e: {  	_ =	shalt  }
0x5f: {  	_ =	shalt  }
0x60: {  	_ =	shalt  }
0x61: {  	_ =	shalt  }
0x62: {  	_ =	shalt  }
0x63: {  	_ =	shalt  }
0x64: {  	_ =	shalt  }
0x65: {  	_ =	shalt  }
0x66: {  	_ =	shalt  }
0x67: {  	_ =	shalt  }
0x68: {  	_ =	shalt  }
0x69: {  	_ =	shalt  }
0x6a: {  	_ =	shalt  }
0x6b: {  	_ =	shalt  }
0x6c: {  	_ =	shalt  }
0x6d: {  	_ =	shalt  }
0x6e: {  	_ =	shalt  }
0x6f: {  	_ =	shalt  }
0x70: {  	_ =	shalt  }
0x71: {  	_ =	shalt  }
0x72: {  	_ =	shalt  }
0x73: {  	_ =	shalt  }
0x74: {  	_ =	shalt  }
0x75: {  	_ =	shalt  }
0x76: {  	_ =	shalt  }
0x77: {  	_ =	shalt  }
0x78: {  	_ =	shalt  }
0x79: {  	_ =	shalt  }
0x7a: {  	_ =	shalt  }
0x7b: {  	_ =	shalt  }
0x7c: {  	_ =	shalt  }
0x7d: {  	_ =	shalt  }
0x7e: {  	_ =	shalt  }
0x7f: {  	_ =	shalt  }
0x80: {  	_ =	shalt  }
0x81: {  	_ =	shalt  }
0x82: {  	_ =	shalt  }
0x83: {  	_ =	shalt  }
0x84: {  	_ =	shalt  }
0x85: {  	_ =	shalt  }
0x86: {  	_ =	shalt  }
0x87: {  	_ =	shalt  }
.Lfunc_end0:
.L_simem_size_0:
called_computation_lowered:
.L_overlay_start_0:
0x88: {  	s2 =	sld [smem:$0x3FD9]  }
0x89: {  	s3 =	sld [smem:$0x3FFE];
	_ =	sdelay $0x1  }
0x8a: {  	s1 =	srdreg.scid  }
0x8b: {  	s0 =	sand.u32 $0x1, s1  }
0x8c: {  	s17 =	sshll.u32 s0, $0xA;
	s2 =	sadd.s32 s3, s2  }
0x8d: {  	s2 =	sadd.s32 s2, s17  }
0x8e: {  	[smem:$0x3FC4] =	sst s2  }
0x8f: {  	_ = 	snop  }
0x90: {  	s2 =	sld [smem:$0x3FC9]  }
0x91: {  	s18 =	sld [smem:$0x3FC8]  }
0x92: {  	s4 =	sld [smem:$0x3FC6]  }
0x93: {  	s5 =	sld [smem:$0x3FD0];
	(tm) =	ssettm $0x1  }
0x94: {  	s6 =	sld [smem:$0x3FFB];
	_ =	sdelay $0x3  }
0x95: {  	_ =	strace s6  }
0x96: {  	s6 =	sld [smem:$0x3FFC];
	_ =	sdelay $0x3  }
0x97: {  	_ =	strace s6  }
0x98: {  	s6 =	sld [smem:$0x3FFD];
	_ =	sdelay $0x3  }
0x99: {  	_ =	strace s6  }
0x9a: {  	_ =	strace $0x8FFFFFFF  }
0x9b: {  	s19 =	sld [smem:$0x3FDB];
	_ =	sdelay $0x1  }
0x9c: {  	s7 =	simm.s32 $_scs_section_size  }
0x9d: {  	s8 =	simm.s32 $_size__tile_overlayer_lowered;
	s9 =	simm.s32 $_tile_overlayer_lowered  }
0x9e: {  	s22 =	simm.s32 $0x1BFF;
	s21 =	sshll.u32 s9, $0x1;
	s6 =	sadd.s32 s7, s19  }
0x9f: {  	s10 =	simm.s32 $0x0;
	s20 =	sshll.u32 s8, $0x1;
	s8 =	sadd.s32 s21, s6  }
0xa0: {  	[timem:s10], [sflag:s22] =	dma.local [hbm:s8], s20  }
0xa1: {  	_ =	swait.ge [sflag:s22], s20  }
0xa2: {  	s7 =	ssub.s32 $0x0, s20;
	[sflag:s22] =	ssyncset.done $0x0  }
0xa3: {  	[sflag:s22] =	ssyncadd.s32 s7;
	_ =	sdelay $0x1  }
0xa4: {  	s23 =	simm.s32 $0x1B8B  }
0xa5: {  	_ =	swait.ge [sflag:s23], $0x1  }
0xa6: {  	[sflag:s23] =	ssyncset.done $0x0  }
0xa7: {  	s25 =	simm.s32 $0x1B8E;
	s24 =	sld [smem:$0x3FFE];
	[sflag:s23] =	ssyncadd.s32 $0xFFFFFFFF  }
0xa8: {  	s26 =	simm.s32 $execute0_lowered;
	[smem:$0x3FD2] =	sst s25  }
0xa9: {  	s8 =	sshll.u32 s26, $0x1;
	_ =	strace $0x80000046;
	[dreg:$0x1] =	wrdreg $0xFFFFFFFF  }
0xaa: {  	s28 =	simm.s32 $_size_execute0_lowered;
	s6 =	sadd.s32 s6, s8;
	[dreg:$0x0] =	wrdreg $0x0  }
0xab: {  	s8 =	sshll.u32 s28, $0x1;
	[dreg:$0x2] =	wrdreg s6  }
0xac: {  	[dreg:$0x3] =	wrdreg s8  }
0xad: {  	[dreg:$0x4] =	wrdreg $0xC0  }
0xae: {  	_ =	task [dreg:s10], $0x5FFFF  }
0xaf: {  	[dreg:$0x1] =	wrdreg $0xFFFFFFFF  }
0xb0: {  	[dreg:$0x0] =	wrdreg $0x60  }
0xb1: {  	[dreg:$0x2] =	wrdreg s2  }
0xb2: {  	[dreg:$0x3] =	wrdreg s18  }
0xb3: {  	[dreg:$0x4] =	wrdreg s24  }
0xb4: {  	[dreg:$0x5] =	wrdreg s4  }
0xb5: {  	[dreg:$0x6] =	wrdreg s5  }
0xb6: {  	[dreg:$0x7] =	wrdreg $0x9  }
0xb7: {  	_ =	task.clear_ibuf [dreg:s10], $0x8FFFF;
	_ =	strace $0x90000046  }
0xb8: {  	s29 =	simm.s32 $0x9;
	_ =	strace $0x80000048  }
0xb9: {  	_ =	swait.ge [sflag:s29], $0x1  }
0xba: {  	[sflag:s29] =	ssyncadd.s32 $0xFFFFFFFF  }
0xbb: {  	_ =	strace $0x90000048  }
0xbc: {  	_ =	sfence  }
0xbd: {  	s30 =	sld [smem:$0x0];
	_ =	sdelay $0x2  }
0xbe: {  	s31 =	sshll.u32 s1, $0xD;
	s1 =	sshrl.u32 s1, $0x2  }
0xbf: {  	s3 =	sand.u32 $0x4000, s31;
	s1 =	sadd.s32 s1, s30  }
0xc0: {  	s0 =	sor.u32 s3, s0;
	s1 =	sshll.u32 s1, $0x11  }
0xc1: {  	s0 =	sor.u32 s1, s0  }
0xc2: {  	s0 =	sadd.s32 $0x8F2B, s0  }
0xc3: {  	[sflag:s0] =	ssyncadd.remote.s32 $0x1  }
0xc4: {  	_ =	sfence.sel $0xFFFF  }
0xc5: {  	[dreg:$0x0] =	wrdreg $0xFFFFFFFF;
	(pc) =	sbr.abs _section_cstart, $3  }
0xc6: {  	[dreg:$0x1] =	wrdreg $0xFFFFFFFF  }
0xc7: {  	_ =	task.clear_ibuf [dreg:s10], $0x2FFFF;
	_ =	strace $0x9FFFFFFF  }
0xc8: {  	(tm) =	ssettm $0x7FFFFFFF  }
0xc9: {  	_ =	shalt  }
tec
execute0_lowered:
.L_overlay_start_1:
0x0: {  	(tag) =	ssettag $0x1  }
0x1: {  	s0 =	rddreg [dreg:$0x0]  }
0x2: {  	s1 =	rddreg [dreg:$0x1]  }
0x3: {  	s5 =	rddreg [dreg:$0x2]  }
0x4: {  	s2 =	rddreg [dreg:$0x3]  }
0x5: {  	s3 =	rddreg [dreg:$0x4]  }
0x6: {  	s8 =	stileid.u32;
	s4 =	srdreg.scid;
	s9 =	simm.s32 $0xD  }
0x7: {  	s12 =	simm.s32 $0x80;
	s13 =	simm.s32 $0x3E80;
	s14 =	simm.s32 $0x7E80  }
0x8: {  	s16 =	simm.s32 $0xBE80;
	s18 =	simm.s32 $0xFE80;
	s20 =	simm.s32 $0x13E80  }
0x9: {  	s21 =	simm.s32 $0x1;
	s22 =	simm.s32 $0x17E80;
	s23 =	simm.s32 $0x2  }
0xa: {  	s28 =	simm.s32 $0x4;
	s29 =	simm.s32 $0x5;
	s30 =	simm.s32 $0x6  }
0xb: {  	s6 =	sshrl.u32 s8, $0x1;
	s7 =	sand.u32 $0x1, s4;
	s8 =	sshll.u32 s8, $0x1  }
0xc: {  	s11 =	simm.s32 $0xB;
	s15 =	simm.s32 $0xC;
	s8 =	sor.u32 s7, s8  }
0xd: {  	s17 =	simm.s32 $0x0;
	s4 =	simm.s32 $0x0;
	s8 =	smul.u32 $0x320, s8  }
0xe: {  	s6 =	smul.u32 $0x190, s6;
	[smem:$0x7FF] =	sst s4;
	s7 =	ssub.s32 $0x2, s7  }
0xf: {  	_ =	strace $0x80000047;
	s24 =	sshrl.u32 s7, $0x1;
	s0 =	sadd.s32 s0, s8  }
0x10: {  	s5 =	sadd.s32 s6, s5;
	s25 =	sadd.s32 s1, s8;
	[dreg:$0x6] =	wrdreg s0  }
0x11: {  	s6 =	ssub.s32 s7, s24;
	s26 =	sadd.s32 $0x400, s5;
	[dreg:$0x7] =	wrdreg s25  }
0x12: {  	s24 =	simm.s32 $0x7;
	s31 =	smax.u32 s6, $0x1;
	[dreg:$0x8] =	wrdreg s26  }
0x13: {  	[dreg:$0x9] =	wrdreg s31;
	s25 =	simm.s32 $0x3;
	s26 =	simm.s32 $0x8  }
.LBB2_1:
0x14: {  	s0 =	rddreg [dreg:$0x6]  }
0x15: {  	[tilespmem:s4], [sflag:$0xD] =	stream.linear.gather [hbm4b:s0+s4], $0x1900, $0x38;
	[tilespmem:$0x1BE80] =	vst v63  }
0x16: {  	_ =	swait.ge [sflag:s9], $0x1900  }
0x17: {  	[sflag:s9] =	ssyncset.done $0x0  }
0x18: {  	s1 =	simm.s32 $0x1900;
	s6 =	rddreg [dreg:$0x7];
	[sflag:s9] =	ssyncadd.s32 $0xFFFFE700  }
0x19: {  	[tilespmem:s1], [sflag:$0xD] =	stream.linear.gather [hbm4b:s6+s4], $0x1900, $0x38;
	[tilespmem:$0x1BE80] =	vst v63  }
0x1a: {  	_ =	swait.ge [sflag:s9], $0x1900  }
0x1b: {  	[sflag:s9] =	ssyncset.done $0x0  }
0x1c: {  	s8 =	simm.s32 $0x3200;
	s7 =	rddreg [dreg:$0x8];
	[sflag:s9] =	ssyncadd.s32 $0xFFFFE700  }
0x1d: {  	[tilespmem:s8], [sflag:$0xD] =	stream.linear.gather [hbm4b:s7+s4], $0xC80, $0x38;
	[tilespmem:$0x1BE80] =	vst v63  }
0x1e: {  	_ =	swait.ge [sflag:s9], $0xC80  }
0x1f: {  	[sflag:s9] =	ssyncset.done $0x0  }
0x20: {  	[sflag:s9] =	ssyncadd.s32 $0xFFFFF380  }
0x21: {  	[tilespmem:s13], [sflag:$0x1] =	stream.indirect.gather [hbm4b:s2+s12], $0x80, s4, s12, $0xb8;
	[tilespmem:$0x1BE80] =	vst v63  }
0x22: {  	_ = 	snop  }
0x23: {  	[tilespmem:s14], [sflag:$0x2] =	stream.indirect.gather [hbm4b:s2+s12], $0x80, s12, s12, $0xb8;
	[tilespmem:$0x1BE80] =	vst v63  }
0x24: {  	s10 =	simm.s32 $0x100  }
0x25: {  	[tilespmem:s16], [sflag:$0x3] =	stream.indirect.gather [hbm4b:s2+s12], $0x80, s10, s12, $0xb8;
	[tilespmem:$0x1BE80] =	vst v63  }
0x26: {  	s19 =	simm.s32 $0x180  }
0x27: {  	[tilespmem:s18], [sflag:$0x4] =	stream.indirect.gather [hbm4b:s2+s12], $0x80, s19, s12, $0xb8;
	[tilespmem:$0x1BE80] =	vst v63  }
0x28: {  	s31 =	simm.s32 $0x200;
	s19 =	simm.s32 $0x0  }
0x29: {  	[tilespmem:s20], [sflag:$0x5] =	stream.indirect.gather [hbm4b:s2+s12], $0x80, s31, s12, $0xb8;
	[tilespmem:$0x1BE80] =	vst v63  }
.LBB2_2:
0x2a: {  	s5 =	smul.u32 $0x6, s19;
	_ =	swait.ge [sflag:s21], $0x4000  }
0x2b: {  	p0 =	seq.s32 s19, $0x0;
	[sflag:s21] =	ssyncset.done $0x0  }
0x2c: {  	s0 =	simm.s32 @!p0 $0xC;
	[sflag:s21] =	ssyncadd.s32 $0xFFFFC000;
	s31 =	sadd.s32 $0x5, s5  }
0x2d: {  	s10 =	smul.u32 $0x600, s19;
	_ =	swait.ge @!p0 [sflag:s0], $0x4000;
	s1 =	sshll.u32 s31, $0x7  }
0x2e: {  	[sflag:s0] =	ssyncset.done @!p0 $0x0;
	s1 =	sand.u32 $0x3F00, s1  }
0x2f: {  	s6 =	sshra.s32 s10, $0x2;
	[sflag:s0] =	ssyncadd.s32 @!p0 $0xFFFFC000;
	s8 =	sor.u32 $0x80, s1  }
0x30: {  	[tilespmem:s22], [sflag:$0x6] =	stream.indirect.gather [hbm4b:s2+s12], $0x80, s8, s12, $0xb8;
	[tilespmem:$0x1BE80] =	vst v63  }
0x31: {  	v1 =	vld [tilespmem:s6+$0x3200]  }
0x32: {  	v0 =	vld [tilespmem:s6+$0x3210]  }
0x33: {  	v2 =	vld [tilespmem:s6+$0x3220]  }
0x34: {  	v3 =	vld [tilespmem:s6+$0x3230]  }
0x35: {  	v4 =	vld [tilespmem:s6+$0x3270]  }
0x36: {  	v5 =	vld [tilespmem:s6+$0x3260]  }
0x37: {  	v6 =	vld [tilespmem:s6+$0x3250]  }
0x38: {  	s7 =	simm.s32 $0x3E80;
	v7 =	vld [tilespmem:s6+$0x3240]  }
0x39: {  	[tilespmem:s7+$0x0] =	vst.add.f32.msk $0xffff, v1  }
0x3a: {  	[tilespmem:s7+$0xF0] =	vst.add.f32.msk $0xffff, v4  }
0x3b: {  	[tilespmem:s7+$0xE0] =	vst.add.f32.msk $0xffff, v5  }
0x3c: {  	[tilespmem:s7+$0xD0] =	vst.add.f32.msk $0xffff, v6  }
0x3d: {  	[tilespmem:s7+$0xC0] =	vst.add.f32.msk $0xffff, v7  }
0x3e: {  	[tilespmem:s7+$0xB0] =	vst.add.f32.msk $0xffff, v3  }
0x3f: {  	[tilespmem:s7+$0xA0] =	vst.add.f32.msk $0xffff, v2  }
0x40: {  	[tilespmem:s7+$0x90] =	vst.add.f32.msk $0xffff, v0  }
0x41: {  	[tilespmem:s7+$0x80] =	vst.add.f32.msk $0xffff, v1  }
0x42: {  	[tilespmem:s7+$0x70] =	vst.add.f32.msk $0xffff, v4  }
0x43: {  	[tilespmem:s7+$0x60] =	vst.add.f32.msk $0xffff, v5  }
0x44: {  	[tilespmem:s7+$0x50] =	vst.add.f32.msk $0xffff, v6  }
0x45: {  	[tilespmem:s7+$0x40] =	vst.add.f32.msk $0xffff, v7  }
0x46: {  	[tilespmem:s7+$0x30] =	vst.add.f32.msk $0xffff, v3  }
0x47: {  	s0 =	simm.s32 $0x0;
	[tilespmem:s7+$0x20] =	vst.add.f32.msk $0xffff, v2  }
.LBB2_3:
0x48: {  	s0 =	sadd.s32 $0x2, s0;
	[tilespmem:s7+$0x10] =	vst.add.f32.msk $0xffff, v0;
	s7 =	sadd.s32 $0x100, s7  }
0x49: {  	[tilespmem:s7+$0x0] =	vst.add.f32.msk $0xffff, v1;
	p0 =	slt.u32 s0, $0x7E  }
0x4a: {  	[tilespmem:s7+$0xF0] =	vst.add.f32.msk $0xffff, v4  }
0x4b: {  	[tilespmem:s7+$0xE0] =	vst.add.f32.msk $0xffff, v5  }
0x4c: {  	[tilespmem:s7+$0xD0] =	vst.add.f32.msk $0xffff, v6  }
0x4d: {  	[tilespmem:s7+$0xC0] =	vst.add.f32.msk $0xffff, v7  }
0x4e: {  	[tilespmem:s7+$0xB0] =	vst.add.f32.msk $0xffff, v3  }
0x4f: {  	[tilespmem:s7+$0xA0] =	vst.add.f32.msk $0xffff, v2  }
0x50: {  	[tilespmem:s7+$0x90] =	vst.add.f32.msk $0xffff, v0  }
0x51: {  	[tilespmem:s7+$0x80] =	vst.add.f32.msk $0xffff, v1  }
0x52: {  	[tilespmem:s7+$0x70] =	vst.add.f32.msk $0xffff, v4  }
.Ltmp0:
0x53: {  	[tilespmem:s7+$0x60] =	vst.add.f32.msk $0xffff, v5;
	(pc) =	sbr.rel @p0 .LBB2_3-.Ltmp0, $4  }
0x54: {  	[tilespmem:s7+$0x50] =	vst.add.f32.msk $0xffff, v6  }
0x55: {  	[tilespmem:s7+$0x40] =	vst.add.f32.msk $0xffff, v7  }
0x56: {  	[tilespmem:s7+$0x30] =	vst.add.f32.msk $0xffff, v3  }
0x57: {  	[tilespmem:s7+$0x20] =	vst.add.f32.msk $0xffff, v2  }
0x58: {  	s0 =	smul.u32 $0xC00, s19;
	_ =	sdelay $0x1  }
0x59: {  	s0 =	sshra.s32 s0, $0x2  }
0x5a: {  	[tilespmem:s7+$0x10] =	vst.add.f32.msk $0xffff, v0;
	s1 =	sadd.s32 $0x1900, s0  }
0x5b: {  	[hbm4b:s3+s12] =	stream.indirect.scatter [tilespmem:s13], [sflag:$0x7], $0x80, s1, s12, $0xb8;
	[tilespmem:$0x1BE80] =	vst v63  }
0x5c: {  	_ =	swait.ge [sflag:s23], $0x4000  }
0x5d: {  	[sflag:s23] =	ssyncset.done $0x0  }
0x5e: {  	[sflag:s23] =	ssyncadd.s32 $0xFFFFC000  }
0x5f: {  	_ =	swait.ge [sflag:s24], $0x4000  }
0x60: {  	[sflag:s24] =	ssyncset.done $0x0  }
0x61: {  	s10 =	sadd.s32 $0x300, s0;
	[sflag:s24] =	ssyncadd.s32 $0xFFFFC000  }
0x62: {  	[tilespmem:s13], [sflag:$0x1] =	stream.indirect.gather [hbm4b:s2+s12], $0x80, s10, s12, $0xb8;
	[tilespmem:$0x1BE80] =	vst v63  }
0x63: {  	v1 =	vld [tilespmem:s6+$0x3200]  }
0x64: {  	v0 =	vld [tilespmem:s6+$0x3210]  }
0x65: {  	v2 =	vld [tilespmem:s6+$0x3220]  }
0x66: {  	v3 =	vld [tilespmem:s6+$0x3230]  }
0x67: {  	v4 =	vld [tilespmem:s6+$0x3270]  }
0x68: {  	v5 =	vld [tilespmem:s6+$0x3260]  }
0x69: {  	v6 =	vld [tilespmem:s6+$0x3250]  }
0x6a: {  	v7 =	vld [tilespmem:s6+$0x3240];
	s6 =	simm.s32 $0x7E80  }
0x6b: {  	[tilespmem:s6+$0x0] =	vst.add.f32.msk $0xffff, v1  }
0x6c: {  	[tilespmem:s6+$0xF0] =	vst.add.f32.msk $0xffff, v4  }
0x6d: {  	[tilespmem:s6+$0xE0] =	vst.add.f32.msk $0xffff, v5  }
0x6e: {  	[tilespmem:s6+$0xD0] =	vst.add.f32.msk $0xffff, v6  }
0x6f: {  	[tilespmem:s6+$0xC0] =	vst.add.f32.msk $0xffff, v7  }
0x70: {  	[tilespmem:s6+$0xB0] =	vst.add.f32.msk $0xffff, v3  }
0x71: {  	[tilespmem:s6+$0xA0] =	vst.add.f32.msk $0xffff, v2  }
0x72: {  	[tilespmem:s6+$0x90] =	vst.add.f32.msk $0xffff, v0  }
0x73: {  	[tilespmem:s6+$0x80] =	vst.add.f32.msk $0xffff, v1  }
0x74: {  	[tilespmem:s6+$0x70] =	vst.add.f32.msk $0xffff, v4  }
0x75: {  	[tilespmem:s6+$0x60] =	vst.add.f32.msk $0xffff, v5  }
0x76: {  	[tilespmem:s6+$0x50] =	vst.add.f32.msk $0xffff, v6  }
0x77: {  	[tilespmem:s6+$0x40] =	vst.add.f32.msk $0xffff, v7  }
0x78: {  	[tilespmem:s6+$0x30] =	vst.add.f32.msk $0xffff, v3  }
0x79: {  	s7 =	simm.s32 $0x0;
	[tilespmem:s6+$0x20] =	vst.add.f32.msk $0xffff, v2  }
.LBB2_5:
0x7a: {  	s7 =	sadd.s32 $0x2, s7;
	[tilespmem:s6+$0x10] =	vst.add.f32.msk $0xffff, v0;
	s6 =	sadd.s32 $0x100, s6  }
0x7b: {  	[tilespmem:s6+$0x0] =	vst.add.f32.msk $0xffff, v1;
	p0 =	slt.u32 s7, $0x7E  }
0x7c: {  	[tilespmem:s6+$0xF0] =	vst.add.f32.msk $0xffff, v4  }
0x7d: {  	[tilespmem:s6+$0xE0] =	vst.add.f32.msk $0xffff, v5  }
0x7e: {  	[tilespmem:s6+$0xD0] =	vst.add.f32.msk $0xffff, v6  }
0x7f: {  	[tilespmem:s6+$0xC0] =	vst.add.f32.msk $0xffff, v7  }
0x80: {  	[tilespmem:s6+$0xB0] =	vst.add.f32.msk $0xffff, v3  }
0x81: {  	[tilespmem:s6+$0xA0] =	vst.add.f32.msk $0xffff, v2  }
0x82: {  	[tilespmem:s6+$0x90] =	vst.add.f32.msk $0xffff, v0  }
0x83: {  	[tilespmem:s6+$0x80] =	vst.add.f32.msk $0xffff, v1  }
0x84: {  	[tilespmem:s6+$0x70] =	vst.add.f32.msk $0xffff, v4  }
.Ltmp1:
0x85: {  	[tilespmem:s6+$0x60] =	vst.add.f32.msk $0xffff, v5;
	(pc) =	sbr.rel @p0 .LBB2_5-.Ltmp1, $4  }
0x86: {  	[tilespmem:s6+$0x50] =	vst.add.f32.msk $0xffff, v6  }
0x87: {  	[tilespmem:s6+$0x40] =	vst.add.f32.msk $0xffff, v7  }
0x88: {  	[tilespmem:s6+$0x30] =	vst.add.f32.msk $0xffff, v3  }
0x89: {  	[tilespmem:s6+$0x20] =	vst.add.f32.msk $0xffff, v2  }
0x8a: {  	[tilespmem:s6+$0x10] =	vst.add.f32.msk $0xffff, v0;
	s1 =	sadd.s32 $0x1980, s0  }
0x8b: {  	[hbm4b:s3+s12] =	stream.indirect.scatter [tilespmem:s14], [sflag:$0x8], $0x80, s1, s12, $0xb8;
	[tilespmem:$0x1BE80] =	vst v63  }
0x8c: {  	_ =	swait.ge [sflag:s25], $0x4000  }
0x8d: {  	[sflag:s25] =	ssyncset.done $0x0  }
0x8e: {  	[sflag:s25] =	ssyncadd.s32 $0xFFFFC000  }
0x8f: {  	s7 =	sadd.s32 $0x2, s5;
	_ =	swait.ge [sflag:s26], $0x4000  }
0x90: {  	s10 =	sshll.u32 s7, $0x6;
	[sflag:s26] =	ssyncset.done $0x0  }
0x91: {  	s8 =	sadd.s32 $0x380, s0;
	s6 =	sand.u32 $0x3FFFFFC0, s10;
	[sflag:s26] =	ssyncadd.s32 $0xFFFFC000  }
0x92: {  	[tilespmem:s14], [sflag:$0x2] =	stream.indirect.gather [hbm4b:s2+s12], $0x80, s8, s12, $0xb8;
	[tilespmem:$0x1BE80] =	vst v63  }
0x93: {  	v1 =	vld [tilespmem:s6+$0x3200]  }
0x94: {  	v0 =	vld [tilespmem:s6+$0x3210]  }
0x95: {  	v2 =	vld [tilespmem:s6+$0x3220]  }
0x96: {  	v3 =	vld [tilespmem:s6+$0x3230]  }
0x97: {  	v4 =	vld [tilespmem:s6+$0x3270]  }
0x98: {  	v5 =	vld [tilespmem:s6+$0x3260]  }
0x99: {  	v6 =	vld [tilespmem:s6+$0x3250]  }
0x9a: {  	s8 =	simm.s32 $0xBE80;
	v7 =	vld [tilespmem:s6+$0x3240]  }
0x9b: {  	[tilespmem:s8+$0x0] =	vst.add.f32.msk $0xffff, v1  }
0x9c: {  	[tilespmem:s8+$0xF0] =	vst.add.f32.msk $0xffff, v4  }
0x9d: {  	[tilespmem:s8+$0xE0] =	vst.add.f32.msk $0xffff, v5  }
0x9e: {  	[tilespmem:s8+$0xD0] =	vst.add.f32.msk $0xffff, v6  }
0x9f: {  	[tilespmem:s8+$0xC0] =	vst.add.f32.msk $0xffff, v7  }
0xa0: {  	[tilespmem:s8+$0xB0] =	vst.add.f32.msk $0xffff, v3  }
0xa1: {  	[tilespmem:s8+$0xA0] =	vst.add.f32.msk $0xffff, v2  }
0xa2: {  	[tilespmem:s8+$0x90] =	vst.add.f32.msk $0xffff, v0  }
0xa3: {  	[tilespmem:s8+$0x80] =	vst.add.f32.msk $0xffff, v1  }
0xa4: {  	[tilespmem:s8+$0x70] =	vst.add.f32.msk $0xffff, v4  }
0xa5: {  	[tilespmem:s8+$0x60] =	vst.add.f32.msk $0xffff, v5  }
0xa6: {  	[tilespmem:s8+$0x50] =	vst.add.f32.msk $0xffff, v6  }
0xa7: {  	[tilespmem:s8+$0x40] =	vst.add.f32.msk $0xffff, v7  }
0xa8: {  	[tilespmem:s8+$0x30] =	vst.add.f32.msk $0xffff, v3  }
0xa9: {  	s1 =	simm.s32 $0x0;
	[tilespmem:s8+$0x20] =	vst.add.f32.msk $0xffff, v2  }
.LBB2_7:
0xaa: {  	s1 =	sadd.s32 $0x2, s1;
	[tilespmem:s8+$0x10] =	vst.add.f32.msk $0xffff, v0;
	s8 =	sadd.s32 $0x100, s8  }
0xab: {  	[tilespmem:s8+$0x0] =	vst.add.f32.msk $0xffff, v1;
	p0 =	slt.u32 s1, $0x7E  }
0xac: {  	[tilespmem:s8+$0xF0] =	vst.add.f32.msk $0xffff, v4  }
0xad: {  	[tilespmem:s8+$0xE0] =	vst.add.f32.msk $0xffff, v5  }
0xae: {  	[tilespmem:s8+$0xD0] =	vst.add.f32.msk $0xffff, v6  }
0xaf: {  	[tilespmem:s8+$0xC0] =	vst.add.f32.msk $0xffff, v7  }
0xb0: {  	[tilespmem:s8+$0xB0] =	vst.add.f32.msk $0xffff, v3  }
0xb1: {  	[tilespmem:s8+$0xA0] =	vst.add.f32.msk $0xffff, v2  }
0xb2: {  	[tilespmem:s8+$0x90] =	vst.add.f32.msk $0xffff, v0  }
0xb3: {  	[tilespmem:s8+$0x80] =	vst.add.f32.msk $0xffff, v1  }
0xb4: {  	[tilespmem:s8+$0x70] =	vst.add.f32.msk $0xffff, v4  }
.Ltmp2:
0xb5: {  	[tilespmem:s8+$0x60] =	vst.add.f32.msk $0xffff, v5;
	(pc) =	sbr.rel @p0 .LBB2_7-.Ltmp2, $4  }
0xb6: {  	[tilespmem:s8+$0x50] =	vst.add.f32.msk $0xffff, v6  }
0xb7: {  	[tilespmem:s8+$0x40] =	vst.add.f32.msk $0xffff, v7  }
0xb8: {  	[tilespmem:s8+$0x30] =	vst.add.f32.msk $0xffff, v3  }
0xb9: {  	[tilespmem:s8+$0x20] =	vst.add.f32.msk $0xffff, v2  }
0xba: {  	s1 =	sshll.u32 s7, $0x7  }
0xbb: {  	s7 =	sand.u32 $0x3FFFFF80, s1  }
0xbc: {  	[tilespmem:s8+$0x10] =	vst.add.f32.msk $0xffff, v0;
	s1 =	sadd.s32 $0x1900, s7  }
0xbd: {  	[hbm4b:s3+s12] =	stream.indirect.scatter [tilespmem:s16], [sflag:$0x9], $0x80, s1, s12, $0xb8;
	[tilespmem:$0x1BE80] =	vst v63  }
0xbe: {  	_ =	swait.ge [sflag:s28], $0x4000  }
0xbf: {  	p0 =	seq.s32 s19, $0x7;
	[sflag:s28] =	ssyncset.done $0x0  }
0xc0: {  	s1 =	simm.s32 @!p0 $0x9;
	[sflag:s28] =	ssyncadd.s32 $0xFFFFC000  }
0xc1: {  	_ =	swait.ge @!p0 [sflag:s1], $0x4000  }
0xc2: {  	s8 =	simm.s32 @!p0 $0x80;
	[sflag:s1] =	ssyncset.done @!p0 $0x0  }
0xc3: {  	s10 =	simm.s32 @!p0 $0xBE80;
	[sflag:s1] =	ssyncadd.s32 @!p0 $0xFFFFC000;
	s1 =	sadd.s32 @!p0 $0x400, s0  }
0xc4: {  	[tilespmem:s10], [sflag:$0x3] =	stream.indirect.gather @!p0 [hbm4b:s2+s8], $0x80, s1, s8, $0xb8;
	[tilespmem:$0x1BE80] =	vst v63  }
0xc5: {  	v1 =	vld [tilespmem:s6+$0x3200]  }
0xc6: {  	v0 =	vld [tilespmem:s6+$0x3210]  }
0xc7: {  	v2 =	vld [tilespmem:s6+$0x3220]  }
0xc8: {  	v3 =	vld [tilespmem:s6+$0x3230]  }
0xc9: {  	v4 =	vld [tilespmem:s6+$0x3270]  }
0xca: {  	v5 =	vld [tilespmem:s6+$0x3260]  }
0xcb: {  	v6 =	vld [tilespmem:s6+$0x3250]  }
0xcc: {  	v7 =	vld [tilespmem:s6+$0x3240];
	s6 =	simm.s32 $0xFE80  }
0xcd: {  	[tilespmem:s6+$0x0] =	vst.add.f32.msk $0xffff, v1  }
0xce: {  	[tilespmem:s6+$0xF0] =	vst.add.f32.msk $0xffff, v4  }
0xcf: {  	[tilespmem:s6+$0xE0] =	vst.add.f32.msk $0xffff, v5  }
0xd0: {  	[tilespmem:s6+$0xD0] =	vst.add.f32.msk $0xffff, v6  }
0xd1: {  	[tilespmem:s6+$0xC0] =	vst.add.f32.msk $0xffff, v7  }
0xd2: {  	[tilespmem:s6+$0xB0] =	vst.add.f32.msk $0xffff, v3  }
0xd3: {  	[tilespmem:s6+$0xA0] =	vst.add.f32.msk $0xffff, v2  }
0xd4: {  	[tilespmem:s6+$0x90] =	vst.add.f32.msk $0xffff, v0  }
0xd5: {  	[tilespmem:s6+$0x80] =	vst.add.f32.msk $0xffff, v1  }
0xd6: {  	[tilespmem:s6+$0x70] =	vst.add.f32.msk $0xffff, v4  }
0xd7: {  	[tilespmem:s6+$0x60] =	vst.add.f32.msk $0xffff, v5  }
0xd8: {  	[tilespmem:s6+$0x50] =	vst.add.f32.msk $0xffff, v6  }
0xd9: {  	[tilespmem:s6+$0x40] =	vst.add.f32.msk $0xffff, v7  }
0xda: {  	[tilespmem:s6+$0x30] =	vst.add.f32.msk $0xffff, v3  }
0xdb: {  	s1 =	simm.s32 $0x0;
	[tilespmem:s6+$0x20] =	vst.add.f32.msk $0xffff, v2  }
.LBB2_9:
0xdc: {  	s1 =	sadd.s32 $0x2, s1;
	[tilespmem:s6+$0x10] =	vst.add.f32.msk $0xffff, v0;
	s6 =	sadd.s32 $0x100, s6  }
0xdd: {  	[tilespmem:s6+$0x0] =	vst.add.f32.msk $0xffff, v1;
	p1 =	slt.u32 s1, $0x7E  }
0xde: {  	[tilespmem:s6+$0xF0] =	vst.add.f32.msk $0xffff, v4  }
0xdf: {  	[tilespmem:s6+$0xE0] =	vst.add.f32.msk $0xffff, v5  }
0xe0: {  	[tilespmem:s6+$0xD0] =	vst.add.f32.msk $0xffff, v6  }
0xe1: {  	[tilespmem:s6+$0xC0] =	vst.add.f32.msk $0xffff, v7  }
0xe2: {  	[tilespmem:s6+$0xB0] =	vst.add.f32.msk $0xffff, v3  }
0xe3: {  	[tilespmem:s6+$0xA0] =	vst.add.f32.msk $0xffff, v2  }
0xe4: {  	[tilespmem:s6+$0x90] =	vst.add.f32.msk $0xffff, v0  }
0xe5: {  	[tilespmem:s6+$0x80] =	vst.add.f32.msk $0xffff, v1  }
0xe6: {  	[tilespmem:s6+$0x70] =	vst.add.f32.msk $0xffff, v4  }
.Ltmp3:
0xe7: {  	[tilespmem:s6+$0x60] =	vst.add.f32.msk $0xffff, v5;
	(pc) =	sbr.rel @p1 .LBB2_9-.Ltmp3, $4  }
0xe8: {  	[tilespmem:s6+$0x50] =	vst.add.f32.msk $0xffff, v6  }
0xe9: {  	[tilespmem:s6+$0x40] =	vst.add.f32.msk $0xffff, v7  }
0xea: {  	[tilespmem:s6+$0x30] =	vst.add.f32.msk $0xffff, v3  }
0xeb: {  	[tilespmem:s6+$0x20] =	vst.add.f32.msk $0xffff, v2  }
0xec: {  	[tilespmem:s6+$0x10] =	vst.add.f32.msk $0xffff, v0;
	s1 =	sadd.s32 $0x1980, s7  }
0xed: {  	[hbm4b:s3+s12] =	stream.indirect.scatter [tilespmem:s18], [sflag:$0xA], $0x80, s1, s12, $0xb8;
	[tilespmem:$0x1BE80] =	vst v63  }
0xee: {  	_ =	swait.ge [sflag:s29], $0x4000  }
0xef: {  	[sflag:s29] =	ssyncset.done $0x0  }
0xf0: {  	s1 =	simm.s32 @!p0 $0xA;
	[sflag:s29] =	ssyncadd.s32 $0xFFFFC000  }
0xf1: {  	s5 =	sadd.s32 $0x4, s5;
	_ =	swait.ge @!p0 [sflag:s1], $0x4000  }
0xf2: {  	s6 =	simm.s32 @!p0 $0x80;
	s7 =	simm.s32 @!p0 $0xFE80;
	[sflag:s1] =	ssyncset.done @!p0 $0x0  }
0xf3: {  	s10 =	sshll.u32 s5, $0x6;
	[sflag:s1] =	ssyncadd.s32 @!p0 $0xFFFFC000;
	s1 =	sadd.s32 @!p0 $0x480, s0  }
0xf4: {  	[tilespmem:s7], [sflag:$0x4] =	stream.indirect.gather @!p0 [hbm4b:s2+s6], $0x80, s1, s6, $0xb8;
	[tilespmem:$0x1BE80] =	vst v63  }
0xf5: {  	s1 =	sand.u32 $0x3FFFFFC0, s10  }
0xf6: {  	v1 =	vld [tilespmem:s1+$0x3200]  }
0xf7: {  	v0 =	vld [tilespmem:s1+$0x3210]  }
0xf8: {  	v2 =	vld [tilespmem:s1+$0x3220]  }
0xf9: {  	v3 =	vld [tilespmem:s1+$0x3230]  }
0xfa: {  	v4 =	vld [tilespmem:s1+$0x3270]  }
0xfb: {  	v5 =	vld [tilespmem:s1+$0x3260]  }
0xfc: {  	v6 =	vld [tilespmem:s1+$0x3250]  }
0xfd: {  	s6 =	simm.s32 $0x13E80;
	v7 =	vld [tilespmem:s1+$0x3240]  }
0xfe: {  	[tilespmem:s6+$0x0] =	vst.add.f32.msk $0xffff, v1  }
0xff: {  	[tilespmem:s6+$0xF0] =	vst.add.f32.msk $0xffff, v4  }
0x100: {  	[tilespmem:s6+$0xE0] =	vst.add.f32.msk $0xffff, v5  }
0x101: {  	[tilespmem:s6+$0xD0] =	vst.add.f32.msk $0xffff, v6  }
0x102: {  	[tilespmem:s6+$0xC0] =	vst.add.f32.msk $0xffff, v7  }
0x103: {  	[tilespmem:s6+$0xB0] =	vst.add.f32.msk $0xffff, v3  }
0x104: {  	[tilespmem:s6+$0xA0] =	vst.add.f32.msk $0xffff, v2  }
0x105: {  	[tilespmem:s6+$0x90] =	vst.add.f32.msk $0xffff, v0  }
0x106: {  	[tilespmem:s6+$0x80] =	vst.add.f32.msk $0xffff, v1  }
0x107: {  	[tilespmem:s6+$0x70] =	vst.add.f32.msk $0xffff, v4  }
0x108: {  	[tilespmem:s6+$0x60] =	vst.add.f32.msk $0xffff, v5  }
0x109: {  	[tilespmem:s6+$0x50] =	vst.add.f32.msk $0xffff, v6  }
0x10a: {  	[tilespmem:s6+$0x40] =	vst.add.f32.msk $0xffff, v7  }
0x10b: {  	[tilespmem:s6+$0x30] =	vst.add.f32.msk $0xffff, v3  }
0x10c: {  	s1 =	simm.s32 $0x0;
	[tilespmem:s6+$0x20] =	vst.add.f32.msk $0xffff, v2  }
.LBB2_11:
0x10d: {  	s1 =	sadd.s32 $0x2, s1;
	[tilespmem:s6+$0x10] =	vst.add.f32.msk $0xffff, v0;
	s6 =	sadd.s32 $0x100, s6  }
0x10e: {  	[tilespmem:s6+$0x0] =	vst.add.f32.msk $0xffff, v1;
	p1 =	slt.u32 s1, $0x7E  }
0x10f: {  	[tilespmem:s6+$0xF0] =	vst.add.f32.msk $0xffff, v4  }
0x110: {  	[tilespmem:s6+$0xE0] =	vst.add.f32.msk $0xffff, v5  }
0x111: {  	[tilespmem:s6+$0xD0] =	vst.add.f32.msk $0xffff, v6  }
0x112: {  	[tilespmem:s6+$0xC0] =	vst.add.f32.msk $0xffff, v7  }
0x113: {  	[tilespmem:s6+$0xB0] =	vst.add.f32.msk $0xffff, v3  }
0x114: {  	[tilespmem:s6+$0xA0] =	vst.add.f32.msk $0xffff, v2  }
0x115: {  	[tilespmem:s6+$0x90] =	vst.add.f32.msk $0xffff, v0  }
0x116: {  	[tilespmem:s6+$0x80] =	vst.add.f32.msk $0xffff, v1  }
0x117: {  	[tilespmem:s6+$0x70] =	vst.add.f32.msk $0xffff, v4  }
.Ltmp4:
0x118: {  	[tilespmem:s6+$0x60] =	vst.add.f32.msk $0xffff, v5;
	(pc) =	sbr.rel @p1 .LBB2_11-.Ltmp4, $4  }
0x119: {  	[tilespmem:s6+$0x50] =	vst.add.f32.msk $0xffff, v6  }
0x11a: {  	[tilespmem:s6+$0x40] =	vst.add.f32.msk $0xffff, v7  }
0x11b: {  	[tilespmem:s6+$0x30] =	vst.add.f32.msk $0xffff, v3  }
0x11c: {  	[tilespmem:s6+$0x20] =	vst.add.f32.msk $0xffff, v2  }
0x11d: {  	s1 =	sshll.u32 s5, $0x7  }
0x11e: {  	s1 =	sand.u32 $0x3FFFFF80, s1  }
0x11f: {  	[tilespmem:s6+$0x10] =	vst.add.f32.msk $0xffff, v0;
	s1 =	sadd.s32 $0x1900, s1  }
0x120: {  	[hbm4b:s3+s12] =	stream.indirect.scatter [tilespmem:s20], [sflag:$0xB], $0x80, s1, s12, $0xb8;
	[tilespmem:$0x1BE80] =	vst v63  }
0x121: {  	_ =	swait.ge [sflag:s30], $0x4000  }
0x122: {  	[sflag:s30] =	ssyncset.done $0x0  }
0x123: {  	s1 =	simm.s32 @!p0 $0xB;
	[sflag:s30] =	ssyncadd.s32 $0xFFFFC000  }
0x124: {  	_ =	swait.ge @!p0 [sflag:s1], $0x4000  }
0x125: {  	s0 =	sadd.s32 @!p0 $0x500, s0;
	s5 =	simm.s32 @!p0 $0x13E80;
	[sflag:s1] =	ssyncset.done @!p0 $0x0  }
0x126: {  	s10 =	sshll.u32 s31, $0x6;
	[sflag:s1] =	ssyncadd.s32 @!p0 $0xFFFFC000;
	s1 =	simm.s32 @!p0 $0x80  }
0x127: {  	[tilespmem:s5], [sflag:$0x5] =	stream.indirect.gather @!p0 [hbm4b:s2+s1], $0x80, s0, s1, $0xb8;
	[tilespmem:$0x1BE80] =	vst v63  }
0x128: {  	s0 =	sand.u32 $0x3FFFFF80, s10  }
0x129: {  	v1 =	vld [tilespmem:s0+$0x3200]  }
0x12a: {  	v0 =	vld [tilespmem:s0+$0x3210]  }
0x12b: {  	v2 =	vld [tilespmem:s0+$0x3220]  }
0x12c: {  	v3 =	vld [tilespmem:s0+$0x3230]  }
0x12d: {  	v4 =	vld [tilespmem:s0+$0x3270]  }
0x12e: {  	v5 =	vld [tilespmem:s0+$0x3260]  }
0x12f: {  	v6 =	vld [tilespmem:s0+$0x3250]  }
0x130: {  	v7 =	vld [tilespmem:s0+$0x3240];
	s0 =	simm.s32 $0x17E80  }
0x131: {  	[tilespmem:s0+$0x0] =	vst.add.f32.msk $0xffff, v1  }
0x132: {  	[tilespmem:s0+$0xF0] =	vst.add.f32.msk $0xffff, v4  }
0x133: {  	[tilespmem:s0+$0xE0] =	vst.add.f32.msk $0xffff, v5  }
0x134: {  	[tilespmem:s0+$0xD0] =	vst.add.f32.msk $0xffff, v6  }
0x135: {  	[tilespmem:s0+$0xC0] =	vst.add.f32.msk $0xffff, v7  }
0x136: {  	[tilespmem:s0+$0xB0] =	vst.add.f32.msk $0xffff, v3  }
0x137: {  	[tilespmem:s0+$0xA0] =	vst.add.f32.msk $0xffff, v2  }
0x138: {  	[tilespmem:s0+$0x90] =	vst.add.f32.msk $0xffff, v0  }
0x139: {  	[tilespmem:s0+$0x80] =	vst.add.f32.msk $0xffff, v1  }
0x13a: {  	[tilespmem:s0+$0x70] =	vst.add.f32.msk $0xffff, v4  }
0x13b: {  	[tilespmem:s0+$0x60] =	vst.add.f32.msk $0xffff, v5  }
0x13c: {  	[tilespmem:s0+$0x50] =	vst.add.f32.msk $0xffff, v6  }
0x13d: {  	[tilespmem:s0+$0x40] =	vst.add.f32.msk $0xffff, v7  }
0x13e: {  	[tilespmem:s0+$0x30] =	vst.add.f32.msk $0xffff, v3  }
0x13f: {  	s5 =	sshrl.u32 s31, $0x1;
	s1 =	simm.s32 $0x0;
	[tilespmem:s0+$0x20] =	vst.add.f32.msk $0xffff, v2  }
.LBB2_13:
0x140: {  	s1 =	sadd.s32 $0x2, s1;
	[tilespmem:s0+$0x10] =	vst.add.f32.msk $0xffff, v0;
	s0 =	sadd.s32 $0x100, s0  }
0x141: {  	[tilespmem:s0+$0x0] =	vst.add.f32.msk $0xffff, v1;
	p0 =	slt.u32 s1, $0x7E  }
0x142: {  	[tilespmem:s0+$0xF0] =	vst.add.f32.msk $0xffff, v4  }
0x143: {  	[tilespmem:s0+$0xE0] =	vst.add.f32.msk $0xffff, v5  }
0x144: {  	[tilespmem:s0+$0xD0] =	vst.add.f32.msk $0xffff, v6  }
0x145: {  	[tilespmem:s0+$0xC0] =	vst.add.f32.msk $0xffff, v7  }
0x146: {  	[tilespmem:s0+$0xB0] =	vst.add.f32.msk $0xffff, v3  }
0x147: {  	[tilespmem:s0+$0xA0] =	vst.add.f32.msk $0xffff, v2  }
0x148: {  	[tilespmem:s0+$0x90] =	vst.add.f32.msk $0xffff, v0  }
0x149: {  	[tilespmem:s0+$0x80] =	vst.add.f32.msk $0xffff, v1  }
0x14a: {  	[tilespmem:s0+$0x70] =	vst.add.f32.msk $0xffff, v4  }
.Ltmp5:
0x14b: {  	[tilespmem:s0+$0x60] =	vst.add.f32.msk $0xffff, v5;
	(pc) =	sbr.rel @p0 .LBB2_13-.Ltmp5, $4  }
0x14c: {  	[tilespmem:s0+$0x50] =	vst.add.f32.msk $0xffff, v6  }
0x14d: {  	[tilespmem:s0+$0x40] =	vst.add.f32.msk $0xffff, v7  }
0x14e: {  	[tilespmem:s0+$0x30] =	vst.add.f32.msk $0xffff, v3  }
0x14f: {  	[tilespmem:s0+$0x20] =	vst.add.f32.msk $0xffff, v2  }
0x150: {  	s19 =	sadd.s32 $0x1, s19  }
0x151: {  	p0 =	sne.s32 s19, $0x8  }
.Ltmp6:
0x152: {  	_ = 	snop;
	(pc) =	sbr.rel @p0 .LBB2_2-.Ltmp6, $4  }
0x153: {  	s1 =	sshll.u32 s5, $0x8  }
0x154: {  	s1 =	sand.u32 $0x3FFFFF00, s1  }
0x155: {  	[tilespmem:s0+$0x10] =	vst.add.f32.msk $0xffff, v0;
	s31 =	sadd.s32 $0x1980, s1  }
0x156: {  	[hbm4b:s3+s12] =	stream.indirect.scatter [tilespmem:s22], [sflag:$0xC], $0x80, s31, s12, $0xb8;
	[tilespmem:$0x1BE80] =	vst v63  }
0x157: {  	_ =	swait.ge [sflag:s21], $0x4000  }
0x158: {  	[sflag:s21] =	ssyncset.done $0x0  }
0x159: {  	[sflag:s21] =	ssyncadd.s32 $0xFFFFC000  }
0x15a: {  	v1 =	vld [tilespmem:$0x3E00]  }
0x15b: {  	v0 =	vld [tilespmem:$0x3E10]  }
0x15c: {  	v2 =	vld [tilespmem:$0x3E20]  }
0x15d: {  	v3 =	vld [tilespmem:$0x3E30]  }
0x15e: {  	v4 =	vld [tilespmem:$0x3E70]  }
0x15f: {  	v5 =	vld [tilespmem:$0x3E60]  }
0x160: {  	v6 =	vld [tilespmem:$0x3E50]  }
0x161: {  	s0 =	simm.s32 $0x3E80;
	v7 =	vld [tilespmem:$0x3E40]  }
0x162: {  	[tilespmem:s0+$0x0] =	vst.add.f32.msk $0xffff, v1  }
0x163: {  	[tilespmem:s0+$0xF0] =	vst.add.f32.msk $0xffff, v4  }
0x164: {  	[tilespmem:s0+$0xE0] =	vst.add.f32.msk $0xffff, v5  }
0x165: {  	[tilespmem:s0+$0xD0] =	vst.add.f32.msk $0xffff, v6  }
0x166: {  	[tilespmem:s0+$0xC0] =	vst.add.f32.msk $0xffff, v7  }
0x167: {  	[tilespmem:s0+$0xB0] =	vst.add.f32.msk $0xffff, v3  }
0x168: {  	[tilespmem:s0+$0xA0] =	vst.add.f32.msk $0xffff, v2  }
0x169: {  	[tilespmem:s0+$0x90] =	vst.add.f32.msk $0xffff, v0  }
0x16a: {  	[tilespmem:s0+$0x80] =	vst.add.f32.msk $0xffff, v1  }
0x16b: {  	[tilespmem:s0+$0x70] =	vst.add.f32.msk $0xffff, v4  }
0x16c: {  	[tilespmem:s0+$0x60] =	vst.add.f32.msk $0xffff, v5  }
0x16d: {  	[tilespmem:s0+$0x50] =	vst.add.f32.msk $0xffff, v6  }
0x16e: {  	[tilespmem:s0+$0x40] =	vst.add.f32.msk $0xffff, v7  }
0x16f: {  	[tilespmem:s0+$0x30] =	vst.add.f32.msk $0xffff, v3  }
0x170: {  	s1 =	simm.s32 $0x0;
	[tilespmem:s0+$0x20] =	vst.add.f32.msk $0xffff, v2  }
.LBB2_16:
0x171: {  	s1 =	sadd.s32 $0x2, s1;
	[tilespmem:s0+$0x10] =	vst.add.f32.msk $0xffff, v0;
	s0 =	sadd.s32 $0x100, s0  }
0x172: {  	[tilespmem:s0+$0x0] =	vst.add.f32.msk $0xffff, v1;
	p0 =	slt.u32 s1, $0x7E  }
0x173: {  	[tilespmem:s0+$0xF0] =	vst.add.f32.msk $0xffff, v4  }
0x174: {  	[tilespmem:s0+$0xE0] =	vst.add.f32.msk $0xffff, v5  }
0x175: {  	[tilespmem:s0+$0xD0] =	vst.add.f32.msk $0xffff, v6  }
0x176: {  	[tilespmem:s0+$0xC0] =	vst.add.f32.msk $0xffff, v7  }
0x177: {  	[tilespmem:s0+$0xB0] =	vst.add.f32.msk $0xffff, v3  }
0x178: {  	[tilespmem:s0+$0xA0] =	vst.add.f32.msk $0xffff, v2  }
0x179: {  	[tilespmem:s0+$0x90] =	vst.add.f32.msk $0xffff, v0  }
0x17a: {  	[tilespmem:s0+$0x80] =	vst.add.f32.msk $0xffff, v1  }
0x17b: {  	[tilespmem:s0+$0x70] =	vst.add.f32.msk $0xffff, v4  }
.Ltmp7:
0x17c: {  	[tilespmem:s0+$0x60] =	vst.add.f32.msk $0xffff, v5;
	(pc) =	sbr.rel @p0 .LBB2_16-.Ltmp7, $4  }
0x17d: {  	[tilespmem:s0+$0x50] =	vst.add.f32.msk $0xffff, v6  }
0x17e: {  	[tilespmem:s0+$0x40] =	vst.add.f32.msk $0xffff, v7  }
0x17f: {  	[tilespmem:s0+$0x30] =	vst.add.f32.msk $0xffff, v3  }
0x180: {  	[tilespmem:s0+$0x20] =	vst.add.f32.msk $0xffff, v2  }
0x181: {  	[tilespmem:s0+$0x10] =	vst.add.f32.msk $0xffff, v0;
	s31 =	simm.s32 $0x3100  }
0x182: {  	[hbm4b:s3+s12] =	stream.indirect.scatter [tilespmem:s13], [sflag:$0x7], $0x80, s31, s12, $0xb8;
	[tilespmem:$0x1BE80] =	vst v63  }
0x183: {  	_ =	swait.ge [sflag:s23], $0x4000  }
0x184: {  	[sflag:s23] =	ssyncset.done $0x0  }
0x185: {  	[sflag:s23] =	ssyncadd.s32 $0xFFFFC000  }
0x186: {  	v1 =	vld [tilespmem:$0x3E00]  }
0x187: {  	v0 =	vld [tilespmem:$0x3E10]  }
0x188: {  	v2 =	vld [tilespmem:$0x3E20]  }
0x189: {  	v3 =	vld [tilespmem:$0x3E30]  }
0x18a: {  	v4 =	vld [tilespmem:$0x3E70]  }
0x18b: {  	v5 =	vld [tilespmem:$0x3E60]  }
0x18c: {  	v6 =	vld [tilespmem:$0x3E50]  }
0x18d: {  	s0 =	simm.s32 $0x7E80;
	v7 =	vld [tilespmem:$0x3E40]  }
0x18e: {  	[tilespmem:s0+$0x0] =	vst.add.f32.msk $0xffff, v1  }
0x18f: {  	[tilespmem:s0+$0xF0] =	vst.add.f32.msk $0xffff, v4  }
0x190: {  	[tilespmem:s0+$0xE0] =	vst.add.f32.msk $0xffff, v5  }
0x191: {  	[tilespmem:s0+$0xD0] =	vst.add.f32.msk $0xffff, v6  }
0x192: {  	[tilespmem:s0+$0xC0] =	vst.add.f32.msk $0xffff, v7  }
0x193: {  	[tilespmem:s0+$0xB0] =	vst.add.f32.msk $0xffff, v3  }
0x194: {  	[tilespmem:s0+$0xA0] =	vst.add.f32.msk $0xffff, v2  }
0x195: {  	[tilespmem:s0+$0x90] =	vst.add.f32.msk $0xffff, v0  }
0x196: {  	[tilespmem:s0+$0x80] =	vst.add.f32.msk $0xffff, v1  }
0x197: {  	[tilespmem:s0+$0x70] =	vst.add.f32.msk $0xffff, v4  }
0x198: {  	[tilespmem:s0+$0x60] =	vst.add.f32.msk $0xffff, v5  }
0x199: {  	[tilespmem:s0+$0x50] =	vst.add.f32.msk $0xffff, v6  }
0x19a: {  	[tilespmem:s0+$0x40] =	vst.add.f32.msk $0xffff, v7  }
0x19b: {  	[tilespmem:s0+$0x30] =	vst.add.f32.msk $0xffff, v3  }
0x19c: {  	s1 =	simm.s32 $0x0;
	[tilespmem:s0+$0x20] =	vst.add.f32.msk $0xffff, v2  }
.LBB2_18:
0x19d: {  	s1 =	sadd.s32 $0x2, s1;
	[tilespmem:s0+$0x10] =	vst.add.f32.msk $0xffff, v0;
	s0 =	sadd.s32 $0x100, s0  }
0x19e: {  	[tilespmem:s0+$0x0] =	vst.add.f32.msk $0xffff, v1;
	p0 =	slt.u32 s1, $0x7E  }
0x19f: {  	[tilespmem:s0+$0xF0] =	vst.add.f32.msk $0xffff, v4  }
0x1a0: {  	[tilespmem:s0+$0xE0] =	vst.add.f32.msk $0xffff, v5  }
0x1a1: {  	[tilespmem:s0+$0xD0] =	vst.add.f32.msk $0xffff, v6  }
0x1a2: {  	[tilespmem:s0+$0xC0] =	vst.add.f32.msk $0xffff, v7  }
0x1a3: {  	[tilespmem:s0+$0xB0] =	vst.add.f32.msk $0xffff, v3  }
0x1a4: {  	[tilespmem:s0+$0xA0] =	vst.add.f32.msk $0xffff, v2  }
0x1a5: {  	[tilespmem:s0+$0x90] =	vst.add.f32.msk $0xffff, v0  }
0x1a6: {  	[tilespmem:s0+$0x80] =	vst.add.f32.msk $0xffff, v1  }
0x1a7: {  	[tilespmem:s0+$0x70] =	vst.add.f32.msk $0xffff, v4  }
.Ltmp8:
0x1a8: {  	[tilespmem:s0+$0x60] =	vst.add.f32.msk $0xffff, v5;
	(pc) =	sbr.rel @p0 .LBB2_18-.Ltmp8, $4  }
0x1a9: {  	[tilespmem:s0+$0x50] =	vst.add.f32.msk $0xffff, v6  }
0x1aa: {  	[tilespmem:s0+$0x40] =	vst.add.f32.msk $0xffff, v7  }
0x1ab: {  	[tilespmem:s0+$0x30] =	vst.add.f32.msk $0xffff, v3  }
0x1ac: {  	[tilespmem:s0+$0x20] =	vst.add.f32.msk $0xffff, v2  }
0x1ad: {  	[tilespmem:s0+$0x10] =	vst.add.f32.msk $0xffff, v0;
	s8 =	simm.s32 $0x3180  }
0x1ae: {  	[hbm4b:s3+s12] =	stream.indirect.scatter [tilespmem:s14], [sflag:$0x8], $0x80, s8, s12, $0xb8;
	[tilespmem:$0x1BE80] =	vst v63  }
0x1af: {  	_ =	swait.ge [sflag:s24], $0x4000  }
0x1b0: {  	[sflag:s24] =	ssyncset.done $0x0  }
0x1b1: {  	[sflag:s24] =	ssyncadd.s32 $0xFFFFC000  }
0x1b2: {  	_ =	swait.ge [sflag:s26], $0x4000  }
0x1b3: {  	[sflag:s26] =	ssyncset.done $0x0  }
0x1b4: {  	s10 =	simm.s32 $0x9;
	[sflag:s26] =	ssyncadd.s32 $0xFFFFC000  }
0x1b5: {  	_ =	swait.ge [sflag:s10], $0x4000  }
0x1b6: {  	[sflag:s10] =	ssyncset.done $0x0  }
0x1b7: {  	s19 =	simm.s32 $0xA;
	[sflag:s10] =	ssyncadd.s32 $0xFFFFC000  }
0x1b8: {  	_ =	swait.ge [sflag:s19], $0x4000  }
0x1b9: {  	[sflag:s19] =	ssyncset.done $0x0  }
0x1ba: {  	[sflag:s19] =	ssyncadd.s32 $0xFFFFC000  }
0x1bb: {  	_ =	swait.ge [sflag:s11], $0x4000  }
0x1bc: {  	[sflag:s11] =	ssyncset.done $0x0  }
0x1bd: {  	[sflag:s11] =	ssyncadd.s32 $0xFFFFC000  }
0x1be: {  	_ =	swait.ge [sflag:s15], $0x4000  }
0x1bf: {  	s17 =	sadd.s32 $0x1, s17;
	s31 =	rddreg [dreg:$0x9]  }
0x1c0: {  	p0 =	sne.s32 s17, s31  }
.Ltmp9:
0x1c1: {  	_ = 	snop;
	(pc) =	sbr.rel @p0 .LBB2_1-.Ltmp9, $3  }
0x1c2: {  	_ =	sdelay $0x1  }
0x1c3: {  	[sflag:s15] =	ssyncset.done $0x0  }
0x1c4: {  	[sflag:s15] =	ssyncadd.s32 $0xFFFFC000  }
0x1c5: {  	_ =	sfence.sel $0x180000  }
0x1c6: {  	[bflag:$0x0] =	sbarrier.arrive $0xFFFF  }
0x1c7: {  	_ =	strace $0x90000047  }
0x1c8: {  	s0 =	stileid.u32;
	[bflag:$0x2] =	sbarrier.arrive $0xFFFF  }
0x1c9: {  	p0 =	sne.s32 s0, $0x0;
	s0 =	rddreg [dreg:$0x5]  }
0x1ca: {  	s0 =	sadd.s32 @!p0 $0x100000, s0  }
0x1cb: {  	[sflag:s0] =	ssyncadd.tile.s32 @!p0 $0x1;
	_ =	shalt  }
.Lfunc_end2:
_tile_overlayer_lowered:
.L_overlay_start_2:
0x1cc: {  	(tag) =	ssettag $0x2  }
0x1cd: {  	s0 =	rddreg [dreg:$0x0];
	s2 =	stileid.u32  }
0x1ce: {  	s1 =	rddreg [dreg:$0x1];
	p0 =	sne.s32 s2, $0x0  }
0x1cf: {  	s3 =	rddreg [dreg:$0x2];
	[bflag:$0x3] =	sbarrier.arrive $0xFFFF;
	s2 =	simm.s32 @!p0 $0x1C0D  }
0x1d0: {  	[timem:s3], [sflag:s2] =	dma.local @!p0 [hbm:s0], s1  }
0x1d1: {  	s0 =	simm.s32 @!p0 $0xD  }
0x1d2: {  	_ =	swait.ge @!p0 [sflag:s0], s1  }
0x1d3: {  	s1 =	ssub.s32 @!p0 $0x0, s1;
	[sflag:s0] =	ssyncset.done @!p0 $0x0  }
0x1d4: {  	[sflag:s0] =	ssyncadd.s32 @!p0 s1  }
0x1d5: {  	[bflag:$0x3] =	sbarrier.arrive $0xFFFF  }
0x1d6: {  	_ =	shalt  }

</sc_bundles>
